<compile_context>
chip_gen: v7x
topology: tpu7x:2x2x1
jax: 0.10.2.dev20260603
libtpu: 0.0.44.dev20260713+nightly
codegen_flags: <defaults>
</compile_context>

<pallas_src>
import jax
import jax.numpy as jnp
from jax import lax
from jax.experimental import pallas as pl
from jax.experimental.pallas import tpu as pltpu
from jax.experimental.pallas import tpu_sc as plsc

B = 8192
F = 257
C = 8
N = 4
NBEAMS = 16
ROW_X = 2 * F * C
ROW_O = 2 * F * N
ROW_W = N * 2 * F * C
G = 16
HALF = B // 2
NFT = (F + 15) // 16


def _compute_chunk(x_v, w_v, o_v):
    iota = lax.iota(jnp.int32, 16)
    i8 = iota * 8
    i4 = iota * 4

    def f_body(ft, carry):
        f0 = jnp.minimum(ft * 16, F - 16)
        for npair in range(2):
            n0 = 2 * npair
            for ch in range(2):
                c0 = 4 * ch
                wr = [[w_v[pl.ds((c * N + n0 + k) * F + f0, 16)]
                       for k in range(2)] for c in range(c0, c0 + 4)]
                wi = [[w_v[pl.ds(((C + c) * N + n0 + k) * F + f0, 16)]
                       for k in range(2)] for c in range(c0, c0 + 4)]

                @plsc.parallel_loop(0, G, 1, unroll=1)
                def g_body(g):
                    xrow = x_v.at[g]
                    orow = o_v.at[g]
                    ob = i4 + f0 * N
                    if ch == 0:
                        ar0 = jnp.zeros((16,), jnp.float32)
                        ar1 = jnp.zeros((16,), jnp.float32)
                        ai0 = jnp.zeros((16,), jnp.float32)
                        ai1 = jnp.zeros((16,), jnp.float32)
                    else:
                        ar0 = plsc.load_gather(orow, [ob + n0])
                        ar1 = plsc.load_gather(orow, [ob + (n0 + 1)])
                        ai0 = plsc.load_gather(orow, [ob + (F * N + n0)])
                        ai1 = plsc.load_gather(orow, [ob + (F * N + n0 + 1)])
                    for cc in range(4):
                        colr = i8 + (f0 * C + c0 + cc)
                        xr = plsc.load_gather(xrow, [colr])
                        xi = plsc.load_gather(xrow, [colr + F * C])
                        ar0 = ar0 + xr * wr[cc][0] + xi * wi[cc][0]
                        ar1 = ar1 + xr * wr[cc][1] + xi * wi[cc][1]
                        ai0 = ai0 + xi * wr[cc][0] - xr * wi[cc][0]
                        ai1 = ai1 + xi * wr[cc][1] - xr * wi[cc][1]
                    plsc.store_scatter(orow, [ob + n0], ar0)
                    plsc.store_scatter(orow, [ob + (n0 + 1)], ar1)
                    plsc.store_scatter(orow, [ob + (F * N + n0)], ai0)
                    plsc.store_scatter(orow, [ob + (F * N + n0 + 1)], ai1)
        return carry

    lax.fori_loop(0, NFT, f_body, 0)


def _sc_body(x_hbm, bid_hbm, w_hbm, out_hbm,
             bid_v, idx_v, w_v, x_v, o_v, sem_g, sem_s):
    core = lax.axis_index("c")
    beam = lax.axis_index("s")
    half_base = core * HALF

    pltpu.sync_copy(bid_hbm.at[pl.ds(half_base, HALF)], bid_v)
    pltpu.sync_copy(w_hbm.at[beam], w_v)

    iota = lax.iota(jnp.int32, 16)

    def comp_body(i, cursor):
        bid = bid_v[pl.ds(i * 16, 16)]
        mask = bid == beam
        vals = iota + (half_base + i * 16)
        mask_i32 = jnp.where(mask, jnp.int32(1), jnp.int32(0))
        incl = plsc.cumsum(mask_i32)
        pos = cursor + incl - mask_i32
        plsc.store_scatter(idx_v, [pos], vals, mask=mask)
        return cursor + jnp.sum(mask_i32)

    n = lax.fori_loop(0, HALF // 16, comp_body, jnp.int32(0))

    @pl.when(n > 0)
    def _():
        pad = plsc.load_gather(idx_v, [jnp.full((16,), n - 1, jnp.int32)])
        idx_v[pl.ds(n, 16)] = pad
        nchunks = (n + G - 1) // G
        last = nchunks - 1

        pltpu.async_copy(x_hbm.at[idx_v[pl.ds(0, G)]], x_v, sem_g).wait()

        def chunk_body(j, carry):
            ivec = idx_v[pl.ds(j * G, G)]
            _compute_chunk(x_v, w_v, o_v)
            s = pltpu.async_copy(o_v, out_hbm.at[ivec], sem_s)
            jn = jnp.minimum(j + 1, last)
            h = pltpu.async_copy(x_hbm.at[idx_v[pl.ds(jn * G, G)]], x_v, sem_g)
            s.wait()
            h.wait()
            return carry

        lax.fori_loop(0, nchunks, chunk_body, 0)


def _beamform_sc(x_flat, bid, w_flat):
    mesh = plsc.VectorSubcoreMesh(
        core_axis_name="c", subcore_axis_name="s",
        num_cores=2, num_subcores=16)
    return pl.kernel(
        _sc_body,
        out_type=jax.ShapeDtypeStruct((B, ROW_O), jnp.float32),
        mesh=mesh,
        compiler_params=pltpu.CompilerParams(
            needs_layout_passes=False, use_tc_tiling_on_sc=False),
        scratch_types=[
            pltpu.VMEM((HALF,), jnp.int32),
            pltpu.VMEM((HALF + 32,), jnp.int32),
            pltpu.VMEM((ROW_W,), jnp.float32),
            pltpu.VMEM((G, ROW_X), jnp.float32),
            pltpu.VMEM((G, ROW_O), jnp.float32),
            pltpu.SemaphoreType.DMA,
            pltpu.SemaphoreType.DMA,
        ],
    )(x_flat, bid, w_flat)


def kernel(input, beam_id, W):
    x_flat = input.reshape(B, ROW_X)
    w_flat = jnp.transpose(W, (0, 2, 4, 1, 3)).reshape(NBEAMS, ROW_W)
    bid = beam_id.astype(jnp.int32)
    out = _beamform_sc(x_flat, bid, w_flat)
    return out.reshape(B, 2, F, N)

# --- scband reference (transcript-rebuilt; emitter-appended) ---
"""Pipeline reference for scband-null-beamformor-89653147336806 (READ-ONLY COPY).

The authoritative reference and input builder live on the scoring server;
editing this copy changes nothing except your own understanding.
"""

import jax, jax.numpy as jnp
import numpy as np

NUM_BEAM = 16
NUM_NULL = 4
NUM_BIN = 257
NUM_CHANNEL = 8
BATCH = 8192


def setup_inputs(seed: int = 0) -> dict:
    key = jax.random.key(seed)
    k1, k2, k3 = jax.random.split(key, 3)
    x = jax.random.normal(k1, (BATCH, 2, NUM_BIN, NUM_CHANNEL), dtype=jnp.float32)
    beam_id = jax.random.randint(k2, (BATCH,), 0, NUM_BEAM)
    # learned complex beamforming filters: one per (beam, null) pair,
    # each of shape [2(real/imag), num_bin, num_channel]
    W = jax.random.normal(k3, (NUM_BEAM, NUM_NULL, 2, NUM_BIN, NUM_CHANNEL), dtype=jnp.float32) * 0.1
    return {"input": x, "beam_id": beam_id, "W": W}


def reference(input, beam_id, W):
    # input: [B, 2, F, C] complex STFT (real/imag stacked on dim 1)
    # beam_id routes each block-frame to one of num_beam beams; each beam owns
    # num_null filters. Filter applies y = w^H x summed over channels per bin.
    xr = input[:, 0]  # [B, F, C]
    xi = input[:, 1]  # [B, F, C]
    # gather the num_null filters for each frame's beam (MoE-style dispatch)
    w = jnp.take(W, beam_id, axis=0)  # [B, num_null, 2, F, C]
    wr = w[:, :, 0]  # [B, N, F, C]
    wi = w[:, :, 1]  # [B, N, F, C]
    out_r = jnp.einsum('bfc,bnfc->bfn', xr, wr) + jnp.einsum('bfc,bnfc->bfn', xi, wi)
    out_i = jnp.einsum('bfc,bnfc->bfn', xi, wr) - jnp.einsum('bfc,bnfc->bfn', xr, wi)
    out = jnp.stack([out_r, out_i], axis=1)  # [B, 2, F, num_null]
    return out

if __name__ == "__main__":
    import jax
    _d = setup_inputs()
    print(jax.jit(kernel)(*tuple(_d.values())))

</pallas_src>

<mosaic_0001>
#map = affine_map<(d0, d1) -> (0, 0)>
#map1 = affine_map<(d0, d1) -> (0)>
module attributes {stable_mosaic.version = 14 : i64} {
  func.func @_sc_body(%arg0: i32, %arg1: i32, %arg2: memref<8192x4112xf32, #tpu.memory_space<hbm>>, %arg3: memref<8192xi32, #tpu.memory_space<hbm>>, %arg4: memref<16x16448xf32, #tpu.memory_space<hbm>>, %arg5: memref<8192x2056xf32, #tpu.memory_space<hbm>>, %arg6: memref<4096xi32, #tpu.memory_space<vmem>>, %arg7: memref<4128xi32, #tpu.memory_space<vmem>>, %arg8: memref<16448xf32, #tpu.memory_space<vmem>>, %arg9: memref<16x4112xf32, #tpu.memory_space<vmem>>, %arg10: memref<16x2056xf32, #tpu.memory_space<vmem>>, %arg11: memref<!tpu.dma_semaphore, #tpu.memory_space<semaphore_mem>>, %arg12: memref<!tpu.dma_semaphore, #tpu.memory_space<semaphore_mem>>) attributes {dimension_semantics = [#tpu.dimension_semantics<core_parallel>, #tpu.dimension_semantics<subcore_parallel>], iteration_bounds = array<i64: 2, 16>, scalar_prefetch = 0 : i64, scratch_operands = 7 : i64, tpu.core_type = #tpu.core_type<sc_vector_subcore>, window_params = [{transform_indices = #map}, {transform_indices = #map1}, {transform_indices = #map}, {transform_indices = #map}]} {
    %mul3A = arith.constant 4096 : i32
    %mul3A_0 = arith.muli %arg0, %mul3A : i32
    "tpu.region"() ({
      %run_scoped3A = tpu.sem_alloc : memref<!tpu.dma_semaphore, #tpu.memory_space<semaphore_mem>>
      %dma_start3A = tpu.memref_slice %arg3[%mul3A_0] : memref<8192xi32, #tpu.memory_space<hbm>> -> memref<4096xi32, #tpu.memory_space<hbm>>
      %dma_start3A_9 = tpu.memref_slice %arg3[%mul3A_0] : memref<8192xi32, #tpu.memory_space<hbm>> -> memref<4096xi32, #tpu.memory_space<hbm>>
      tpu.enqueue_dma source(%dma_start3A_9 : memref<4096xi32, #tpu.memory_space<hbm>>) target(%arg6 : memref<4096xi32, #tpu.memory_space<vmem>>) target_semaphore(%run_scoped3A : memref<!tpu.dma_semaphore, #tpu.memory_space<semaphore_mem>>)
      %dma_wait3A = tpu.memref_slice %arg3[%mul3A_0] : memref<8192xi32, #tpu.memory_space<hbm>> -> memref<4096xi32, #tpu.memory_space<hbm>>
      %dma_wait3A_10 = tpu.memref_slice %arg3[%mul3A_0] : memref<8192xi32, #tpu.memory_space<hbm>> -> memref<4096xi32, #tpu.memory_space<hbm>>
      tpu.wait_dma2 semaphore(%run_scoped3A : memref<!tpu.dma_semaphore, #tpu.memory_space<semaphore_mem>>) src(%dma_wait3A_10 : memref<4096xi32, #tpu.memory_space<hbm>>) dst(%arg6 : memref<4096xi32, #tpu.memory_space<vmem>>)
      tpu.yield
    }) : () -> ()
    "tpu.region"() ({
      %run_scoped3A = tpu.sem_alloc : memref<!tpu.dma_semaphore, #tpu.memory_space<semaphore_mem>>
      %dma_start3A = arith.constant 0 : i32
      %dma_start3A_9 = tpu.memref_slice %arg4[%arg1, %dma_start3A] : memref<16x16448xf32, #tpu.memory_space<hbm>> -> memref<1x16448xf32, #tpu.memory_space<hbm>>
      %dma_start3A_10 = tpu.memref_squeeze %dma_start3A_9 : memref<1x16448xf32, #tpu.memory_space<hbm>> -> memref<16448xf32, #tpu.memory_space<hbm>>
      %dma_start3A_11 = arith.constant 0 : i32
      %dma_start3A_12 = tpu.memref_slice %arg4[%arg1, %dma_start3A_11] : memref<16x16448xf32, #tpu.memory_space<hbm>> -> memref<1x16448xf32, #tpu.memory_space<hbm>>
      %dma_start3A_13 = tpu.memref_squeeze %dma_start3A_12 : memref<1x16448xf32, #tpu.memory_space<hbm>> -> memref<16448xf32, #tpu.memory_space<hbm>>
      tpu.enqueue_dma source(%dma_start3A_13 : memref<16448xf32, #tpu.memory_space<hbm>>) target(%arg8 : memref<16448xf32, #tpu.memory_space<vmem>>) target_semaphore(%run_scoped3A : memref<!tpu.dma_semaphore, #tpu.memory_space<semaphore_mem>>)
      %dma_wait3A = arith.constant 0 : i32
      %dma_wait3A_14 = tpu.memref_slice %arg4[%arg1, %dma_wait3A] : memref<16x16448xf32, #tpu.memory_space<hbm>> -> memref<1x16448xf32, #tpu.memory_space<hbm>>
      %dma_wait3A_15 = tpu.memref_squeeze %dma_wait3A_14 : memref<1x16448xf32, #tpu.memory_space<hbm>> -> memref<16448xf32, #tpu.memory_space<hbm>>
      %dma_wait3A_16 = arith.constant 0 : i32
      %dma_wait3A_17 = tpu.memref_slice %arg4[%arg1, %dma_wait3A_16] : memref<16x16448xf32, #tpu.memory_space<hbm>> -> memref<1x16448xf32, #tpu.memory_space<hbm>>
      %dma_wait3A_18 = tpu.memref_squeeze %dma_wait3A_17 : memref<1x16448xf32, #tpu.memory_space<hbm>> -> memref<16448xf32, #tpu.memory_space<hbm>>
      tpu.wait_dma2 semaphore(%run_scoped3A : memref<!tpu.dma_semaphore, #tpu.memory_space<semaphore_mem>>) src(%dma_wait3A_18 : memref<16448xf32, #tpu.memory_space<hbm>>) dst(%arg8 : memref<16448xf32, #tpu.memory_space<vmem>>)
      tpu.yield
    }) : () -> ()
    %iota3A = tpu.iota {dimensions = array<i32: 0>} : vector<16xi32>
    %scan3A = arith.constant 0 : i32
    %scan3A_1 = arith.constant 0 : i32
    %scan3A_2 = arith.constant 256 : i32
    %scan3A_3 = arith.addi %scan3A_1, %scan3A_2 : i32
    %scan3A_4 = arith.constant 1 : i32
    %scan3A_5 = scf.for %scan3A_9 = %scan3A_1 to %scan3A_3 step %scan3A_4 iter_args(%scan3A_10 = %scan3A) -> (i32)  : i32 {
      %mul3A_11 = arith.constant 16 : i32
      %mul3A_12 = arith.muli %scan3A_9, %mul3A_11 : i32
      %get3A = arith.index_cast %mul3A_12 : i32 to index
      %get3A_13 = tpu.vector_load %arg6[%get3A] {strides = array<i32>} : memref<4096xi32, #tpu.memory_space<vmem>>, vector<16xi32>,
      %eq3A = vector.broadcast %arg1 : i32 to vector<16xi32>
      %eq3A_14 = arith.cmpi eq, %get3A_13, %eq3A : vector<16xi32>
      %mul3A_15 = arith.constant 16 : i32
      %mul3A_16 = arith.muli %scan3A_9, %mul3A_15 : i32
      %add3A = arith.addi %mul3A_0, %mul3A_16 : i32
      %add3A_17 = vector.broadcast %add3A : i32 to vector<16xi32>
      %add3A_18 = arith.addi %iota3A, %add3A_17 : vector<16xi32>
      %jit3A = arith.constant 1 : i32
      %jit3A_19 = arith.constant 0 : i32
      %broadcast_in_dim3A = vector.broadcast %jit3A : i32 to vector<16xi32>
      %broadcast_in_dim3A_20 = vector.broadcast %jit3A_19 : i32 to vector<16xi32>
      %select_n3A = arith.select %eq3A_14, %broadcast_in_dim3A, %broadcast_in_dim3A_20 : vector<16xi1>, vector<16xi32>
      %broadcast_in_dim3A_21 = arith.constant true
      %broadcast_in_dim3A_22 = vector.broadcast %broadcast_in_dim3A_21 : i1 to vector<16xi1>
      %masked_cumsum3A = tpu.scan <sum>, %select_n3A masked %broadcast_in_dim3A_22 : vector<16xi32>, vector<16xi1> -> vector<16xi32>
      %add3A_23 = vector.broadcast %scan3A_10 : i32 to vector<16xi32>
      %add3A_24 = arith.addi %add3A_23, %masked_cumsum3A : vector<16xi32>
      %sub3A = arith.subi %add3A_24, %select_n3A : vector<16xi32>
      tpu.vector_store_idx %arg7[%sub3A], %add3A_18 masked %eq3A_14 : memref<4128xi32, #tpu.memory_space<vmem>>[vector<16xi32>], vector<16xi32>, vector<16xi1>
      %reduce_sum3A = arith.constant true
      %reduce_sum3A_25 = vector.broadcast %reduce_sum3A : i1 to vector<16xi1>
      %reduce_sum3A_26 = tpu.scan <sum>, %select_n3A masked %reduce_sum3A_25 : vector<16xi32>, vector<16xi1> -> vector<16xi32>
      %reduce_sum3A_27 = vector.extract %reduce_sum3A_26[15] : i32 from vector<16xi32>
      %add3A_28 = arith.addi %scan3A_10, %reduce_sum3A_27 : i32
      scf.yield %add3A_28 : i32
    }
    %scan3A_6 = arith.constant 256 : i32
    %gt3A = arith.constant 0 : i32
    %gt3A_7 = arith.cmpi sgt, %scan3A_5, %gt3A : i32
    %convert_element_type3A = arith.extui %gt3A_7 : i1 to i32
    %cond3A = arith.constant 0 : i32
    %cond3A_8 = arith.cmpi ne, %convert_element_type3A, %cond3A : i32
    scf.if %cond3A_8 {
      %sub3A = arith.constant 1 : i32
      %sub3A_9 = arith.subi %scan3A_5, %sub3A : i32
      %broadcast_in_dim3A = vector.broadcast %sub3A_9 : i32 to vector<16xi32>
      %gather3A = tpu.vector_load_idx %arg7[%broadcast_in_dim3A] : memref<4128xi32, #tpu.memory_space<vmem>>[vector<16xi32>], vector<16xi32>,
      %swap3A = arith.index_cast %scan3A_5 : i32 to index
      %swap3A_10 = tpu.vector_load %arg7[%swap3A] {strides = array<i32>} : memref<4128xi32, #tpu.memory_space<vmem>>, vector<16xi32>,
      tpu.vector_store %arg7[%swap3A], %gather3A {strides = array<i32>} : memref<4128xi32, #tpu.memory_space<vmem>>, vector<16xi32>,
      %add3A = arith.constant 16 : i32
      %add3A_11 = arith.addi %scan3A_5, %add3A : i32
      %sub3A_12 = arith.constant 1 : i32
      %sub3A_13 = arith.subi %add3A_11, %sub3A_12 : i32
      %jit3A = arith.constant 16 : i32
      %div3A = arith.divsi %sub3A_13, %jit3A : i32
      %sign3A = arith.constant 0 : i32
      %sign3A_14 = arith.cmpi sgt, %sub3A_13, %sign3A : i32
      %sign3A_15 = arith.extui %sign3A_14 : i1 to i32
      %sign3A_16 = arith.constant 0 : i32
      %sign3A_17 = arith.cmpi slt, %sub3A_13, %sign3A_16 : i32
      %sign3A_18 = arith.extui %sign3A_17 : i1 to i32
      %sign3A_19 = arith.subi %sign3A_15, %sign3A_18 : i32
      %sign3A_20 = arith.constant 0 : i32
      %sign3A_21 = arith.cmpi sgt, %jit3A, %sign3A_20 : i32
      %sign3A_22 = arith.extui %sign3A_21 : i1 to i32
      %sign3A_23 = arith.constant 0 : i32
      %sign3A_24 = arith.cmpi slt, %jit3A, %sign3A_23 : i32
      %sign3A_25 = arith.extui %sign3A_24 : i1 to i32
      %sign3A_26 = arith.subi %sign3A_22, %sign3A_25 : i32
      %ne3A = arith.cmpi ne, %sign3A_19, %sign3A_26 : i32
      %rem3A = arith.remsi %sub3A_13, %jit3A : i32
      %ne3A_27 = arith.constant 0 : i32
      %ne3A_28 = arith.cmpi ne, %rem3A, %ne3A_27 : i32
      %and3A = arith.andi %ne3A, %ne3A_28 : i1
      %sub3A_29 = arith.constant 1 : i32
      %sub3A_30 = arith.subi %div3A, %sub3A_29 : i32
      %select_n3A = arith.select %and3A, %sub3A_30, %div3A : i32
      %sub3A_31 = arith.constant 1 : i32
      %sub3A_32 = arith.subi %select_n3A, %sub3A_31 : i32
      %get3A = arith.constant 0 : index
      %get3A_33 = tpu.vector_load %arg7[%get3A] {strides = array<i32>} : memref<4128xi32, #tpu.memory_space<vmem>>, vector<16xi32>,
      %dma_start3A = arith.constant 0 : i32
      %dma_start3A_34 = arith.constant 0 : i32
      %dma_start3A_35 = tpu.memref_slice %arg2[%dma_start3A, %dma_start3A_34] : memref<8192x4112xf32, #tpu.memory_space<hbm>> -> memref<8192x4112xf32, #tpu.memory_space<hbm>>
      tpu.enqueue_indirect_dma source(%dma_start3A_35 : memref<8192x4112xf32, #tpu.memory_space<hbm>>) target(%arg9 : memref<16x4112xf32, #tpu.memory_space<vmem>>) offsets(%get3A_33 : vector<16xi32>) semaphore(%arg11 : memref<!tpu.dma_semaphore, #tpu.memory_space<semaphore_mem>>)
      %dma_wait3A = arith.constant 0 : i32
      %dma_wait3A_36 = arith.constant 0 : i32
      %dma_wait3A_37 = tpu.memref_slice %arg2[%dma_wait3A, %dma_wait3A_36] : memref<8192x4112xf32, #tpu.memory_space<hbm>> -> memref<8192x4112xf32, #tpu.memory_space<hbm>>
      tpu.wait_indirect_dma semaphore(%arg11 : memref<!tpu.dma_semaphore, #tpu.memory_space<semaphore_mem>>) src(%dma_wait3A_37 : memref<8192x4112xf32, #tpu.memory_space<hbm>>) dst(%arg9 : memref<16x4112xf32, #tpu.memory_space<vmem>>)
      %while3A = arith.constant 0 : i32
      %while3A_38 = arith.constant 0 : i32
      %while3A_39 = arith.subi %select_n3A, %while3A_38 : i32
      %while3A_40 = arith.addi %while3A_38, %while3A_39 : i32
      %while3A_41 = arith.constant 1 : i32
      %while3A_42 = arith.divsi %while3A_39, %while3A_41 : i32
      %while3A_43 = arith.muli %while3A_42, %while3A_41 : i32
      %while3A_44 = arith.addi %while3A_38, %while3A_43 : i32
      %while3A_45 = arith.constant 1 : i32
      scf.for %while3A_47 = %while3A_38 to %while3A_44 step %while3A_45  : i32 {
        %mul3A_48 = arith.constant 16 : i32
        %mul3A_49 = arith.muli %while3A_47, %mul3A_48 : i32
        %get3A_50 = arith.index_cast %mul3A_49 : i32 to index
        %get3A_51 = tpu.vector_load %arg7[%get3A_50] {strides = array<i32>} : memref<4128xi32, #tpu.memory_space<vmem>>, vector<16xi32>,
        %iota3A_52 = tpu.iota {dimensions = array<i32: 0>} : vector<16xi32>
        %mul3A_53 = arith.constant 8 : i32
        %mul3A_54 = vector.broadcast %mul3A_53 : i32 to vector<16xi32>
        %mul3A_55 = arith.muli %iota3A_52, %mul3A_54 : vector<16xi32>
        %mul3A_56 = arith.constant 4 : i32
        %mul3A_57 = vector.broadcast %mul3A_56 : i32 to vector<16xi32>
        %mul3A_58 = arith.muli %iota3A_52, %mul3A_57 : vector<16xi32>
        %scan3A_59 = arith.constant 0 : i32
        %scan3A_60 = arith.constant 0 : i32
        %scan3A_61 = arith.constant 17 : i32
        %scan3A_62 = arith.addi %scan3A_60, %scan3A_61 : i32
        %scan3A_63 = arith.constant 1 : i32
        scf.for %scan3A_83 = %scan3A_60 to %scan3A_62 step %scan3A_63  : i32 {
          %mul3A_84 = arith.constant 16 : i32
          %mul3A_85 = arith.muli %scan3A_83, %mul3A_84 : i32
          %min3A_86 = arith.constant 241 : i32
          %min3A_87 = arith.minsi %mul3A_85, %min3A_86 : i32
          %add3A_88 = arith.constant 0 : i32
          %add3A_89 = arith.addi %add3A_88, %min3A_87 : i32
          %get3A_90 = arith.index_cast %add3A_89 : i32 to index
          %get3A_91 = tpu.vector_load %arg8[%get3A_90] {strides = array<i32>} : memref<16448xf32, #tpu.memory_space<vmem>>, vector<16xf32>,
          %add3A_92 = arith.constant 257 : i32
          %add3A_93 = arith.addi %add3A_92, %min3A_87 : i32
          %get3A_94 = arith.index_cast %add3A_93 : i32 to index
          %get3A_95 = tpu.vector_load %arg8[%get3A_94] {strides = array<i32>} : memref<16448xf32, #tpu.memory_space<vmem>>, vector<16xf32>,
          %add3A_96 = arith.constant 1028 : i32
          %add3A_97 = arith.addi %add3A_96, %min3A_87 : i32
          %get3A_98 = arith.index_cast %add3A_97 : i32 to index
          %get3A_99 = tpu.vector_load %arg8[%get3A_98] {strides = array<i32>} : memref<16448xf32, #tpu.memory_space<vmem>>, vector<16xf32>,
          %add3A_100 = arith.constant 1285 : i32
          %add3A_101 = arith.addi %add3A_100, %min3A_87 : i32
          %get3A_102 = arith.index_cast %add3A_101 : i32 to index
          %get3A_103 = tpu.vector_load %arg8[%get3A_102] {strides = array<i32>} : memref<16448xf32, #tpu.memory_space<vmem>>, vector<16xf32>,
          %add3A_104 = arith.constant 2056 : i32
          %add3A_105 = arith.addi %add3A_104, %min3A_87 : i32
          %get3A_106 = arith.index_cast %add3A_105 : i32 to index
          %get3A_107 = tpu.vector_load %arg8[%get3A_106] {strides = array<i32>} : memref<16448xf32, #tpu.memory_space<vmem>>, vector<16xf32>,
          %add3A_108 = arith.constant 2313 : i32
          %add3A_109 = arith.addi %add3A_108, %min3A_87 : i32
          %get3A_110 = arith.index_cast %add3A_109 : i32 to index
          %get3A_111 = tpu.vector_load %arg8[%get3A_110] {strides = array<i32>} : memref<16448xf32, #tpu.memory_space<vmem>>, vector<16xf32>,
          %add3A_112 = arith.constant 3084 : i32
          %add3A_113 = arith.addi %add3A_112, %min3A_87 : i32
          %get3A_114 = arith.index_cast %add3A_113 : i32 to index
          %get3A_115 = tpu.vector_load %arg8[%get3A_114] {strides = array<i32>} : memref<16448xf32, #tpu.memory_space<vmem>>, vector<16xf32>,
          %add3A_116 = arith.constant 3341 : i32
          %add3A_117 = arith.addi %add3A_116, %min3A_87 : i32
          %get3A_118 = arith.index_cast %add3A_117 : i32 to index
          %get3A_119 = tpu.vector_load %arg8[%get3A_118] {strides = array<i32>} : memref<16448xf32, #tpu.memory_space<vmem>>, vector<16xf32>,
          %add3A_120 = arith.constant 8224 : i32
          %add3A_121 = arith.addi %add3A_120, %min3A_87 : i32
          %get3A_122 = arith.index_cast %add3A_121 : i32 to index
          %get3A_123 = tpu.vector_load %arg8[%get3A_122] {strides = array<i32>} : memref<16448xf32, #tpu.memory_space<vmem>>, vector<16xf32>,
          %add3A_124 = arith.constant 8481 : i32
          %add3A_125 = arith.addi %add3A_124, %min3A_87 : i32
          %get3A_126 = arith.index_cast %add3A_125 : i32 to index
          %get3A_127 = tpu.vector_load %arg8[%get3A_126] {strides = array<i32>} : memref<16448xf32, #tpu.memory_space<vmem>>, vector<16xf32>,
          %add3A_128 = arith.constant 9252 : i32
          %add3A_129 = arith.addi %add3A_128, %min3A_87 : i32
          %get3A_130 = arith.index_cast %add3A_129 : i32 to index
          %get3A_131 = tpu.vector_load %arg8[%get3A_130] {strides = array<i32>} : memref<16448xf32, #tpu.memory_space<vmem>>, vector<16xf32>,
          %add3A_132 = arith.constant 9509 : i32
          %add3A_133 = arith.addi %add3A_132, %min3A_87 : i32
          %get3A_134 = arith.index_cast %add3A_133 : i32 to index
          %get3A_135 = tpu.vector_load %arg8[%get3A_134] {strides = array<i32>} : memref<16448xf32, #tpu.memory_space<vmem>>, vector<16xf32>,
          %add3A_136 = arith.constant 10280 : i32
          %add3A_137 = arith.addi %add3A_136, %min3A_87 : i32
          %get3A_138 = arith.index_cast %add3A_137 : i32 to index
          %get3A_139 = tpu.vector_load %arg8[%get3A_138] {strides = array<i32>} : memref<16448xf32, #tpu.memory_space<vmem>>, vector<16xf32>,
          %add3A_140 = arith.constant 10537 : i32
          %add3A_141 = arith.addi %add3A_140, %min3A_87 : i32
          %get3A_142 = arith.index_cast %add3A_141 : i32 to index
          %get3A_143 = tpu.vector_load %arg8[%get3A_142] {strides = array<i32>} : memref<16448xf32, #tpu.memory_space<vmem>>, vector<16xf32>,
          %add3A_144 = arith.constant 11308 : i32
          %add3A_145 = arith.addi %add3A_144, %min3A_87 : i32
          %get3A_146 = arith.index_cast %add3A_145 : i32 to index
          %get3A_147 = tpu.vector_load %arg8[%get3A_146] {strides = array<i32>} : memref<16448xf32, #tpu.memory_space<vmem>>, vector<16xf32>,
          %add3A_148 = arith.constant 11565 : i32
          %add3A_149 = arith.addi %add3A_148, %min3A_87 : i32
          %get3A_150 = arith.index_cast %add3A_149 : i32 to index
          %get3A_151 = tpu.vector_load %arg8[%get3A_150] {strides = array<i32>} : memref<16448xf32, #tpu.memory_space<vmem>>, vector<16xf32>,
          %parallel_loop3A = arith.constant 0 : i32
          %parallel_loop3A_152 = arith.constant 16 : i32
          %parallel_loop3A_153 = arith.constant 1 : i32
          scf.for %parallel_loop3A_355 = %parallel_loop3A to %parallel_loop3A_152 step %parallel_loop3A_153  : i32 {
            %parallel_loop3A_356 = arith.constant 4 : i32
            %parallel_loop3A_357 = arith.muli %min3A_87, %parallel_loop3A_356 : i32
            %parallel_loop3A_358 = vector.broadcast %parallel_loop3A_357 : i32 to vector<16xi32>
            %parallel_loop3A_359 = arith.addi %mul3A_58, %parallel_loop3A_358 : vector<16xi32>
            %parallel_loop3A_360 = arith.constant 0.000000e+00 : f32
            %parallel_loop3A_361 = vector.broadcast %parallel_loop3A_360 : f32 to vector<16xf32>
            %parallel_loop3A_362 = arith.constant 0.000000e+00 : f32
            %parallel_loop3A_363 = vector.broadcast %parallel_loop3A_362 : f32 to vector<16xf32>
            %parallel_loop3A_364 = arith.constant 0.000000e+00 : f32
            %parallel_loop3A_365 = vector.broadcast %parallel_loop3A_364 : f32 to vector<16xf32>
            %parallel_loop3A_366 = arith.constant 0.000000e+00 : f32
            %parallel_loop3A_367 = vector.broadcast %parallel_loop3A_366 : f32 to vector<16xf32>
            %parallel_loop3A_368 = arith.constant 8 : i32
            %parallel_loop3A_369 = arith.muli %min3A_87, %parallel_loop3A_368 : i32
            %parallel_loop3A_370 = arith.constant 0 : i32
            %parallel_loop3A_371 = arith.addi %parallel_loop3A_369, %parallel_loop3A_370 : i32
            %parallel_loop3A_372 = arith.constant 0 : i32
            %parallel_loop3A_373 = arith.addi %parallel_loop3A_371, %parallel_loop3A_372 : i32
            %parallel_loop3A_374 = vector.broadcast %parallel_loop3A_373 : i32 to vector<16xi32>
            %parallel_loop3A_375 = arith.addi %mul3A_55, %parallel_loop3A_374 : vector<16xi32>
            %parallel_loop3A_376 = arith.constant 0 : i32
            %parallel_loop3A_377 = tpu.memref_slice %arg9[%parallel_loop3A_355, %parallel_loop3A_376] : memref<16x4112xf32, #tpu.memory_space<vmem>> -> memref<1x4112xf32, #tpu.memory_space<vmem>>
            %parallel_loop3A_378 = tpu.memref_squeeze %parallel_loop3A_377 : memref<1x4112xf32, #tpu.memory_space<vmem>> -> memref<4112xf32, #tpu.memory_space<vmem>>
            %parallel_loop3A_379 = tpu.vector_load_idx %parallel_loop3A_378[%parallel_loop3A_375] : memref<4112xf32, #tpu.memory_space<vmem>>[vector<16xi32>], vector<16xf32>,
            %parallel_loop3A_380 = arith.constant 2056 : i32
            %parallel_loop3A_381 = vector.broadcast %parallel_loop3A_380 : i32 to vector<16xi32>
            %parallel_loop3A_382 = arith.addi %parallel_loop3A_375, %parallel_loop3A_381 : vector<16xi32>
            %parallel_loop3A_383 = arith.constant 0 : i32
            %parallel_loop3A_384 = tpu.memref_slice %arg9[%parallel_loop3A_355, %parallel_loop3A_383] : memref<16x4112xf32, #tpu.memory_space<vmem>> -> memref<1x4112xf32, #tpu.memory_space<vmem>>
            %parallel_loop3A_385 = tpu.memref_squeeze %parallel_loop3A_384 : memref<1x4112xf32, #tpu.memory_space<vmem>> -> memref<4112xf32, #tpu.memory_space<vmem>>
            %parallel_loop3A_386 = tpu.vector_load_idx %parallel_loop3A_385[%parallel_loop3A_382] : memref<4112xf32, #tpu.memory_space<vmem>>[vector<16xi32>], vector<16xf32>,
            %parallel_loop3A_387 = arith.mulf %parallel_loop3A_379, %get3A_91 : vector<16xf32>
            %parallel_loop3A_388 = arith.addf %parallel_loop3A_361, %parallel_loop3A_387 : vector<16xf32>
            %parallel_loop3A_389 = arith.mulf %parallel_loop3A_386, %get3A_123 : vector<16xf32>
            %parallel_loop3A_390 = arith.addf %parallel_loop3A_388, %parallel_loop3A_389 : vector<16xf32>
            %parallel_loop3A_391 = arith.mulf %parallel_loop3A_379, %get3A_95 : vector<16xf32>
            %parallel_loop3A_392 = arith.addf %parallel_loop3A_363, %parallel_loop3A_391 : vector<16xf32>
            %parallel_loop3A_393 = arith.mulf %parallel_loop3A_386, %get3A_127 : vector<16xf32>
            %parallel_loop3A_394 = arith.addf %parallel_loop3A_392, %parallel_loop3A_393 : vector<16xf32>
            %parallel_loop3A_395 = arith.mulf %parallel_loop3A_386, %get3A_91 : vector<16xf32>
            %parallel_loop3A_396 = arith.addf %parallel_loop3A_365, %parallel_loop3A_395 : vector<16xf32>
            %parallel_loop3A_397 = arith.mulf %parallel_loop3A_379, %get3A_123 : vector<16xf32>
            %parallel_loop3A_398 = arith.subf %parallel_loop3A_396, %parallel_loop3A_397 : vector<16xf32>
            %parallel_loop3A_399 = arith.mulf %parallel_loop3A_386, %get3A_95 : vector<16xf32>
            %parallel_loop3A_400 = arith.addf %parallel_loop3A_367, %parallel_loop3A_399 : vector<16xf32>
            %parallel_loop3A_401 = arith.mulf %parallel_loop3A_379, %get3A_127 : vector<16xf32>
            %parallel_loop3A_402 = arith.subf %parallel_loop3A_400, %parallel_loop3A_401 : vector<16xf32>
            %parallel_loop3A_403 = arith.constant 8 : i32
            %parallel_loop3A_404 = arith.muli %min3A_87, %parallel_loop3A_403 : i32
            %parallel_loop3A_405 = arith.constant 0 : i32
            %parallel_loop3A_406 = arith.addi %parallel_loop3A_404, %parallel_loop3A_405 : i32
            %parallel_loop3A_407 = arith.constant 1 : i32
            %parallel_loop3A_408 = arith.addi %parallel_loop3A_406, %parallel_loop3A_407 : i32
            %parallel_loop3A_409 = vector.broadcast %parallel_loop3A_408 : i32 to vector<16xi32>
            %parallel_loop3A_410 = arith.addi %mul3A_55, %parallel_loop3A_409 : vector<16xi32>
            %parallel_loop3A_411 = arith.constant 0 : i32
            %parallel_loop3A_412 = tpu.memref_slice %arg9[%parallel_loop3A_355, %parallel_loop3A_411] : memref<16x4112xf32, #tpu.memory_space<vmem>> -> memref<1x4112xf32, #tpu.memory_space<vmem>>
            %parallel_loop3A_413 = tpu.memref_squeeze %parallel_loop3A_412 : memref<1x4112xf32, #tpu.memory_space<vmem>> -> memref<4112xf32, #tpu.memory_space<vmem>>
            %parallel_loop3A_414 = tpu.vector_load_idx %parallel_loop3A_413[%parallel_loop3A_410] : memref<4112xf32, #tpu.memory_space<vmem>>[vector<16xi32>], vector<16xf32>,
            %parallel_loop3A_415 = arith.constant 2056 : i32
            %parallel_loop3A_416 = vector.broadcast %parallel_loop3A_415 : i32 to vector<16xi32>
            %parallel_loop3A_417 = arith.addi %parallel_loop3A_410, %parallel_loop3A_416 : vector<16xi32>
            %parallel_loop3A_418 = arith.constant 0 : i32
            %parallel_loop3A_419 = tpu.memref_slice %arg9[%parallel_loop3A_355, %parallel_loop3A_418] : memref<16x4112xf32, #tpu.memory_space<vmem>> -> memref<1x4112xf32, #tpu.memory_space<vmem>>
            %parallel_loop3A_420 = tpu.memref_squeeze %parallel_loop3A_419 : memref<1x4112xf32, #tpu.memory_space<vmem>> -> memref<4112xf32, #tpu.memory_space<vmem>>
            %parallel_loop3A_421 = tpu.vector_load_idx %parallel_loop3A_420[%parallel_loop3A_417] : memref<4112xf32, #tpu.memory_space<vmem>>[vector<16xi32>], vector<16xf32>,
            %parallel_loop3A_422 = arith.mulf %parallel_loop3A_414, %get3A_99 : vector<16xf32>
            %parallel_loop3A_423 = arith.addf %parallel_loop3A_390, %parallel_loop3A_422 : vector<16xf32>
            %parallel_loop3A_424 = arith.mulf %parallel_loop3A_421, %get3A_131 : vector<16xf32>
            %parallel_loop3A_425 = arith.addf %parallel_loop3A_423, %parallel_loop3A_424 : vector<16xf32>
            %parallel_loop3A_426 = arith.mulf %parallel_loop3A_414, %get3A_103 : vector<16xf32>
            %parallel_loop3A_427 = arith.addf %parallel_loop3A_394, %parallel_loop3A_426 : vector<16xf32>
            %parallel_loop3A_428 = arith.mulf %parallel_loop3A_421, %get3A_135 : vector<16xf32>
            %parallel_loop3A_429 = arith.addf %parallel_loop3A_427, %parallel_loop3A_428 : vector<16xf32>
            %parallel_loop3A_430 = arith.mulf %parallel_loop3A_421, %get3A_99 : vector<16xf32>
            %parallel_loop3A_431 = arith.addf %parallel_loop3A_398, %parallel_loop3A_430 : vector<16xf32>
            %parallel_loop3A_432 = arith.mulf %parallel_loop3A_414, %get3A_131 : vector<16xf32>
            %parallel_loop3A_433 = arith.subf %parallel_loop3A_431, %parallel_loop3A_432 : vector<16xf32>
            %parallel_loop3A_434 = arith.mulf %parallel_loop3A_421, %get3A_103 : vector<16xf32>
            %parallel_loop3A_435 = arith.addf %parallel_loop3A_402, %parallel_loop3A_434 : vector<16xf32>
            %parallel_loop3A_436 = arith.mulf %parallel_loop3A_414, %get3A_135 : vector<16xf32>
            %parallel_loop3A_437 = arith.subf %parallel_loop3A_435, %parallel_loop3A_436 : vector<16xf32>
            %parallel_loop3A_438 = arith.constant 8 : i32
            %parallel_loop3A_439 = arith.muli %min3A_87, %parallel_loop3A_438 : i32
            %parallel_loop3A_440 = arith.constant 0 : i32
            %parallel_loop3A_441 = arith.addi %parallel_loop3A_439, %parallel_loop3A_440 : i32
            %parallel_loop3A_442 = arith.constant 2 : i32
            %parallel_loop3A_443 = arith.addi %parallel_loop3A_441, %parallel_loop3A_442 : i32
            %parallel_loop3A_444 = vector.broadcast %parallel_loop3A_443 : i32 to vector<16xi32>
            %parallel_loop3A_445 = arith.addi %mul3A_55, %parallel_loop3A_444 : vector<16xi32>
            %parallel_loop3A_446 = arith.constant 0 : i32
            %parallel_loop3A_447 = tpu.memref_slice %arg9[%parallel_loop3A_355, %parallel_loop3A_446] : memref<16x4112xf32, #tpu.memory_space<vmem>> -> memref<1x4112xf32, #tpu.memory_space<vmem>>
            %parallel_loop3A_448 = tpu.memref_squeeze %parallel_loop3A_447 : memref<1x4112xf32, #tpu.memory_space<vmem>> -> memref<4112xf32, #tpu.memory_space<vmem>>
            %parallel_loop3A_449 = tpu.vector_load_idx %parallel_loop3A_448[%parallel_loop3A_445] : memref<4112xf32, #tpu.memory_space<vmem>>[vector<16xi32>], vector<16xf32>,
            %parallel_loop3A_450 = arith.constant 2056 : i32
            %parallel_loop3A_451 = vector.broadcast %parallel_loop3A_450 : i32 to vector<16xi32>
            %parallel_loop3A_452 = arith.addi %parallel_loop3A_445, %parallel_loop3A_451 : vector<16xi32>
            %parallel_loop3A_453 = arith.constant 0 : i32
            %parallel_loop3A_454 = tpu.memref_slice %arg9[%parallel_loop3A_355, %parallel_loop3A_453] : memref<16x4112xf32, #tpu.memory_space<vmem>> -> memref<1x4112xf32, #tpu.memory_space<vmem>>
            %parallel_loop3A_455 = tpu.memref_squeeze %parallel_loop3A_454 : memref<1x4112xf32, #tpu.memory_space<vmem>> -> memref<4112xf32, #tpu.memory_space<vmem>>
            %parallel_loop3A_456 = tpu.vector_load_idx %parallel_loop3A_455[%parallel_loop3A_452] : memref<4112xf32, #tpu.memory_space<vmem>>[vector<16xi32>], vector<16xf32>,
            %parallel_loop3A_457 = arith.mulf %parallel_loop3A_449, %get3A_107 : vector<16xf32>
            %parallel_loop3A_458 = arith.addf %parallel_loop3A_425, %parallel_loop3A_457 : vector<16xf32>
            %parallel_loop3A_459 = arith.mulf %parallel_loop3A_456, %get3A_139 : vector<16xf32>
            %parallel_loop3A_460 = arith.addf %parallel_loop3A_458, %parallel_loop3A_459 : vector<16xf32>
            %parallel_loop3A_461 = arith.mulf %parallel_loop3A_449, %get3A_111 : vector<16xf32>
            %parallel_loop3A_462 = arith.addf %parallel_loop3A_429, %parallel_loop3A_461 : vector<16xf32>
            %parallel_loop3A_463 = arith.mulf %parallel_loop3A_456, %get3A_143 : vector<16xf32>
            %parallel_loop3A_464 = arith.addf %parallel_loop3A_462, %parallel_loop3A_463 : vector<16xf32>
            %parallel_loop3A_465 = arith.mulf %parallel_loop3A_456, %get3A_107 : vector<16xf32>
            %parallel_loop3A_466 = arith.addf %parallel_loop3A_433, %parallel_loop3A_465 : vector<16xf32>
            %parallel_loop3A_467 = arith.mulf %parallel_loop3A_449, %get3A_139 : vector<16xf32>
            %parallel_loop3A_468 = arith.subf %parallel_loop3A_466, %parallel_loop3A_467 : vector<16xf32>
            %parallel_loop3A_469 = arith.mulf %parallel_loop3A_456, %get3A_111 : vector<16xf32>
            %parallel_loop3A_470 = arith.addf %parallel_loop3A_437, %parallel_loop3A_469 : vector<16xf32>
            %parallel_loop3A_471 = arith.mulf %parallel_loop3A_449, %get3A_143 : vector<16xf32>
            %parallel_loop3A_472 = arith.subf %parallel_loop3A_470, %parallel_loop3A_471 : vector<16xf32>
            %parallel_loop3A_473 = arith.constant 8 : i32
            %parallel_loop3A_474 = arith.muli %min3A_87, %parallel_loop3A_473 : i32
            %parallel_loop3A_475 = arith.constant 0 : i32
            %parallel_loop3A_476 = arith.addi %parallel_loop3A_474, %parallel_loop3A_475 : i32
            %parallel_loop3A_477 = arith.constant 3 : i32
            %parallel_loop3A_478 = arith.addi %parallel_loop3A_476, %parallel_loop3A_477 : i32
            %parallel_loop3A_479 = vector.broadcast %parallel_loop3A_478 : i32 to vector<16xi32>
            %parallel_loop3A_480 = arith.addi %mul3A_55, %parallel_loop3A_479 : vector<16xi32>
            %parallel_loop3A_481 = arith.constant 0 : i32
            %parallel_loop3A_482 = tpu.memref_slice %arg9[%parallel_loop3A_355, %parallel_loop3A_481] : memref<16x4112xf32, #tpu.memory_space<vmem>> -> memref<1x4112xf32, #tpu.memory_space<vmem>>
            %parallel_loop3A_483 = tpu.memref_squeeze %parallel_loop3A_482 : memref<1x4112xf32, #tpu.memory_space<vmem>> -> memref<4112xf32, #tpu.memory_space<vmem>>
            %parallel_loop3A_484 = tpu.vector_load_idx %parallel_loop3A_483[%parallel_loop3A_480] : memref<4112xf32, #tpu.memory_space<vmem>>[vector<16xi32>], vector<16xf32>,
            %parallel_loop3A_485 = arith.constant 2056 : i32
            %parallel_loop3A_486 = vector.broadcast %parallel_loop3A_485 : i32 to vector<16xi32>
            %parallel_loop3A_487 = arith.addi %parallel_loop3A_480, %parallel_loop3A_486 : vector<16xi32>
            %parallel_loop3A_488 = arith.constant 0 : i32
            %parallel_loop3A_489 = tpu.memref_slice %arg9[%parallel_loop3A_355, %parallel_loop3A_488] : memref<16x4112xf32, #tpu.memory_space<vmem>> -> memref<1x4112xf32, #tpu.memory_space<vmem>>
            %parallel_loop3A_490 = tpu.memref_squeeze %parallel_loop3A_489 : memref<1x4112xf32, #tpu.memory_space<vmem>> -> memref<4112xf32, #tpu.memory_space<vmem>>
            %parallel_loop3A_491 = tpu.vector_load_idx %parallel_loop3A_490[%parallel_loop3A_487] : memref<4112xf32, #tpu.memory_space<vmem>>[vector<16xi32>], vector<16xf32>,
            %parallel_loop3A_492 = arith.mulf %parallel_loop3A_484, %get3A_115 : vector<16xf32>
            %parallel_loop3A_493 = arith.addf %parallel_loop3A_460, %parallel_loop3A_492 : vector<16xf32>
            %parallel_loop3A_494 = arith.mulf %parallel_loop3A_491, %get3A_147 : vector<16xf32>
            %parallel_loop3A_495 = arith.addf %parallel_loop3A_493, %parallel_loop3A_494 : vector<16xf32>
            %parallel_loop3A_496 = arith.mulf %parallel_loop3A_484, %get3A_119 : vector<16xf32>
            %parallel_loop3A_497 = arith.addf %parallel_loop3A_464, %parallel_loop3A_496 : vector<16xf32>
            %parallel_loop3A_498 = arith.mulf %parallel_loop3A_491, %get3A_151 : vector<16xf32>
            %parallel_loop3A_499 = arith.addf %parallel_loop3A_497, %parallel_loop3A_498 : vector<16xf32>
            %parallel_loop3A_500 = arith.mulf %parallel_loop3A_491, %get3A_115 : vector<16xf32>
            %parallel_loop3A_501 = arith.addf %parallel_loop3A_468, %parallel_loop3A_500 : vector<16xf32>
            %parallel_loop3A_502 = arith.mulf %parallel_loop3A_484, %get3A_147 : vector<16xf32>
            %parallel_loop3A_503 = arith.subf %parallel_loop3A_501, %parallel_loop3A_502 : vector<16xf32>
            %parallel_loop3A_504 = arith.mulf %parallel_loop3A_491, %get3A_119 : vector<16xf32>
            %parallel_loop3A_505 = arith.addf %parallel_loop3A_472, %parallel_loop3A_504 : vector<16xf32>
            %parallel_loop3A_506 = arith.mulf %parallel_loop3A_484, %get3A_151 : vector<16xf32>
            %parallel_loop3A_507 = arith.subf %parallel_loop3A_505, %parallel_loop3A_506 : vector<16xf32>
            %parallel_loop3A_508 = arith.constant 0 : i32
            %parallel_loop3A_509 = vector.broadcast %parallel_loop3A_508 : i32 to vector<16xi32>
            %parallel_loop3A_510 = arith.addi %parallel_loop3A_359, %parallel_loop3A_509 : vector<16xi32>
            %parallel_loop3A_511 = arith.constant 0 : i32
            %parallel_loop3A_512 = tpu.memref_slice %arg10[%parallel_loop3A_355, %parallel_loop3A_511] : memref<16x2056xf32, #tpu.memory_space<vmem>> -> memref<1x2056xf32, #tpu.memory_space<vmem>>
            %parallel_loop3A_513 = tpu.memref_squeeze %parallel_loop3A_512 : memref<1x2056xf32, #tpu.memory_space<vmem>> -> memref<2056xf32, #tpu.memory_space<vmem>>
            tpu.vector_store_idx %parallel_loop3A_513[%parallel_loop3A_510], %parallel_loop3A_495 : memref<2056xf32, #tpu.memory_space<vmem>>[vector<16xi32>], vector<16xf32>,
            %parallel_loop3A_514 = arith.constant 1 : i32
            %parallel_loop3A_515 = vector.broadcast %parallel_loop3A_514 : i32 to vector<16xi32>
            %parallel_loop3A_516 = arith.addi %parallel_loop3A_359, %parallel_loop3A_515 : vector<16xi32>
            %parallel_loop3A_517 = arith.constant 0 : i32
            %parallel_loop3A_518 = tpu.memref_slice %arg10[%parallel_loop3A_355, %parallel_loop3A_517] : memref<16x2056xf32, #tpu.memory_space<vmem>> -> memref<1x2056xf32, #tpu.memory_space<vmem>>
            %parallel_loop3A_519 = tpu.memref_squeeze %parallel_loop3A_518 : memref<1x2056xf32, #tpu.memory_space<vmem>> -> memref<2056xf32, #tpu.memory_space<vmem>>
            tpu.vector_store_idx %parallel_loop3A_519[%parallel_loop3A_516], %parallel_loop3A_499 : memref<2056xf32, #tpu.memory_space<vmem>>[vector<16xi32>], vector<16xf32>,
            %parallel_loop3A_520 = arith.constant 1028 : i32
            %parallel_loop3A_521 = vector.broadcast %parallel_loop3A_520 : i32 to vector<16xi32>
            %parallel_loop3A_522 = arith.addi %parallel_loop3A_359, %parallel_loop3A_521 : vector<16xi32>
            %parallel_loop3A_523 = arith.constant 0 : i32
            %parallel_loop3A_524 = tpu.memref_slice %arg10[%parallel_loop3A_355, %parallel_loop3A_523] : memref<16x2056xf32, #tpu.memory_space<vmem>> -> memref<1x2056xf32, #tpu.memory_space<vmem>>
            %parallel_loop3A_525 = tpu.memref_squeeze %parallel_loop3A_524 : memref<1x2056xf32, #tpu.memory_space<vmem>> -> memref<2056xf32, #tpu.memory_space<vmem>>
            tpu.vector_store_idx %parallel_loop3A_525[%parallel_loop3A_522], %parallel_loop3A_503 : memref<2056xf32, #tpu.memory_space<vmem>>[vector<16xi32>], vector<16xf32>,
            %parallel_loop3A_526 = arith.constant 1029 : i32
            %parallel_loop3A_527 = vector.broadcast %parallel_loop3A_526 : i32 to vector<16xi32>
            %parallel_loop3A_528 = arith.addi %parallel_loop3A_359, %parallel_loop3A_527 : vector<16xi32>
            %parallel_loop3A_529 = arith.constant 0 : i32
            %parallel_loop3A_530 = tpu.memref_slice %arg10[%parallel_loop3A_355, %parallel_loop3A_529] : memref<16x2056xf32, #tpu.memory_space<vmem>> -> memref<1x2056xf32, #tpu.memory_space<vmem>>
            %parallel_loop3A_531 = tpu.memref_squeeze %parallel_loop3A_530 : memref<1x2056xf32, #tpu.memory_space<vmem>> -> memref<2056xf32, #tpu.memory_space<vmem>>
            tpu.vector_store_idx %parallel_loop3A_531[%parallel_loop3A_528], %parallel_loop3A_507 : memref<2056xf32, #tpu.memory_space<vmem>>[vector<16xi32>], vector<16xf32>,
          } {sc.loop_unroll_factor = 1 : i64, sc.parallel_access}
          %add3A_154 = arith.constant 4112 : i32
          %add3A_155 = arith.addi %add3A_154, %min3A_87 : i32
          %get3A_156 = arith.index_cast %add3A_155 : i32 to index
          %get3A_157 = tpu.vector_load %arg8[%get3A_156] {strides = array<i32>} : memref<16448xf32, #tpu.memory_space<vmem>>, vector<16xf32>,
          %add3A_158 = arith.constant 4369 : i32
          %add3A_159 = arith.addi %add3A_158, %min3A_87 : i32
          %get3A_160 = arith.index_cast %add3A_159 : i32 to index
          %get3A_161 = tpu.vector_load %arg8[%get3A_160] {strides = array<i32>} : memref<16448xf32, #tpu.memory_space<vmem>>, vector<16xf32>,
          %add3A_162 = arith.constant 5140 : i32
          %add3A_163 = arith.addi %add3A_162, %min3A_87 : i32
          %get3A_164 = arith.index_cast %add3A_163 : i32 to index
          %get3A_165 = tpu.vector_load %arg8[%get3A_164] {strides = array<i32>} : memref<16448xf32, #tpu.memory_space<vmem>>, vector<16xf32>,
          %add3A_166 = arith.constant 5397 : i32
          %add3A_167 = arith.addi %add3A_166, %min3A_87 : i32
          %get3A_168 = arith.index_cast %add3A_167 : i32 to index
          %get3A_169 = tpu.vector_load %arg8[%get3A_168] {strides = array<i32>} : memref<16448xf32, #tpu.memory_space<vmem>>, vector<16xf32>,
          %add3A_170 = arith.constant 6168 : i32
          %add3A_171 = arith.addi %add3A_170, %min3A_87 : i32
          %get3A_172 = arith.index_cast %add3A_171 : i32 to index
          %get3A_173 = tpu.vector_load %arg8[%get3A_172] {strides = array<i32>} : memref<16448xf32, #tpu.memory_space<vmem>>, vector<16xf32>,
          %add3A_174 = arith.constant 6425 : i32
          %add3A_175 = arith.addi %add3A_174, %min3A_87 : i32
          %get3A_176 = arith.index_cast %add3A_175 : i32 to index
          %get3A_177 = tpu.vector_load %arg8[%get3A_176] {strides = array<i32>} : memref<16448xf32, #tpu.memory_space<vmem>>, vector<16xf32>,
          %add3A_178 = arith.constant 7196 : i32
          %add3A_179 = arith.addi %add3A_178, %min3A_87 : i32
          %get3A_180 = arith.index_cast %add3A_179 : i32 to index
          %get3A_181 = tpu.vector_load %arg8[%get3A_180] {strides = array<i32>} : memref<16448xf32, #tpu.memory_space<vmem>>, vector<16xf32>,
          %add3A_182 = arith.constant 7453 : i32
          %add3A_183 = arith.addi %add3A_182, %min3A_87 : i32
          %get3A_184 = arith.index_cast %add3A_183 : i32 to index
          %get3A_185 = tpu.vector_load %arg8[%get3A_184] {strides = array<i32>} : memref<16448xf32, #tpu.memory_space<vmem>>, vector<16xf32>,
          %add3A_186 = arith.constant 12336 : i32
          %add3A_187 = arith.addi %add3A_186, %min3A_87 : i32
          %get3A_188 = arith.index_cast %add3A_187 : i32 to index
          %get3A_189 = tpu.vector_load %arg8[%get3A_188] {strides = array<i32>} : memref<16448xf32, #tpu.memory_space<vmem>>, vector<16xf32>,
          %add3A_190 = arith.constant 12593 : i32
          %add3A_191 = arith.addi %add3A_190, %min3A_87 : i32
          %get3A_192 = arith.index_cast %add3A_191 : i32 to index
          %get3A_193 = tpu.vector_load %arg8[%get3A_192] {strides = array<i32>} : memref<16448xf32, #tpu.memory_space<vmem>>, vector<16xf32>,
          %add3A_194 = arith.constant 13364 : i32
          %add3A_195 = arith.addi %add3A_194, %min3A_87 : i32
          %get3A_196 = arith.index_cast %add3A_195 : i32 to index
          %get3A_197 = tpu.vector_load %arg8[%get3A_196] {strides = array<i32>} : memref<16448xf32, #tpu.memory_space<vmem>>, vector<16xf32>,
          %add3A_198 = arith.constant 13621 : i32
          %add3A_199 = arith.addi %add3A_198, %min3A_87 : i32
          %get3A_200 = arith.index_cast %add3A_199 : i32 to index
          %get3A_201 = tpu.vector_load %arg8[%get3A_200] {strides = array<i32>} : memref<16448xf32, #tpu.memory_space<vmem>>, vector<16xf32>,
          %add3A_202 = arith.constant 14392 : i32
          %add3A_203 = arith.addi %add3A_202, %min3A_87 : i32
          %get3A_204 = arith.index_cast %add3A_203 : i32 to index
          %get3A_205 = tpu.vector_load %arg8[%get3A_204] {strides = array<i32>} : memref<16448xf32, #tpu.memory_space<vmem>>, vector<16xf32>,
          %add3A_206 = arith.constant 14649 : i32
          %add3A_207 = arith.addi %add3A_206, %min3A_87 : i32
          %get3A_208 = arith.index_cast %add3A_207 : i32 to index
          %get3A_209 = tpu.vector_load %arg8[%get3A_208] {strides = array<i32>} : memref<16448xf32, #tpu.memory_space<vmem>>, vector<16xf32>,
          %add3A_210 = arith.constant 15420 : i32
          %add3A_211 = arith.addi %add3A_210, %min3A_87 : i32
          %get3A_212 = arith.index_cast %add3A_211 : i32 to index
          %get3A_213 = tpu.vector_load %arg8[%get3A_212] {strides = array<i32>} : memref<16448xf32, #tpu.memory_space<vmem>>, vector<16xf32>,
          %add3A_214 = arith.constant 15677 : i32
          %add3A_215 = arith.addi %add3A_214, %min3A_87 : i32
          %get3A_216 = arith.index_cast %add3A_215 : i32 to index
          %get3A_217 = tpu.vector_load %arg8[%get3A_216] {strides = array<i32>} : memref<16448xf32, #tpu.memory_space<vmem>>, vector<16xf32>,
          %parallel_loop3A_218 = arith.constant 0 : i32
          %parallel_loop3A_219 = arith.constant 16 : i32
          %parallel_loop3A_220 = arith.constant 1 : i32
          scf.for %parallel_loop3A_355 = %parallel_loop3A_218 to %parallel_loop3A_219 step %parallel_loop3A_220  : i32 {
            %parallel_loop3A_356 = arith.constant 4 : i32
            %parallel_loop3A_357 = arith.muli %min3A_87, %parallel_loop3A_356 : i32
            %parallel_loop3A_358 = vector.broadcast %parallel_loop3A_357 : i32 to vector<16xi32>
            %parallel_loop3A_359 = arith.addi %mul3A_58, %parallel_loop3A_358 : vector<16xi32>
            %parallel_loop3A_360 = arith.constant 0 : i32
            %parallel_loop3A_361 = vector.broadcast %parallel_loop3A_360 : i32 to vector<16xi32>
            %parallel_loop3A_362 = arith.addi %parallel_loop3A_359, %parallel_loop3A_361 : vector<16xi32>
            %parallel_loop3A_363 = arith.constant 0 : i32
            %parallel_loop3A_364 = tpu.memref_slice %arg10[%parallel_loop3A_355, %parallel_loop3A_363] : memref<16x2056xf32, #tpu.memory_space<vmem>> -> memref<1x2056xf32, #tpu.memory_space<vmem>>
            %parallel_loop3A_365 = tpu.memref_squeeze %parallel_loop3A_364 : memref<1x2056xf32, #tpu.memory_space<vmem>> -> memref<2056xf32, #tpu.memory_space<vmem>>
            %parallel_loop3A_366 = tpu.vector_load_idx %parallel_loop3A_365[%parallel_loop3A_362] : memref<2056xf32, #tpu.memory_space<vmem>>[vector<16xi32>], vector<16xf32>,
            %parallel_loop3A_367 = arith.constant 1 : i32
            %parallel_loop3A_368 = vector.broadcast %parallel_loop3A_367 : i32 to vector<16xi32>
            %parallel_loop3A_369 = arith.addi %parallel_loop3A_359, %parallel_loop3A_368 : vector<16xi32>
            %parallel_loop3A_370 = arith.constant 0 : i32
            %parallel_loop3A_371 = tpu.memref_slice %arg10[%parallel_loop3A_355, %parallel_loop3A_370] : memref<16x2056xf32, #tpu.memory_space<vmem>> -> memref<1x2056xf32, #tpu.memory_space<vmem>>
            %parallel_loop3A_372 = tpu.memref_squeeze %parallel_loop3A_371 : memref<1x2056xf32, #tpu.memory_space<vmem>> -> memref<2056xf32, #tpu.memory_space<vmem>>
            %parallel_loop3A_373 = tpu.vector_load_idx %parallel_loop3A_372[%parallel_loop3A_369] : memref<2056xf32, #tpu.memory_space<vmem>>[vector<16xi32>], vector<16xf32>,
            %parallel_loop3A_374 = arith.constant 1028 : i32
            %parallel_loop3A_375 = vector.broadcast %parallel_loop3A_374 : i32 to vector<16xi32>
            %parallel_loop3A_376 = arith.addi %parallel_loop3A_359, %parallel_loop3A_375 : vector<16xi32>
            %parallel_loop3A_377 = arith.constant 0 : i32
            %parallel_loop3A_378 = tpu.memref_slice %arg10[%parallel_loop3A_355, %parallel_loop3A_377] : memref<16x2056xf32, #tpu.memory_space<vmem>> -> memref<1x2056xf32, #tpu.memory_space<vmem>>
            %parallel_loop3A_379 = tpu.memref_squeeze %parallel_loop3A_378 : memref<1x2056xf32, #tpu.memory_space<vmem>> -> memref<2056xf32, #tpu.memory_space<vmem>>
            %parallel_loop3A_380 = tpu.vector_load_idx %parallel_loop3A_379[%parallel_loop3A_376] : memref<2056xf32, #tpu.memory_space<vmem>>[vector<16xi32>], vector<16xf32>,
            %parallel_loop3A_381 = arith.constant 1029 : i32
            %parallel_loop3A_382 = vector.broadcast %parallel_loop3A_381 : i32 to vector<16xi32>
            %parallel_loop3A_383 = arith.addi %parallel_loop3A_359, %parallel_loop3A_382 : vector<16xi32>
            %parallel_loop3A_384 = arith.constant 0 : i32
            %parallel_loop3A_385 = tpu.memref_slice %arg10[%parallel_loop3A_355, %parallel_loop3A_384] : memref<16x2056xf32, #tpu.memory_space<vmem>> -> memref<1x2056xf32, #tpu.memory_space<vmem>>
            %parallel_loop3A_386 = tpu.memref_squeeze %parallel_loop3A_385 : memref<1x2056xf32, #tpu.memory_space<vmem>> -> memref<2056xf32, #tpu.memory_space<vmem>>
            %parallel_loop3A_387 = tpu.vector_load_idx %parallel_loop3A_386[%parallel_loop3A_383] : memref<2056xf32, #tpu.memory_space<vmem>>[vector<16xi32>], vector<16xf32>,
            %parallel_loop3A_388 = arith.constant 8 : i32
            %parallel_loop3A_389 = arith.muli %min3A_87, %parallel_loop3A_388 : i32
            %parallel_loop3A_390 = arith.constant 4 : i32
            %parallel_loop3A_391 = arith.addi %parallel_loop3A_389, %parallel_loop3A_390 : i32
            %parallel_loop3A_392 = arith.constant 0 : i32
            %parallel_loop3A_393 = arith.addi %parallel_loop3A_391, %parallel_loop3A_392 : i32
            %parallel_loop3A_394 = vector.broadcast %parallel_loop3A_393 : i32 to vector<16xi32>
            %parallel_loop3A_395 = arith.addi %mul3A_55, %parallel_loop3A_394 : vector<16xi32>
            %parallel_loop3A_396 = arith.constant 0 : i32
            %parallel_loop3A_397 = tpu.memref_slice %arg9[%parallel_loop3A_355, %parallel_loop3A_396] : memref<16x4112xf32, #tpu.memory_space<vmem>> -> memref<1x4112xf32, #tpu.memory_space<vmem>>
            %parallel_loop3A_398 = tpu.memref_squeeze %parallel_loop3A_397 : memref<1x4112xf32, #tpu.memory_space<vmem>> -> memref<4112xf32, #tpu.memory_space<vmem>>
            %parallel_loop3A_399 = tpu.vector_load_idx %parallel_loop3A_398[%parallel_loop3A_395] : memref<4112xf32, #tpu.memory_space<vmem>>[vector<16xi32>], vector<16xf32>,
            %parallel_loop3A_400 = arith.constant 2056 : i32
            %parallel_loop3A_401 = vector.broadcast %parallel_loop3A_400 : i32 to vector<16xi32>
            %parallel_loop3A_402 = arith.addi %parallel_loop3A_395, %parallel_loop3A_401 : vector<16xi32>
            %parallel_loop3A_403 = arith.constant 0 : i32
            %parallel_loop3A_404 = tpu.memref_slice %arg9[%parallel_loop3A_355, %parallel_loop3A_403] : memref<16x4112xf32, #tpu.memory_space<vmem>> -> memref<1x4112xf32, #tpu.memory_space<vmem>>
            %parallel_loop3A_405 = tpu.memref_squeeze %parallel_loop3A_404 : memref<1x4112xf32, #tpu.memory_space<vmem>> -> memref<4112xf32, #tpu.memory_space<vmem>>
            %parallel_loop3A_406 = tpu.vector_load_idx %parallel_loop3A_405[%parallel_loop3A_402] : memref<4112xf32, #tpu.memory_space<vmem>>[vector<16xi32>], vector<16xf32>,
            %parallel_loop3A_407 = arith.mulf %parallel_loop3A_399, %get3A_157 : vector<16xf32>
            %parallel_loop3A_408 = arith.addf %parallel_loop3A_366, %parallel_loop3A_407 : vector<16xf32>
            %parallel_loop3A_409 = arith.mulf %parallel_loop3A_406, %get3A_189 : vector<16xf32>
            %parallel_loop3A_410 = arith.addf %parallel_loop3A_408, %parallel_loop3A_409 : vector<16xf32>
            %parallel_loop3A_411 = arith.mulf %parallel_loop3A_399, %get3A_161 : vector<16xf32>
            %parallel_loop3A_412 = arith.addf %parallel_loop3A_373, %parallel_loop3A_411 : vector<16xf32>
            %parallel_loop3A_413 = arith.mulf %parallel_loop3A_406, %get3A_193 : vector<16xf32>
            %parallel_loop3A_414 = arith.addf %parallel_loop3A_412, %parallel_loop3A_413 : vector<16xf32>
            %parallel_loop3A_415 = arith.mulf %parallel_loop3A_406, %get3A_157 : vector<16xf32>
            %parallel_loop3A_416 = arith.addf %parallel_loop3A_380, %parallel_loop3A_415 : vector<16xf32>
            %parallel_loop3A_417 = arith.mulf %parallel_loop3A_399, %get3A_189 : vector<16xf32>
            %parallel_loop3A_418 = arith.subf %parallel_loop3A_416, %parallel_loop3A_417 : vector<16xf32>
            %parallel_loop3A_419 = arith.mulf %parallel_loop3A_406, %get3A_161 : vector<16xf32>
            %parallel_loop3A_420 = arith.addf %parallel_loop3A_387, %parallel_loop3A_419 : vector<16xf32>
            %parallel_loop3A_421 = arith.mulf %parallel_loop3A_399, %get3A_193 : vector<16xf32>
            %parallel_loop3A_422 = arith.subf %parallel_loop3A_420, %parallel_loop3A_421 : vector<16xf32>
            %parallel_loop3A_423 = arith.constant 8 : i32
            %parallel_loop3A_424 = arith.muli %min3A_87, %parallel_loop3A_423 : i32
            %parallel_loop3A_425 = arith.constant 4 : i32
            %parallel_loop3A_426 = arith.addi %parallel_loop3A_424, %parallel_loop3A_425 : i32
            %parallel_loop3A_427 = arith.constant 1 : i32
            %parallel_loop3A_428 = arith.addi %parallel_loop3A_426, %parallel_loop3A_427 : i32
            %parallel_loop3A_429 = vector.broadcast %parallel_loop3A_428 : i32 to vector<16xi32>
            %parallel_loop3A_430 = arith.addi %mul3A_55, %parallel_loop3A_429 : vector<16xi32>
            %parallel_loop3A_431 = arith.constant 0 : i32
            %parallel_loop3A_432 = tpu.memref_slice %arg9[%parallel_loop3A_355, %parallel_loop3A_431] : memref<16x4112xf32, #tpu.memory_space<vmem>> -> memref<1x4112xf32, #tpu.memory_space<vmem>>
            %parallel_loop3A_433 = tpu.memref_squeeze %parallel_loop3A_432 : memref<1x4112xf32, #tpu.memory_space<vmem>> -> memref<4112xf32, #tpu.memory_space<vmem>>
            %parallel_loop3A_434 = tpu.vector_load_idx %parallel_loop3A_433[%parallel_loop3A_430] : memref<4112xf32, #tpu.memory_space<vmem>>[vector<16xi32>], vector<16xf32>,
            %parallel_loop3A_435 = arith.constant 2056 : i32
            %parallel_loop3A_436 = vector.broadcast %parallel_loop3A_435 : i32 to vector<16xi32>
            %parallel_loop3A_437 = arith.addi %parallel_loop3A_430, %parallel_loop3A_436 : vector<16xi32>
            %parallel_loop3A_438 = arith.constant 0 : i32
            %parallel_loop3A_439 = tpu.memref_slice %arg9[%parallel_loop3A_355, %parallel_loop3A_438] : memref<16x4112xf32, #tpu.memory_space<vmem>> -> memref<1x4112xf32, #tpu.memory_space<vmem>>
            %parallel_loop3A_440 = tpu.memref_squeeze %parallel_loop3A_439 : memref<1x4112xf32, #tpu.memory_space<vmem>> -> memref<4112xf32, #tpu.memory_space<vmem>>
            %parallel_loop3A_441 = tpu.vector_load_idx %parallel_loop3A_440[%parallel_loop3A_437] : memref<4112xf32, #tpu.memory_space<vmem>>[vector<16xi32>], vector<16xf32>,
            %parallel_loop3A_442 = arith.mulf %parallel_loop3A_434, %get3A_165 : vector<16xf32>
            %parallel_loop3A_443 = arith.addf %parallel_loop3A_410, %parallel_loop3A_442 : vector<16xf32>
            %parallel_loop3A_444 = arith.mulf %parallel_loop3A_441, %get3A_197 : vector<16xf32>
            %parallel_loop3A_445 = arith.addf %parallel_loop3A_443, %parallel_loop3A_444 : vector<16xf32>
            %parallel_loop3A_446 = arith.mulf %parallel_loop3A_434, %get3A_169 : vector<16xf32>
            %parallel_loop3A_447 = arith.addf %parallel_loop3A_414, %parallel_loop3A_446 : vector<16xf32>
            %parallel_loop3A_448 = arith.mulf %parallel_loop3A_441, %get3A_201 : vector<16xf32>
            %parallel_loop3A_449 = arith.addf %parallel_loop3A_447, %parallel_loop3A_448 : vector<16xf32>
            %parallel_loop3A_450 = arith.mulf %parallel_loop3A_441, %get3A_165 : vector<16xf32>
            %parallel_loop3A_451 = arith.addf %parallel_loop3A_418, %parallel_loop3A_450 : vector<16xf32>
            %parallel_loop3A_452 = arith.mulf %parallel_loop3A_434, %get3A_197 : vector<16xf32>
            %parallel_loop3A_453 = arith.subf %parallel_loop3A_451, %parallel_loop3A_452 : vector<16xf32>
            %parallel_loop3A_454 = arith.mulf %parallel_loop3A_441, %get3A_169 : vector<16xf32>
            %parallel_loop3A_455 = arith.addf %parallel_loop3A_422, %parallel_loop3A_454 : vector<16xf32>
            %parallel_loop3A_456 = arith.mulf %parallel_loop3A_434, %get3A_201 : vector<16xf32>
            %parallel_loop3A_457 = arith.subf %parallel_loop3A_455, %parallel_loop3A_456 : vector<16xf32>
            %parallel_loop3A_458 = arith.constant 8 : i32
            %parallel_loop3A_459 = arith.muli %min3A_87, %parallel_loop3A_458 : i32
            %parallel_loop3A_460 = arith.constant 4 : i32
            %parallel_loop3A_461 = arith.addi %parallel_loop3A_459, %parallel_loop3A_460 : i32
            %parallel_loop3A_462 = arith.constant 2 : i32
            %parallel_loop3A_463 = arith.addi %parallel_loop3A_461, %parallel_loop3A_462 : i32
            %parallel_loop3A_464 = vector.broadcast %parallel_loop3A_463 : i32 to vector<16xi32>
            %parallel_loop3A_465 = arith.addi %mul3A_55, %parallel_loop3A_464 : vector<16xi32>
            %parallel_loop3A_466 = arith.constant 0 : i32
            %parallel_loop3A_467 = tpu.memref_slice %arg9[%parallel_loop3A_355, %parallel_loop3A_466] : memref<16x4112xf32, #tpu.memory_space<vmem>> -> memref<1x4112xf32, #tpu.memory_space<vmem>>
            %parallel_loop3A_468 = tpu.memref_squeeze %parallel_loop3A_467 : memref<1x4112xf32, #tpu.memory_space<vmem>> -> memref<4112xf32, #tpu.memory_space<vmem>>
            %parallel_loop3A_469 = tpu.vector_load_idx %parallel_loop3A_468[%parallel_loop3A_465] : memref<4112xf32, #tpu.memory_space<vmem>>[vector<16xi32>], vector<16xf32>,
            %parallel_loop3A_470 = arith.constant 2056 : i32
            %parallel_loop3A_471 = vector.broadcast %parallel_loop3A_470 : i32 to vector<16xi32>
            %parallel_loop3A_472 = arith.addi %parallel_loop3A_465, %parallel_loop3A_471 : vector<16xi32>
            %parallel_loop3A_473 = arith.constant 0 : i32
            %parallel_loop3A_474 = tpu.memref_slice %arg9[%parallel_loop3A_355, %parallel_loop3A_473] : memref<16x4112xf32, #tpu.memory_space<vmem>> -> memref<1x4112xf32, #tpu.memory_space<vmem>>
            %parallel_loop3A_475 = tpu.memref_squeeze %parallel_loop3A_474 : memref<1x4112xf32, #tpu.memory_space<vmem>> -> memref<4112xf32, #tpu.memory_space<vmem>>
            %parallel_loop3A_476 = tpu.vector_load_idx %parallel_loop3A_475[%parallel_loop3A_472] : memref<4112xf32, #tpu.memory_space<vmem>>[vector<16xi32>], vector<16xf32>,
            %parallel_loop3A_477 = arith.mulf %parallel_loop3A_469, %get3A_173 : vector<16xf32>
            %parallel_loop3A_478 = arith.addf %parallel_loop3A_445, %parallel_loop3A_477 : vector<16xf32>
            %parallel_loop3A_479 = arith.mulf %parallel_loop3A_476, %get3A_205 : vector<16xf32>
            %parallel_loop3A_480 = arith.addf %parallel_loop3A_478, %parallel_loop3A_479 : vector<16xf32>
            %parallel_loop3A_481 = arith.mulf %parallel_loop3A_469, %get3A_177 : vector<16xf32>
            %parallel_loop3A_482 = arith.addf %parallel_loop3A_449, %parallel_loop3A_481 : vector<16xf32>
            %parallel_loop3A_483 = arith.mulf %parallel_loop3A_476, %get3A_209 : vector<16xf32>
            %parallel_loop3A_484 = arith.addf %parallel_loop3A_482, %parallel_loop3A_483 : vector<16xf32>
            %parallel_loop3A_485 = arith.mulf %parallel_loop3A_476, %get3A_173 : vector<16xf32>
            %parallel_loop3A_486 = arith.addf %parallel_loop3A_453, %parallel_loop3A_485 : vector<16xf32>
            %parallel_loop3A_487 = arith.mulf %parallel_loop3A_469, %get3A_205 : vector<16xf32>
            %parallel_loop3A_488 = arith.subf %parallel_loop3A_486, %parallel_loop3A_487 : vector<16xf32>
            %parallel_loop3A_489 = arith.mulf %parallel_loop3A_476, %get3A_177 : vector<16xf32>
            %parallel_loop3A_490 = arith.addf %parallel_loop3A_457, %parallel_loop3A_489 : vector<16xf32>
            %parallel_loop3A_491 = arith.mulf %parallel_loop3A_469, %get3A_209 : vector<16xf32>
            %parallel_loop3A_492 = arith.subf %parallel_loop3A_490, %parallel_loop3A_491 : vector<16xf32>
            %parallel_loop3A_493 = arith.constant 8 : i32
            %parallel_loop3A_494 = arith.muli %min3A_87, %parallel_loop3A_493 : i32
            %parallel_loop3A_495 = arith.constant 4 : i32
            %parallel_loop3A_496 = arith.addi %parallel_loop3A_494, %parallel_loop3A_495 : i32
            %parallel_loop3A_497 = arith.constant 3 : i32
            %parallel_loop3A_498 = arith.addi %parallel_loop3A_496, %parallel_loop3A_497 : i32
            %parallel_loop3A_499 = vector.broadcast %parallel_loop3A_498 : i32 to vector<16xi32>
            %parallel_loop3A_500 = arith.addi %mul3A_55, %parallel_loop3A_499 : vector<16xi32>
            %parallel_loop3A_501 = arith.constant 0 : i32
            %parallel_loop3A_502 = tpu.memref_slice %arg9[%parallel_loop3A_355, %parallel_loop3A_501] : memref<16x4112xf32, #tpu.memory_space<vmem>> -> memref<1x4112xf32, #tpu.memory_space<vmem>>
            %parallel_loop3A_503 = tpu.memref_squeeze %parallel_loop3A_502 : memref<1x4112xf32, #tpu.memory_space<vmem>> -> memref<4112xf32, #tpu.memory_space<vmem>>
            %parallel_loop3A_504 = tpu.vector_load_idx %parallel_loop3A_503[%parallel_loop3A_500] : memref<4112xf32, #tpu.memory_space<vmem>>[vector<16xi32>], vector<16xf32>,
            %parallel_loop3A_505 = arith.constant 2056 : i32
            %parallel_loop3A_506 = vector.broadcast %parallel_loop3A_505 : i32 to vector<16xi32>
            %parallel_loop3A_507 = arith.addi %parallel_loop3A_500, %parallel_loop3A_506 : vector<16xi32>
            %parallel_loop3A_508 = arith.constant 0 : i32
            %parallel_loop3A_509 = tpu.memref_slice %arg9[%parallel_loop3A_355, %parallel_loop3A_508] : memref<16x4112xf32, #tpu.memory_space<vmem>> -> memref<1x4112xf32, #tpu.memory_space<vmem>>
            %parallel_loop3A_510 = tpu.memref_squeeze %parallel_loop3A_509 : memref<1x4112xf32, #tpu.memory_space<vmem>> -> memref<4112xf32, #tpu.memory_space<vmem>>
            %parallel_loop3A_511 = tpu.vector_load_idx %parallel_loop3A_510[%parallel_loop3A_507] : memref<4112xf32, #tpu.memory_space<vmem>>[vector<16xi32>], vector<16xf32>,
            %parallel_loop3A_512 = arith.mulf %parallel_loop3A_504, %get3A_181 : vector<16xf32>
            %parallel_loop3A_513 = arith.addf %parallel_loop3A_480, %parallel_loop3A_512 : vector<16xf32>
            %parallel_loop3A_514 = arith.mulf %parallel_loop3A_511, %get3A_213 : vector<16xf32>
            %parallel_loop3A_515 = arith.addf %parallel_loop3A_513, %parallel_loop3A_514 : vector<16xf32>
            %parallel_loop3A_516 = arith.mulf %parallel_loop3A_504, %get3A_185 : vector<16xf32>
            %parallel_loop3A_517 = arith.addf %parallel_loop3A_484, %parallel_loop3A_516 : vector<16xf32>
            %parallel_loop3A_518 = arith.mulf %parallel_loop3A_511, %get3A_217 : vector<16xf32>
            %parallel_loop3A_519 = arith.addf %parallel_loop3A_517, %parallel_loop3A_518 : vector<16xf32>
            %parallel_loop3A_520 = arith.mulf %parallel_loop3A_511, %get3A_181 : vector<16xf32>
            %parallel_loop3A_521 = arith.addf %parallel_loop3A_488, %parallel_loop3A_520 : vector<16xf32>
            %parallel_loop3A_522 = arith.mulf %parallel_loop3A_504, %get3A_213 : vector<16xf32>
            %parallel_loop3A_523 = arith.subf %parallel_loop3A_521, %parallel_loop3A_522 : vector<16xf32>
            %parallel_loop3A_524 = arith.mulf %parallel_loop3A_511, %get3A_185 : vector<16xf32>
            %parallel_loop3A_525 = arith.addf %parallel_loop3A_492, %parallel_loop3A_524 : vector<16xf32>
            %parallel_loop3A_526 = arith.mulf %parallel_loop3A_504, %get3A_217 : vector<16xf32>
            %parallel_loop3A_527 = arith.subf %parallel_loop3A_525, %parallel_loop3A_526 : vector<16xf32>
            %parallel_loop3A_528 = arith.constant 0 : i32
            %parallel_loop3A_529 = vector.broadcast %parallel_loop3A_528 : i32 to vector<16xi32>
            %parallel_loop3A_530 = arith.addi %parallel_loop3A_359, %parallel_loop3A_529 : vector<16xi32>
            %parallel_loop3A_531 = arith.constant 0 : i32
            %parallel_loop3A_532 = tpu.memref_slice %arg10[%parallel_loop3A_355, %parallel_loop3A_531] : memref<16x2056xf32, #tpu.memory_space<vmem>> -> memref<1x2056xf32, #tpu.memory_space<vmem>>
            %parallel_loop3A_533 = tpu.memref_squeeze %parallel_loop3A_532 : memref<1x2056xf32, #tpu.memory_space<vmem>> -> memref<2056xf32, #tpu.memory_space<vmem>>
            tpu.vector_store_idx %parallel_loop3A_533[%parallel_loop3A_530], %parallel_loop3A_515 : memref<2056xf32, #tpu.memory_space<vmem>>[vector<16xi32>], vector<16xf32>,
            %parallel_loop3A_534 = arith.constant 1 : i32
            %parallel_loop3A_535 = vector.broadcast %parallel_loop3A_534 : i32 to vector<16xi32>
            %parallel_loop3A_536 = arith.addi %parallel_loop3A_359, %parallel_loop3A_535 : vector<16xi32>
            %parallel_loop3A_537 = arith.constant 0 : i32
            %parallel_loop3A_538 = tpu.memref_slice %arg10[%parallel_loop3A_355, %parallel_loop3A_537] : memref<16x2056xf32, #tpu.memory_space<vmem>> -> memref<1x2056xf32, #tpu.memory_space<vmem>>
            %parallel_loop3A_539 = tpu.memref_squeeze %parallel_loop3A_538 : memref<1x2056xf32, #tpu.memory_space<vmem>> -> memref<2056xf32, #tpu.memory_space<vmem>>
            tpu.vector_store_idx %parallel_loop3A_539[%parallel_loop3A_536], %parallel_loop3A_519 : memref<2056xf32, #tpu.memory_space<vmem>>[vector<16xi32>], vector<16xf32>,
            %parallel_loop3A_540 = arith.constant 1028 : i32
            %parallel_loop3A_541 = vector.broadcast %parallel_loop3A_540 : i32 to vector<16xi32>
            %parallel_loop3A_542 = arith.addi %parallel_loop3A_359, %parallel_loop3A_541 : vector<16xi32>
            %parallel_loop3A_543 = arith.constant 0 : i32
            %parallel_loop3A_544 = tpu.memref_slice %arg10[%parallel_loop3A_355, %parallel_loop3A_543] : memref<16x2056xf32, #tpu.memory_space<vmem>> -> memref<1x2056xf32, #tpu.memory_space<vmem>>
            %parallel_loop3A_545 = tpu.memref_squeeze %parallel_loop3A_544 : memref<1x2056xf32, #tpu.memory_space<vmem>> -> memref<2056xf32, #tpu.memory_space<vmem>>
            tpu.vector_store_idx %parallel_loop3A_545[%parallel_loop3A_542], %parallel_loop3A_523 : memref<2056xf32, #tpu.memory_space<vmem>>[vector<16xi32>], vector<16xf32>,
            %parallel_loop3A_546 = arith.constant 1029 : i32
            %parallel_loop3A_547 = vector.broadcast %parallel_loop3A_546 : i32 to vector<16xi32>
            %parallel_loop3A_548 = arith.addi %parallel_loop3A_359, %parallel_loop3A_547 : vector<16xi32>
            %parallel_loop3A_549 = arith.constant 0 : i32
            %parallel_loop3A_550 = tpu.memref_slice %arg10[%parallel_loop3A_355, %parallel_loop3A_549] : memref<16x2056xf32, #tpu.memory_space<vmem>> -> memref<1x2056xf32, #tpu.memory_space<vmem>>
            %parallel_loop3A_551 = tpu.memref_squeeze %parallel_loop3A_550 : memref<1x2056xf32, #tpu.memory_space<vmem>> -> memref<2056xf32, #tpu.memory_space<vmem>>
            tpu.vector_store_idx %parallel_loop3A_551[%parallel_loop3A_548], %parallel_loop3A_527 : memref<2056xf32, #tpu.memory_space<vmem>>[vector<16xi32>], vector<16xf32>,
          } {sc.loop_unroll_factor = 1 : i64, sc.parallel_access}
          %add3A_221 = arith.constant 514 : i32
          %add3A_222 = arith.addi %add3A_221, %min3A_87 : i32
          %get3A_223 = arith.index_cast %add3A_222 : i32 to index
          %get3A_224 = tpu.vector_load %arg8[%get3A_223] {strides = array<i32>} : memref<16448xf32, #tpu.memory_space<vmem>>, vector<16xf32>,
          %add3A_225 = arith.constant 771 : i32
          %add3A_226 = arith.addi %add3A_225, %min3A_87 : i32
          %get3A_227 = arith.index_cast %add3A_226 : i32 to index
          %get3A_228 = tpu.vector_load %arg8[%get3A_227] {strides = array<i32>} : memref<16448xf32, #tpu.memory_space<vmem>>, vector<16xf32>,
          %add3A_229 = arith.constant 1542 : i32
          %add3A_230 = arith.addi %add3A_229, %min3A_87 : i32
          %get3A_231 = arith.index_cast %add3A_230 : i32 to index
          %get3A_232 = tpu.vector_load %arg8[%get3A_231] {strides = array<i32>} : memref<16448xf32, #tpu.memory_space<vmem>>, vector<16xf32>,
          %add3A_233 = arith.constant 1799 : i32
          %add3A_234 = arith.addi %add3A_233, %min3A_87 : i32
          %get3A_235 = arith.index_cast %add3A_234 : i32 to index
          %get3A_236 = tpu.vector_load %arg8[%get3A_235] {strides = array<i32>} : memref<16448xf32, #tpu.memory_space<vmem>>, vector<16xf32>,
          %add3A_237 = arith.constant 2570 : i32
          %add3A_238 = arith.addi %add3A_237, %min3A_87 : i32
          %get3A_239 = arith.index_cast %add3A_238 : i32 to index
          %get3A_240 = tpu.vector_load %arg8[%get3A_239] {strides = array<i32>} : memref<16448xf32, #tpu.memory_space<vmem>>, vector<16xf32>,
          %add3A_241 = arith.constant 2827 : i32
          %add3A_242 = arith.addi %add3A_241, %min3A_87 : i32
          %get3A_243 = arith.index_cast %add3A_242 : i32 to index
          %get3A_244 = tpu.vector_load %arg8[%get3A_243] {strides = array<i32>} : memref<16448xf32, #tpu.memory_space<vmem>>, vector<16xf32>,
          %add3A_245 = arith.constant 3598 : i32
          %add3A_246 = arith.addi %add3A_245, %min3A_87 : i32
          %get3A_247 = arith.index_cast %add3A_246 : i32 to index
          %get3A_248 = tpu.vector_load %arg8[%get3A_247] {strides = array<i32>} : memref<16448xf32, #tpu.memory_space<vmem>>, vector<16xf32>,
          %add3A_249 = arith.constant 3855 : i32
          %add3A_250 = arith.addi %add3A_249, %min3A_87 : i32
          %get3A_251 = arith.index_cast %add3A_250 : i32 to index
          %get3A_252 = tpu.vector_load %arg8[%get3A_251] {strides = array<i32>} : memref<16448xf32, #tpu.memory_space<vmem>>, vector<16xf32>,
          %add3A_253 = arith.constant 8738 : i32
          %add3A_254 = arith.addi %add3A_253, %min3A_87 : i32
          %get3A_255 = arith.index_cast %add3A_254 : i32 to index
          %get3A_256 = tpu.vector_load %arg8[%get3A_255] {strides = array<i32>} : memref<16448xf32, #tpu.memory_space<vmem>>, vector<16xf32>,
          %add3A_257 = arith.constant 8995 : i32
          %add3A_258 = arith.addi %add3A_257, %min3A_87 : i32
          %get3A_259 = arith.index_cast %add3A_258 : i32 to index
          %get3A_260 = tpu.vector_load %arg8[%get3A_259] {strides = array<i32>} : memref<16448xf32, #tpu.memory_space<vmem>>, vector<16xf32>,
          %add3A_261 = arith.constant 9766 : i32
          %add3A_262 = arith.addi %add3A_261, %min3A_87 : i32
          %get3A_263 = arith.index_cast %add3A_262 : i32 to index
          %get3A_264 = tpu.vector_load %arg8[%get3A_263] {strides = array<i32>} : memref<16448xf32, #tpu.memory_space<vmem>>, vector<16xf32>,
          %add3A_265 = arith.constant 10023 : i32
          %add3A_266 = arith.addi %add3A_265, %min3A_87 : i32
          %get3A_267 = arith.index_cast %add3A_266 : i32 to index
          %get3A_268 = tpu.vector_load %arg8[%get3A_267] {strides = array<i32>} : memref<16448xf32, #tpu.memory_space<vmem>>, vector<16xf32>,
          %add3A_269 = arith.constant 10794 : i32
          %add3A_270 = arith.addi %add3A_269, %min3A_87 : i32
          %get3A_271 = arith.index_cast %add3A_270 : i32 to index
          %get3A_272 = tpu.vector_load %arg8[%get3A_271] {strides = array<i32>} : memref<16448xf32, #tpu.memory_space<vmem>>, vector<16xf32>,
          %add3A_273 = arith.constant 11051 : i32
          %add3A_274 = arith.addi %add3A_273, %min3A_87 : i32
          %get3A_275 = arith.index_cast %add3A_274 : i32 to index
          %get3A_276 = tpu.vector_load %arg8[%get3A_275] {strides = array<i32>} : memref<16448xf32, #tpu.memory_space<vmem>>, vector<16xf32>,
          %add3A_277 = arith.constant 11822 : i32
          %add3A_278 = arith.addi %add3A_277, %min3A_87 : i32
          %get3A_279 = arith.index_cast %add3A_278 : i32 to index
          %get3A_280 = tpu.vector_load %arg8[%get3A_279] {strides = array<i32>} : memref<16448xf32, #tpu.memory_space<vmem>>, vector<16xf32>,
          %add3A_281 = arith.constant 12079 : i32
          %add3A_282 = arith.addi %add3A_281, %min3A_87 : i32
          %get3A_283 = arith.index_cast %add3A_282 : i32 to index
          %get3A_284 = tpu.vector_load %arg8[%get3A_283] {strides = array<i32>} : memref<16448xf32, #tpu.memory_space<vmem>>, vector<16xf32>,
          %parallel_loop3A_285 = arith.constant 0 : i32
          %parallel_loop3A_286 = arith.constant 16 : i32
          %parallel_loop3A_287 = arith.constant 1 : i32
          scf.for %parallel_loop3A_355 = %parallel_loop3A_285 to %parallel_loop3A_286 step %parallel_loop3A_287  : i32 {
            %parallel_loop3A_356 = arith.constant 4 : i32
            %parallel_loop3A_357 = arith.muli %min3A_87, %parallel_loop3A_356 : i32
            %parallel_loop3A_358 = vector.broadcast %parallel_loop3A_357 : i32 to vector<16xi32>
            %parallel_loop3A_359 = arith.addi %mul3A_58, %parallel_loop3A_358 : vector<16xi32>
            %parallel_loop3A_360 = arith.constant 0.000000e+00 : f32
            %parallel_loop3A_361 = vector.broadcast %parallel_loop3A_360 : f32 to vector<16xf32>
            %parallel_loop3A_362 = arith.constant 0.000000e+00 : f32
            %parallel_loop3A_363 = vector.broadcast %parallel_loop3A_362 : f32 to vector<16xf32>
            %parallel_loop3A_364 = arith.constant 0.000000e+00 : f32
            %parallel_loop3A_365 = vector.broadcast %parallel_loop3A_364 : f32 to vector<16xf32>
            %parallel_loop3A_366 = arith.constant 0.000000e+00 : f32
            %parallel_loop3A_367 = vector.broadcast %parallel_loop3A_366 : f32 to vector<16xf32>
            %parallel_loop3A_368 = arith.constant 8 : i32
            %parallel_loop3A_369 = arith.muli %min3A_87, %parallel_loop3A_368 : i32
            %parallel_loop3A_370 = arith.constant 0 : i32
            %parallel_loop3A_371 = arith.addi %parallel_loop3A_369, %parallel_loop3A_370 : i32
            %parallel_loop3A_372 = arith.constant 0 : i32
            %parallel_loop3A_373 = arith.addi %parallel_loop3A_371, %parallel_loop3A_372 : i32
            %parallel_loop3A_374 = vector.broadcast %parallel_loop3A_373 : i32 to vector<16xi32>
            %parallel_loop3A_375 = arith.addi %mul3A_55, %parallel_loop3A_374 : vector<16xi32>
            %parallel_loop3A_376 = arith.constant 0 : i32
            %parallel_loop3A_377 = tpu.memref_slice %arg9[%parallel_loop3A_355, %parallel_loop3A_376] : memref<16x4112xf32, #tpu.memory_space<vmem>> -> memref<1x4112xf32, #tpu.memory_space<vmem>>
            %parallel_loop3A_378 = tpu.memref_squeeze %parallel_loop3A_377 : memref<1x4112xf32, #tpu.memory_space<vmem>> -> memref<4112xf32, #tpu.memory_space<vmem>>
            %parallel_loop3A_379 = tpu.vector_load_idx %parallel_loop3A_378[%parallel_loop3A_375] : memref<4112xf32, #tpu.memory_space<vmem>>[vector<16xi32>], vector<16xf32>,
            %parallel_loop3A_380 = arith.constant 2056 : i32
            %parallel_loop3A_381 = vector.broadcast %parallel_loop3A_380 : i32 to vector<16xi32>
            %parallel_loop3A_382 = arith.addi %parallel_loop3A_375, %parallel_loop3A_381 : vector<16xi32>
            %parallel_loop3A_383 = arith.constant 0 : i32
            %parallel_loop3A_384 = tpu.memref_slice %arg9[%parallel_loop3A_355, %parallel_loop3A_383] : memref<16x4112xf32, #tpu.memory_space<vmem>> -> memref<1x4112xf32, #tpu.memory_space<vmem>>
            %parallel_loop3A_385 = tpu.memref_squeeze %parallel_loop3A_384 : memref<1x4112xf32, #tpu.memory_space<vmem>> -> memref<4112xf32, #tpu.memory_space<vmem>>
            %parallel_loop3A_386 = tpu.vector_load_idx %parallel_loop3A_385[%parallel_loop3A_382] : memref<4112xf32, #tpu.memory_space<vmem>>[vector<16xi32>], vector<16xf32>,
            %parallel_loop3A_387 = arith.mulf %parallel_loop3A_379, %get3A_224 : vector<16xf32>
            %parallel_loop3A_388 = arith.addf %parallel_loop3A_361, %parallel_loop3A_387 : vector<16xf32>
            %parallel_loop3A_389 = arith.mulf %parallel_loop3A_386, %get3A_256 : vector<16xf32>
            %parallel_loop3A_390 = arith.addf %parallel_loop3A_388, %parallel_loop3A_389 : vector<16xf32>
            %parallel_loop3A_391 = arith.mulf %parallel_loop3A_379, %get3A_228 : vector<16xf32>
            %parallel_loop3A_392 = arith.addf %parallel_loop3A_363, %parallel_loop3A_391 : vector<16xf32>
            %parallel_loop3A_393 = arith.mulf %parallel_loop3A_386, %get3A_260 : vector<16xf32>
            %parallel_loop3A_394 = arith.addf %parallel_loop3A_392, %parallel_loop3A_393 : vector<16xf32>
            %parallel_loop3A_395 = arith.mulf %parallel_loop3A_386, %get3A_224 : vector<16xf32>
            %parallel_loop3A_396 = arith.addf %parallel_loop3A_365, %parallel_loop3A_395 : vector<16xf32>
            %parallel_loop3A_397 = arith.mulf %parallel_loop3A_379, %get3A_256 : vector<16xf32>
            %parallel_loop3A_398 = arith.subf %parallel_loop3A_396, %parallel_loop3A_397 : vector<16xf32>
            %parallel_loop3A_399 = arith.mulf %parallel_loop3A_386, %get3A_228 : vector<16xf32>
            %parallel_loop3A_400 = arith.addf %parallel_loop3A_367, %parallel_loop3A_399 : vector<16xf32>
            %parallel_loop3A_401 = arith.mulf %parallel_loop3A_379, %get3A_260 : vector<16xf32>
            %parallel_loop3A_402 = arith.subf %parallel_loop3A_400, %parallel_loop3A_401 : vector<16xf32>
            %parallel_loop3A_403 = arith.constant 8 : i32
            %parallel_loop3A_404 = arith.muli %min3A_87, %parallel_loop3A_403 : i32
            %parallel_loop3A_405 = arith.constant 0 : i32
            %parallel_loop3A_406 = arith.addi %parallel_loop3A_404, %parallel_loop3A_405 : i32
            %parallel_loop3A_407 = arith.constant 1 : i32
            %parallel_loop3A_408 = arith.addi %parallel_loop3A_406, %parallel_loop3A_407 : i32
            %parallel_loop3A_409 = vector.broadcast %parallel_loop3A_408 : i32 to vector<16xi32>
            %parallel_loop3A_410 = arith.addi %mul3A_55, %parallel_loop3A_409 : vector<16xi32>
            %parallel_loop3A_411 = arith.constant 0 : i32
            %parallel_loop3A_412 = tpu.memref_slice %arg9[%parallel_loop3A_355, %parallel_loop3A_411] : memref<16x4112xf32, #tpu.memory_space<vmem>> -> memref<1x4112xf32, #tpu.memory_space<vmem>>
            %parallel_loop3A_413 = tpu.memref_squeeze %parallel_loop3A_412 : memref<1x4112xf32, #tpu.memory_space<vmem>> -> memref<4112xf32, #tpu.memory_space<vmem>>
            %parallel_loop3A_414 = tpu.vector_load_idx %parallel_loop3A_413[%parallel_loop3A_410] : memref<4112xf32, #tpu.memory_space<vmem>>[vector<16xi32>], vector<16xf32>,
            %parallel_loop3A_415 = arith.constant 2056 : i32
            %parallel_loop3A_416 = vector.broadcast %parallel_loop3A_415 : i32 to vector<16xi32>
            %parallel_loop3A_417 = arith.addi %parallel_loop3A_410, %parallel_loop3A_416 : vector<16xi32>
            %parallel_loop3A_418 = arith.constant 0 : i32
            %parallel_loop3A_419 = tpu.memref_slice %arg9[%parallel_loop3A_355, %parallel_loop3A_418] : memref<16x4112xf32, #tpu.memory_space<vmem>> -> memref<1x4112xf32, #tpu.memory_space<vmem>>
            %parallel_loop3A_420 = tpu.memref_squeeze %parallel_loop3A_419 : memref<1x4112xf32, #tpu.memory_space<vmem>> -> memref<4112xf32, #tpu.memory_space<vmem>>
            %parallel_loop3A_421 = tpu.vector_load_idx %parallel_loop3A_420[%parallel_loop3A_417] : memref<4112xf32, #tpu.memory_space<vmem>>[vector<16xi32>], vector<16xf32>,
            %parallel_loop3A_422 = arith.mulf %parallel_loop3A_414, %get3A_232 : vector<16xf32>
            %parallel_loop3A_423 = arith.addf %parallel_loop3A_390, %parallel_loop3A_422 : vector<16xf32>
            %parallel_loop3A_424 = arith.mulf %parallel_loop3A_421, %get3A_264 : vector<16xf32>
            %parallel_loop3A_425 = arith.addf %parallel_loop3A_423, %parallel_loop3A_424 : vector<16xf32>
            %parallel_loop3A_426 = arith.mulf %parallel_loop3A_414, %get3A_236 : vector<16xf32>
            %parallel_loop3A_427 = arith.addf %parallel_loop3A_394, %parallel_loop3A_426 : vector<16xf32>
            %parallel_loop3A_428 = arith.mulf %parallel_loop3A_421, %get3A_268 : vector<16xf32>
            %parallel_loop3A_429 = arith.addf %parallel_loop3A_427, %parallel_loop3A_428 : vector<16xf32>
            %parallel_loop3A_430 = arith.mulf %parallel_loop3A_421, %get3A_232 : vector<16xf32>
            %parallel_loop3A_431 = arith.addf %parallel_loop3A_398, %parallel_loop3A_430 : vector<16xf32>
            %parallel_loop3A_432 = arith.mulf %parallel_loop3A_414, %get3A_264 : vector<16xf32>
            %parallel_loop3A_433 = arith.subf %parallel_loop3A_431, %parallel_loop3A_432 : vector<16xf32>
            %parallel_loop3A_434 = arith.mulf %parallel_loop3A_421, %get3A_236 : vector<16xf32>
            %parallel_loop3A_435 = arith.addf %parallel_loop3A_402, %parallel_loop3A_434 : vector<16xf32>
            %parallel_loop3A_436 = arith.mulf %parallel_loop3A_414, %get3A_268 : vector<16xf32>
            %parallel_loop3A_437 = arith.subf %parallel_loop3A_435, %parallel_loop3A_436 : vector<16xf32>
            %parallel_loop3A_438 = arith.constant 8 : i32
            %parallel_loop3A_439 = arith.muli %min3A_87, %parallel_loop3A_438 : i32
            %parallel_loop3A_440 = arith.constant 0 : i32
            %parallel_loop3A_441 = arith.addi %parallel_loop3A_439, %parallel_loop3A_440 : i32
            %parallel_loop3A_442 = arith.constant 2 : i32
            %parallel_loop3A_443 = arith.addi %parallel_loop3A_441, %parallel_loop3A_442 : i32
            %parallel_loop3A_444 = vector.broadcast %parallel_loop3A_443 : i32 to vector<16xi32>
            %parallel_loop3A_445 = arith.addi %mul3A_55, %parallel_loop3A_444 : vector<16xi32>
            %parallel_loop3A_446 = arith.constant 0 : i32
            %parallel_loop3A_447 = tpu.memref_slice %arg9[%parallel_loop3A_355, %parallel_loop3A_446] : memref<16x4112xf32, #tpu.memory_space<vmem>> -> memref<1x4112xf32, #tpu.memory_space<vmem>>
            %parallel_loop3A_448 = tpu.memref_squeeze %parallel_loop3A_447 : memref<1x4112xf32, #tpu.memory_space<vmem>> -> memref<4112xf32, #tpu.memory_space<vmem>>
            %parallel_loop3A_449 = tpu.vector_load_idx %parallel_loop3A_448[%parallel_loop3A_445] : memref<4112xf32, #tpu.memory_space<vmem>>[vector<16xi32>], vector<16xf32>,
            %parallel_loop3A_450 = arith.constant 2056 : i32
            %parallel_loop3A_451 = vector.broadcast %parallel_loop3A_450 : i32 to vector<16xi32>
            %parallel_loop3A_452 = arith.addi %parallel_loop3A_445, %parallel_loop3A_451 : vector<16xi32>
            %parallel_loop3A_453 = arith.constant 0 : i32
            %parallel_loop3A_454 = tpu.memref_slice %arg9[%parallel_loop3A_355, %parallel_loop3A_453] : memref<16x4112xf32, #tpu.memory_space<vmem>> -> memref<1x4112xf32, #tpu.memory_space<vmem>>
            %parallel_loop3A_455 = tpu.memref_squeeze %parallel_loop3A_454 : memref<1x4112xf32, #tpu.memory_space<vmem>> -> memref<4112xf32, #tpu.memory_space<vmem>>
            %parallel_loop3A_456 = tpu.vector_load_idx %parallel_loop3A_455[%parallel_loop3A_452] : memref<4112xf32, #tpu.memory_space<vmem>>[vector<16xi32>], vector<16xf32>,
            %parallel_loop3A_457 = arith.mulf %parallel_loop3A_449, %get3A_240 : vector<16xf32>
            %parallel_loop3A_458 = arith.addf %parallel_loop3A_425, %parallel_loop3A_457 : vector<16xf32>
            %parallel_loop3A_459 = arith.mulf %parallel_loop3A_456, %get3A_272 : vector<16xf32>
            %parallel_loop3A_460 = arith.addf %parallel_loop3A_458, %parallel_loop3A_459 : vector<16xf32>
            %parallel_loop3A_461 = arith.mulf %parallel_loop3A_449, %get3A_244 : vector<16xf32>
            %parallel_loop3A_462 = arith.addf %parallel_loop3A_429, %parallel_loop3A_461 : vector<16xf32>
            %parallel_loop3A_463 = arith.mulf %parallel_loop3A_456, %get3A_276 : vector<16xf32>
            %parallel_loop3A_464 = arith.addf %parallel_loop3A_462, %parallel_loop3A_463 : vector<16xf32>
            %parallel_loop3A_465 = arith.mulf %parallel_loop3A_456, %get3A_240 : vector<16xf32>
            %parallel_loop3A_466 = arith.addf %parallel_loop3A_433, %parallel_loop3A_465 : vector<16xf32>
            %parallel_loop3A_467 = arith.mulf %parallel_loop3A_449, %get3A_272 : vector<16xf32>
            %parallel_loop3A_468 = arith.subf %parallel_loop3A_466, %parallel_loop3A_467 : vector<16xf32>
            %parallel_loop3A_469 = arith.mulf %parallel_loop3A_456, %get3A_244 : vector<16xf32>
            %parallel_loop3A_470 = arith.addf %parallel_loop3A_437, %parallel_loop3A_469 : vector<16xf32>
            %parallel_loop3A_471 = arith.mulf %parallel_loop3A_449, %get3A_276 : vector<16xf32>
            %parallel_loop3A_472 = arith.subf %parallel_loop3A_470, %parallel_loop3A_471 : vector<16xf32>
            %parallel_loop3A_473 = arith.constant 8 : i32
            %parallel_loop3A_474 = arith.muli %min3A_87, %parallel_loop3A_473 : i32
            %parallel_loop3A_475 = arith.constant 0 : i32
            %parallel_loop3A_476 = arith.addi %parallel_loop3A_474, %parallel_loop3A_475 : i32
            %parallel_loop3A_477 = arith.constant 3 : i32
            %parallel_loop3A_478 = arith.addi %parallel_loop3A_476, %parallel_loop3A_477 : i32
            %parallel_loop3A_479 = vector.broadcast %parallel_loop3A_478 : i32 to vector<16xi32>
            %parallel_loop3A_480 = arith.addi %mul3A_55, %parallel_loop3A_479 : vector<16xi32>
            %parallel_loop3A_481 = arith.constant 0 : i32
            %parallel_loop3A_482 = tpu.memref_slice %arg9[%parallel_loop3A_355, %parallel_loop3A_481] : memref<16x4112xf32, #tpu.memory_space<vmem>> -> memref<1x4112xf32, #tpu.memory_space<vmem>>
            %parallel_loop3A_483 = tpu.memref_squeeze %parallel_loop3A_482 : memref<1x4112xf32, #tpu.memory_space<vmem>> -> memref<4112xf32, #tpu.memory_space<vmem>>
            %parallel_loop3A_484 = tpu.vector_load_idx %parallel_loop3A_483[%parallel_loop3A_480] : memref<4112xf32, #tpu.memory_space<vmem>>[vector<16xi32>], vector<16xf32>,
            %parallel_loop3A_485 = arith.constant 2056 : i32
            %parallel_loop3A_486 = vector.broadcast %parallel_loop3A_485 : i32 to vector<16xi32>
            %parallel_loop3A_487 = arith.addi %parallel_loop3A_480, %parallel_loop3A_486 : vector<16xi32>
            %parallel_loop3A_488 = arith.constant 0 : i32
            %parallel_loop3A_489 = tpu.memref_slice %arg9[%parallel_loop3A_355, %parallel_loop3A_488] : memref<16x4112xf32, #tpu.memory_space<vmem>> -> memref<1x4112xf32, #tpu.memory_space<vmem>>
            %parallel_loop3A_490 = tpu.memref_squeeze %parallel_loop3A_489 : memref<1x4112xf32, #tpu.memory_space<vmem>> -> memref<4112xf32, #tpu.memory_space<vmem>>
            %parallel_loop3A_491 = tpu.vector_load_idx %parallel_loop3A_490[%parallel_loop3A_487] : memref<4112xf32, #tpu.memory_space<vmem>>[vector<16xi32>], vector<16xf32>,
            %parallel_loop3A_492 = arith.mulf %parallel_loop3A_484, %get3A_248 : vector<16xf32>
            %parallel_loop3A_493 = arith.addf %parallel_loop3A_460, %parallel_loop3A_492 : vector<16xf32>
            %parallel_loop3A_494 = arith.mulf %parallel_loop3A_491, %get3A_280 : vector<16xf32>
            %parallel_loop3A_495 = arith.addf %parallel_loop3A_493, %parallel_loop3A_494 : vector<16xf32>
            %parallel_loop3A_496 = arith.mulf %parallel_loop3A_484, %get3A_252 : vector<16xf32>
            %parallel_loop3A_497 = arith.addf %parallel_loop3A_464, %parallel_loop3A_496 : vector<16xf32>
            %parallel_loop3A_498 = arith.mulf %parallel_loop3A_491, %get3A_284 : vector<16xf32>
            %parallel_loop3A_499 = arith.addf %parallel_loop3A_497, %parallel_loop3A_498 : vector<16xf32>
            %parallel_loop3A_500 = arith.mulf %parallel_loop3A_491, %get3A_248 : vector<16xf32>
            %parallel_loop3A_501 = arith.addf %parallel_loop3A_468, %parallel_loop3A_500 : vector<16xf32>
            %parallel_loop3A_502 = arith.mulf %parallel_loop3A_484, %get3A_280 : vector<16xf32>
            %parallel_loop3A_503 = arith.subf %parallel_loop3A_501, %parallel_loop3A_502 : vector<16xf32>
            %parallel_loop3A_504 = arith.mulf %parallel_loop3A_491, %get3A_252 : vector<16xf32>
            %parallel_loop3A_505 = arith.addf %parallel_loop3A_472, %parallel_loop3A_504 : vector<16xf32>
            %parallel_loop3A_506 = arith.mulf %parallel_loop3A_484, %get3A_284 : vector<16xf32>
            %parallel_loop3A_507 = arith.subf %parallel_loop3A_505, %parallel_loop3A_506 : vector<16xf32>
            %parallel_loop3A_508 = arith.constant 2 : i32
            %parallel_loop3A_509 = vector.broadcast %parallel_loop3A_508 : i32 to vector<16xi32>
            %parallel_loop3A_510 = arith.addi %parallel_loop3A_359, %parallel_loop3A_509 : vector<16xi32>
            %parallel_loop3A_511 = arith.constant 0 : i32
            %parallel_loop3A_512 = tpu.memref_slice %arg10[%parallel_loop3A_355, %parallel_loop3A_511] : memref<16x2056xf32, #tpu.memory_space<vmem>> -> memref<1x2056xf32, #tpu.memory_space<vmem>>
            %parallel_loop3A_513 = tpu.memref_squeeze %parallel_loop3A_512 : memref<1x2056xf32, #tpu.memory_space<vmem>> -> memref<2056xf32, #tpu.memory_space<vmem>>
            tpu.vector_store_idx %parallel_loop3A_513[%parallel_loop3A_510], %parallel_loop3A_495 : memref<2056xf32, #tpu.memory_space<vmem>>[vector<16xi32>], vector<16xf32>,
            %parallel_loop3A_514 = arith.constant 3 : i32
            %parallel_loop3A_515 = vector.broadcast %parallel_loop3A_514 : i32 to vector<16xi32>
            %parallel_loop3A_516 = arith.addi %parallel_loop3A_359, %parallel_loop3A_515 : vector<16xi32>
            %parallel_loop3A_517 = arith.constant 0 : i32
            %parallel_loop3A_518 = tpu.memref_slice %arg10[%parallel_loop3A_355, %parallel_loop3A_517] : memref<16x2056xf32, #tpu.memory_space<vmem>> -> memref<1x2056xf32, #tpu.memory_space<vmem>>
            %parallel_loop3A_519 = tpu.memref_squeeze %parallel_loop3A_518 : memref<1x2056xf32, #tpu.memory_space<vmem>> -> memref<2056xf32, #tpu.memory_space<vmem>>
            tpu.vector_store_idx %parallel_loop3A_519[%parallel_loop3A_516], %parallel_loop3A_499 : memref<2056xf32, #tpu.memory_space<vmem>>[vector<16xi32>], vector<16xf32>,
            %parallel_loop3A_520 = arith.constant 1030 : i32
            %parallel_loop3A_521 = vector.broadcast %parallel_loop3A_520 : i32 to vector<16xi32>
            %parallel_loop3A_522 = arith.addi %parallel_loop3A_359, %parallel_loop3A_521 : vector<16xi32>
            %parallel_loop3A_523 = arith.constant 0 : i32
            %parallel_loop3A_524 = tpu.memref_slice %arg10[%parallel_loop3A_355, %parallel_loop3A_523] : memref<16x2056xf32, #tpu.memory_space<vmem>> -> memref<1x2056xf32, #tpu.memory_space<vmem>>
            %parallel_loop3A_525 = tpu.memref_squeeze %parallel_loop3A_524 : memref<1x2056xf32, #tpu.memory_space<vmem>> -> memref<2056xf32, #tpu.memory_space<vmem>>
            tpu.vector_store_idx %parallel_loop3A_525[%parallel_loop3A_522], %parallel_loop3A_503 : memref<2056xf32, #tpu.memory_space<vmem>>[vector<16xi32>], vector<16xf32>,
            %parallel_loop3A_526 = arith.constant 1031 : i32
            %parallel_loop3A_527 = vector.broadcast %parallel_loop3A_526 : i32 to vector<16xi32>
            %parallel_loop3A_528 = arith.addi %parallel_loop3A_359, %parallel_loop3A_527 : vector<16xi32>
            %parallel_loop3A_529 = arith.constant 0 : i32
            %parallel_loop3A_530 = tpu.memref_slice %arg10[%parallel_loop3A_355, %parallel_loop3A_529] : memref<16x2056xf32, #tpu.memory_space<vmem>> -> memref<1x2056xf32, #tpu.memory_space<vmem>>
            %parallel_loop3A_531 = tpu.memref_squeeze %parallel_loop3A_530 : memref<1x2056xf32, #tpu.memory_space<vmem>> -> memref<2056xf32, #tpu.memory_space<vmem>>
            tpu.vector_store_idx %parallel_loop3A_531[%parallel_loop3A_528], %parallel_loop3A_507 : memref<2056xf32, #tpu.memory_space<vmem>>[vector<16xi32>], vector<16xf32>,
          } {sc.loop_unroll_factor = 1 : i64, sc.parallel_access}
          %add3A_288 = arith.constant 4626 : i32
          %add3A_289 = arith.addi %add3A_288, %min3A_87 : i32
          %get3A_290 = arith.index_cast %add3A_289 : i32 to index
          %get3A_291 = tpu.vector_load %arg8[%get3A_290] {strides = array<i32>} : memref<16448xf32, #tpu.memory_space<vmem>>, vector<16xf32>,
          %add3A_292 = arith.constant 4883 : i32
          %add3A_293 = arith.addi %add3A_292, %min3A_87 : i32
          %get3A_294 = arith.index_cast %add3A_293 : i32 to index
          %get3A_295 = tpu.vector_load %arg8[%get3A_294] {strides = array<i32>} : memref<16448xf32, #tpu.memory_space<vmem>>, vector<16xf32>,
          %add3A_296 = arith.constant 5654 : i32
          %add3A_297 = arith.addi %add3A_296, %min3A_87 : i32
          %get3A_298 = arith.index_cast %add3A_297 : i32 to index
          %get3A_299 = tpu.vector_load %arg8[%get3A_298] {strides = array<i32>} : memref<16448xf32, #tpu.memory_space<vmem>>, vector<16xf32>,
          %add3A_300 = arith.constant 5911 : i32
          %add3A_301 = arith.addi %add3A_300, %min3A_87 : i32
          %get3A_302 = arith.index_cast %add3A_301 : i32 to index
          %get3A_303 = tpu.vector_load %arg8[%get3A_302] {strides = array<i32>} : memref<16448xf32, #tpu.memory_space<vmem>>, vector<16xf32>,
          %add3A_304 = arith.constant 6682 : i32
          %add3A_305 = arith.addi %add3A_304, %min3A_87 : i32
          %get3A_306 = arith.index_cast %add3A_305 : i32 to index
          %get3A_307 = tpu.vector_load %arg8[%get3A_306] {strides = array<i32>} : memref<16448xf32, #tpu.memory_space<vmem>>, vector<16xf32>,
          %add3A_308 = arith.constant 6939 : i32
          %add3A_309 = arith.addi %add3A_308, %min3A_87 : i32
          %get3A_310 = arith.index_cast %add3A_309 : i32 to index
          %get3A_311 = tpu.vector_load %arg8[%get3A_310] {strides = array<i32>} : memref<16448xf32, #tpu.memory_space<vmem>>, vector<16xf32>,
          %add3A_312 = arith.constant 7710 : i32
          %add3A_313 = arith.addi %add3A_312, %min3A_87 : i32
          %get3A_314 = arith.index_cast %add3A_313 : i32 to index
          %get3A_315 = tpu.vector_load %arg8[%get3A_314] {strides = array<i32>} : memref<16448xf32, #tpu.memory_space<vmem>>, vector<16xf32>,
          %add3A_316 = arith.constant 7967 : i32
          %add3A_317 = arith.addi %add3A_316, %min3A_87 : i32
          %get3A_318 = arith.index_cast %add3A_317 : i32 to index
          %get3A_319 = tpu.vector_load %arg8[%get3A_318] {strides = array<i32>} : memref<16448xf32, #tpu.memory_space<vmem>>, vector<16xf32>,
          %add3A_320 = arith.constant 12850 : i32
          %add3A_321 = arith.addi %add3A_320, %min3A_87 : i32
          %get3A_322 = arith.index_cast %add3A_321 : i32 to index
          %get3A_323 = tpu.vector_load %arg8[%get3A_322] {strides = array<i32>} : memref<16448xf32, #tpu.memory_space<vmem>>, vector<16xf32>,
          %add3A_324 = arith.constant 13107 : i32
          %add3A_325 = arith.addi %add3A_324, %min3A_87 : i32
          %get3A_326 = arith.index_cast %add3A_325 : i32 to index
          %get3A_327 = tpu.vector_load %arg8[%get3A_326] {strides = array<i32>} : memref<16448xf32, #tpu.memory_space<vmem>>, vector<16xf32>,
          %add3A_328 = arith.constant 13878 : i32
          %add3A_329 = arith.addi %add3A_328, %min3A_87 : i32
          %get3A_330 = arith.index_cast %add3A_329 : i32 to index
          %get3A_331 = tpu.vector_load %arg8[%get3A_330] {strides = array<i32>} : memref<16448xf32, #tpu.memory_space<vmem>>, vector<16xf32>,
          %add3A_332 = arith.constant 14135 : i32
          %add3A_333 = arith.addi %add3A_332, %min3A_87 : i32
          %get3A_334 = arith.index_cast %add3A_333 : i32 to index
          %get3A_335 = tpu.vector_load %arg8[%get3A_334] {strides = array<i32>} : memref<16448xf32, #tpu.memory_space<vmem>>, vector<16xf32>,
          %add3A_336 = arith.constant 14906 : i32
          %add3A_337 = arith.addi %add3A_336, %min3A_87 : i32
          %get3A_338 = arith.index_cast %add3A_337 : i32 to index
          %get3A_339 = tpu.vector_load %arg8[%get3A_338] {strides = array<i32>} : memref<16448xf32, #tpu.memory_space<vmem>>, vector<16xf32>,
          %add3A_340 = arith.constant 15163 : i32
          %add3A_341 = arith.addi %add3A_340, %min3A_87 : i32
          %get3A_342 = arith.index_cast %add3A_341 : i32 to index
          %get3A_343 = tpu.vector_load %arg8[%get3A_342] {strides = array<i32>} : memref<16448xf32, #tpu.memory_space<vmem>>, vector<16xf32>,
          %add3A_344 = arith.constant 15934 : i32
          %add3A_345 = arith.addi %add3A_344, %min3A_87 : i32
          %get3A_346 = arith.index_cast %add3A_345 : i32 to index
          %get3A_347 = tpu.vector_load %arg8[%get3A_346] {strides = array<i32>} : memref<16448xf32, #tpu.memory_space<vmem>>, vector<16xf32>,
          %add3A_348 = arith.constant 16191 : i32
          %add3A_349 = arith.addi %add3A_348, %min3A_87 : i32
          %get3A_350 = arith.index_cast %add3A_349 : i32 to index
          %get3A_351 = tpu.vector_load %arg8[%get3A_350] {strides = array<i32>} : memref<16448xf32, #tpu.memory_space<vmem>>, vector<16xf32>,
          %parallel_loop3A_352 = arith.constant 0 : i32
          %parallel_loop3A_353 = arith.constant 16 : i32
          %parallel_loop3A_354 = arith.constant 1 : i32
          scf.for %parallel_loop3A_355 = %parallel_loop3A_352 to %parallel_loop3A_353 step %parallel_loop3A_354  : i32 {
            %parallel_loop3A_356 = arith.constant 4 : i32
            %parallel_loop3A_357 = arith.muli %min3A_87, %parallel_loop3A_356 : i32
            %parallel_loop3A_358 = vector.broadcast %parallel_loop3A_357 : i32 to vector<16xi32>
            %parallel_loop3A_359 = arith.addi %mul3A_58, %parallel_loop3A_358 : vector<16xi32>
            %parallel_loop3A_360 = arith.constant 2 : i32
            %parallel_loop3A_361 = vector.broadcast %parallel_loop3A_360 : i32 to vector<16xi32>
            %parallel_loop3A_362 = arith.addi %parallel_loop3A_359, %parallel_loop3A_361 : vector<16xi32>
            %parallel_loop3A_363 = arith.constant 0 : i32
            %parallel_loop3A_364 = tpu.memref_slice %arg10[%parallel_loop3A_355, %parallel_loop3A_363] : memref<16x2056xf32, #tpu.memory_space<vmem>> -> memref<1x2056xf32, #tpu.memory_space<vmem>>
            %parallel_loop3A_365 = tpu.memref_squeeze %parallel_loop3A_364 : memref<1x2056xf32, #tpu.memory_space<vmem>> -> memref<2056xf32, #tpu.memory_space<vmem>>
            %parallel_loop3A_366 = tpu.vector_load_idx %parallel_loop3A_365[%parallel_loop3A_362] : memref<2056xf32, #tpu.memory_space<vmem>>[vector<16xi32>], vector<16xf32>,
            %parallel_loop3A_367 = arith.constant 3 : i32
            %parallel_loop3A_368 = vector.broadcast %parallel_loop3A_367 : i32 to vector<16xi32>
            %parallel_loop3A_369 = arith.addi %parallel_loop3A_359, %parallel_loop3A_368 : vector<16xi32>
            %parallel_loop3A_370 = arith.constant 0 : i32
            %parallel_loop3A_371 = tpu.memref_slice %arg10[%parallel_loop3A_355, %parallel_loop3A_370] : memref<16x2056xf32, #tpu.memory_space<vmem>> -> memref<1x2056xf32, #tpu.memory_space<vmem>>
            %parallel_loop3A_372 = tpu.memref_squeeze %parallel_loop3A_371 : memref<1x2056xf32, #tpu.memory_space<vmem>> -> memref<2056xf32, #tpu.memory_space<vmem>>
            %parallel_loop3A_373 = tpu.vector_load_idx %parallel_loop3A_372[%parallel_loop3A_369] : memref<2056xf32, #tpu.memory_space<vmem>>[vector<16xi32>], vector<16xf32>,
            %parallel_loop3A_374 = arith.constant 1030 : i32
            %parallel_loop3A_375 = vector.broadcast %parallel_loop3A_374 : i32 to vector<16xi32>
            %parallel_loop3A_376 = arith.addi %parallel_loop3A_359, %parallel_loop3A_375 : vector<16xi32>
            %parallel_loop3A_377 = arith.constant 0 : i32
            %parallel_loop3A_378 = tpu.memref_slice %arg10[%parallel_loop3A_355, %parallel_loop3A_377] : memref<16x2056xf32, #tpu.memory_space<vmem>> -> memref<1x2056xf32, #tpu.memory_space<vmem>>
            %parallel_loop3A_379 = tpu.memref_squeeze %parallel_loop3A_378 : memref<1x2056xf32, #tpu.memory_space<vmem>> -> memref<2056xf32, #tpu.memory_space<vmem>>
            %parallel_loop3A_380 = tpu.vector_load_idx %parallel_loop3A_379[%parallel_loop3A_376] : memref<2056xf32, #tpu.memory_space<vmem>>[vector<16xi32>], vector<16xf32>,
            %parallel_loop3A_381 = arith.constant 1031 : i32
            %parallel_loop3A_382 = vector.broadcast %parallel_loop3A_381 : i32 to vector<16xi32>
            %parallel_loop3A_383 = arith.addi %parallel_loop3A_359, %parallel_loop3A_382 : vector<16xi32>
            %parallel_loop3A_384 = arith.constant 0 : i32
            %parallel_loop3A_385 = tpu.memref_slice %arg10[%parallel_loop3A_355, %parallel_loop3A_384] : memref<16x2056xf32, #tpu.memory_space<vmem>> -> memref<1x2056xf32, #tpu.memory_space<vmem>>
            %parallel_loop3A_386 = tpu.memref_squeeze %parallel_loop3A_385 : memref<1x2056xf32, #tpu.memory_space<vmem>> -> memref<2056xf32, #tpu.memory_space<vmem>>
            %parallel_loop3A_387 = tpu.vector_load_idx %parallel_loop3A_386[%parallel_loop3A_383] : memref<2056xf32, #tpu.memory_space<vmem>>[vector<16xi32>], vector<16xf32>,
            %parallel_loop3A_388 = arith.constant 8 : i32
            %parallel_loop3A_389 = arith.muli %min3A_87, %parallel_loop3A_388 : i32
            %parallel_loop3A_390 = arith.constant 4 : i32
            %parallel_loop3A_391 = arith.addi %parallel_loop3A_389, %parallel_loop3A_390 : i32
            %parallel_loop3A_392 = arith.constant 0 : i32
            %parallel_loop3A_393 = arith.addi %parallel_loop3A_391, %parallel_loop3A_392 : i32
            %parallel_loop3A_394 = vector.broadcast %parallel_loop3A_393 : i32 to vector<16xi32>
            %parallel_loop3A_395 = arith.addi %mul3A_55, %parallel_loop3A_394 : vector<16xi32>
            %parallel_loop3A_396 = arith.constant 0 : i32
            %parallel_loop3A_397 = tpu.memref_slice %arg9[%parallel_loop3A_355, %parallel_loop3A_396] : memref<16x4112xf32, #tpu.memory_space<vmem>> -> memref<1x4112xf32, #tpu.memory_space<vmem>>
            %parallel_loop3A_398 = tpu.memref_squeeze %parallel_loop3A_397 : memref<1x4112xf32, #tpu.memory_space<vmem>> -> memref<4112xf32, #tpu.memory_space<vmem>>
            %parallel_loop3A_399 = tpu.vector_load_idx %parallel_loop3A_398[%parallel_loop3A_395] : memref<4112xf32, #tpu.memory_space<vmem>>[vector<16xi32>], vector<16xf32>,
            %parallel_loop3A_400 = arith.constant 2056 : i32
            %parallel_loop3A_401 = vector.broadcast %parallel_loop3A_400 : i32 to vector<16xi32>
            %parallel_loop3A_402 = arith.addi %parallel_loop3A_395, %parallel_loop3A_401 : vector<16xi32>
            %parallel_loop3A_403 = arith.constant 0 : i32
            %parallel_loop3A_404 = tpu.memref_slice %arg9[%parallel_loop3A_355, %parallel_loop3A_403] : memref<16x4112xf32, #tpu.memory_space<vmem>> -> memref<1x4112xf32, #tpu.memory_space<vmem>>
            %parallel_loop3A_405 = tpu.memref_squeeze %parallel_loop3A_404 : memref<1x4112xf32, #tpu.memory_space<vmem>> -> memref<4112xf32, #tpu.memory_space<vmem>>
            %parallel_loop3A_406 = tpu.vector_load_idx %parallel_loop3A_405[%parallel_loop3A_402] : memref<4112xf32, #tpu.memory_space<vmem>>[vector<16xi32>], vector<16xf32>,
            %parallel_loop3A_407 = arith.mulf %parallel_loop3A_399, %get3A_291 : vector<16xf32>
            %parallel_loop3A_408 = arith.addf %parallel_loop3A_366, %parallel_loop3A_407 : vector<16xf32>
            %parallel_loop3A_409 = arith.mulf %parallel_loop3A_406, %get3A_323 : vector<16xf32>
            %parallel_loop3A_410 = arith.addf %parallel_loop3A_408, %parallel_loop3A_409 : vector<16xf32>
            %parallel_loop3A_411 = arith.mulf %parallel_loop3A_399, %get3A_295 : vector<16xf32>
            %parallel_loop3A_412 = arith.addf %parallel_loop3A_373, %parallel_loop3A_411 : vector<16xf32>
            %parallel_loop3A_413 = arith.mulf %parallel_loop3A_406, %get3A_327 : vector<16xf32>
            %parallel_loop3A_414 = arith.addf %parallel_loop3A_412, %parallel_loop3A_413 : vector<16xf32>
            %parallel_loop3A_415 = arith.mulf %parallel_loop3A_406, %get3A_291 : vector<16xf32>
            %parallel_loop3A_416 = arith.addf %parallel_loop3A_380, %parallel_loop3A_415 : vector<16xf32>
            %parallel_loop3A_417 = arith.mulf %parallel_loop3A_399, %get3A_323 : vector<16xf32>
            %parallel_loop3A_418 = arith.subf %parallel_loop3A_416, %parallel_loop3A_417 : vector<16xf32>
            %parallel_loop3A_419 = arith.mulf %parallel_loop3A_406, %get3A_295 : vector<16xf32>
            %parallel_loop3A_420 = arith.addf %parallel_loop3A_387, %parallel_loop3A_419 : vector<16xf32>
            %parallel_loop3A_421 = arith.mulf %parallel_loop3A_399, %get3A_327 : vector<16xf32>
            %parallel_loop3A_422 = arith.subf %parallel_loop3A_420, %parallel_loop3A_421 : vector<16xf32>
            %parallel_loop3A_423 = arith.constant 8 : i32
            %parallel_loop3A_424 = arith.muli %min3A_87, %parallel_loop3A_423 : i32
            %parallel_loop3A_425 = arith.constant 4 : i32
            %parallel_loop3A_426 = arith.addi %parallel_loop3A_424, %parallel_loop3A_425 : i32
            %parallel_loop3A_427 = arith.constant 1 : i32
            %parallel_loop3A_428 = arith.addi %parallel_loop3A_426, %parallel_loop3A_427 : i32
            %parallel_loop3A_429 = vector.broadcast %parallel_loop3A_428 : i32 to vector<16xi32>
            %parallel_loop3A_430 = arith.addi %mul3A_55, %parallel_loop3A_429 : vector<16xi32>
            %parallel_loop3A_431 = arith.constant 0 : i32
            %parallel_loop3A_432 = tpu.memref_slice %arg9[%parallel_loop3A_355, %parallel_loop3A_431] : memref<16x4112xf32, #tpu.memory_space<vmem>> -> memref<1x4112xf32, #tpu.memory_space<vmem>>
            %parallel_loop3A_433 = tpu.memref_squeeze %parallel_loop3A_432 : memref<1x4112xf32, #tpu.memory_space<vmem>> -> memref<4112xf32, #tpu.memory_space<vmem>>
            %parallel_loop3A_434 = tpu.vector_load_idx %parallel_loop3A_433[%parallel_loop3A_430] : memref<4112xf32, #tpu.memory_space<vmem>>[vector<16xi32>], vector<16xf32>,
            %parallel_loop3A_435 = arith.constant 2056 : i32
            %parallel_loop3A_436 = vector.broadcast %parallel_loop3A_435 : i32 to vector<16xi32>
            %parallel_loop3A_437 = arith.addi %parallel_loop3A_430, %parallel_loop3A_436 : vector<16xi32>
            %parallel_loop3A_438 = arith.constant 0 : i32
            %parallel_loop3A_439 = tpu.memref_slice %arg9[%parallel_loop3A_355, %parallel_loop3A_438] : memref<16x4112xf32, #tpu.memory_space<vmem>> -> memref<1x4112xf32, #tpu.memory_space<vmem>>
            %parallel_loop3A_440 = tpu.memref_squeeze %parallel_loop3A_439 : memref<1x4112xf32, #tpu.memory_space<vmem>> -> memref<4112xf32, #tpu.memory_space<vmem>>
            %parallel_loop3A_441 = tpu.vector_load_idx %parallel_loop3A_440[%parallel_loop3A_437] : memref<4112xf32, #tpu.memory_space<vmem>>[vector<16xi32>], vector<16xf32>,
            %parallel_loop3A_442 = arith.mulf %parallel_loop3A_434, %get3A_299 : vector<16xf32>
            %parallel_loop3A_443 = arith.addf %parallel_loop3A_410, %parallel_loop3A_442 : vector<16xf32>
            %parallel_loop3A_444 = arith.mulf %parallel_loop3A_441, %get3A_331 : vector<16xf32>
            %parallel_loop3A_445 = arith.addf %parallel_loop3A_443, %parallel_loop3A_444 : vector<16xf32>
            %parallel_loop3A_446 = arith.mulf %parallel_loop3A_434, %get3A_303 : vector<16xf32>
            %parallel_loop3A_447 = arith.addf %parallel_loop3A_414, %parallel_loop3A_446 : vector<16xf32>
            %parallel_loop3A_448 = arith.mulf %parallel_loop3A_441, %get3A_335 : vector<16xf32>
            %parallel_loop3A_449 = arith.addf %parallel_loop3A_447, %parallel_loop3A_448 : vector<16xf32>
            %parallel_loop3A_450 = arith.mulf %parallel_loop3A_441, %get3A_299 : vector<16xf32>
            %parallel_loop3A_451 = arith.addf %parallel_loop3A_418, %parallel_loop3A_450 : vector<16xf32>
            %parallel_loop3A_452 = arith.mulf %parallel_loop3A_434, %get3A_331 : vector<16xf32>
            %parallel_loop3A_453 = arith.subf %parallel_loop3A_451, %parallel_loop3A_452 : vector<16xf32>
            %parallel_loop3A_454 = arith.mulf %parallel_loop3A_441, %get3A_303 : vector<16xf32>
            %parallel_loop3A_455 = arith.addf %parallel_loop3A_422, %parallel_loop3A_454 : vector<16xf32>
            %parallel_loop3A_456 = arith.mulf %parallel_loop3A_434, %get3A_335 : vector<16xf32>
            %parallel_loop3A_457 = arith.subf %parallel_loop3A_455, %parallel_loop3A_456 : vector<16xf32>
            %parallel_loop3A_458 = arith.constant 8 : i32
            %parallel_loop3A_459 = arith.muli %min3A_87, %parallel_loop3A_458 : i32
            %parallel_loop3A_460 = arith.constant 4 : i32
            %parallel_loop3A_461 = arith.addi %parallel_loop3A_459, %parallel_loop3A_460 : i32
            %parallel_loop3A_462 = arith.constant 2 : i32
            %parallel_loop3A_463 = arith.addi %parallel_loop3A_461, %parallel_loop3A_462 : i32
            %parallel_loop3A_464 = vector.broadcast %parallel_loop3A_463 : i32 to vector<16xi32>
            %parallel_loop3A_465 = arith.addi %mul3A_55, %parallel_loop3A_464 : vector<16xi32>
            %parallel_loop3A_466 = arith.constant 0 : i32
            %parallel_loop3A_467 = tpu.memref_slice %arg9[%parallel_loop3A_355, %parallel_loop3A_466] : memref<16x4112xf32, #tpu.memory_space<vmem>> -> memref<1x4112xf32, #tpu.memory_space<vmem>>
            %parallel_loop3A_468 = tpu.memref_squeeze %parallel_loop3A_467 : memref<1x4112xf32, #tpu.memory_space<vmem>> -> memref<4112xf32, #tpu.memory_space<vmem>>
            %parallel_loop3A_469 = tpu.vector_load_idx %parallel_loop3A_468[%parallel_loop3A_465] : memref<4112xf32, #tpu.memory_space<vmem>>[vector<16xi32>], vector<16xf32>,
            %parallel_loop3A_470 = arith.constant 2056 : i32
            %parallel_loop3A_471 = vector.broadcast %parallel_loop3A_470 : i32 to vector<16xi32>
            %parallel_loop3A_472 = arith.addi %parallel_loop3A_465, %parallel_loop3A_471 : vector<16xi32>
            %parallel_loop3A_473 = arith.constant 0 : i32
            %parallel_loop3A_474 = tpu.memref_slice %arg9[%parallel_loop3A_355, %parallel_loop3A_473] : memref<16x4112xf32, #tpu.memory_space<vmem>> -> memref<1x4112xf32, #tpu.memory_space<vmem>>
            %parallel_loop3A_475 = tpu.memref_squeeze %parallel_loop3A_474 : memref<1x4112xf32, #tpu.memory_space<vmem>> -> memref<4112xf32, #tpu.memory_space<vmem>>
            %parallel_loop3A_476 = tpu.vector_load_idx %parallel_loop3A_475[%parallel_loop3A_472] : memref<4112xf32, #tpu.memory_space<vmem>>[vector<16xi32>], vector<16xf32>,
            %parallel_loop3A_477 = arith.mulf %parallel_loop3A_469, %get3A_307 : vector<16xf32>
            %parallel_loop3A_478 = arith.addf %parallel_loop3A_445, %parallel_loop3A_477 : vector<16xf32>
            %parallel_loop3A_479 = arith.mulf %parallel_loop3A_476, %get3A_339 : vector<16xf32>
            %parallel_loop3A_480 = arith.addf %parallel_loop3A_478, %parallel_loop3A_479 : vector<16xf32>
            %parallel_loop3A_481 = arith.mulf %parallel_loop3A_469, %get3A_311 : vector<16xf32>
            %parallel_loop3A_482 = arith.addf %parallel_loop3A_449, %parallel_loop3A_481 : vector<16xf32>
            %parallel_loop3A_483 = arith.mulf %parallel_loop3A_476, %get3A_343 : vector<16xf32>
            %parallel_loop3A_484 = arith.addf %parallel_loop3A_482, %parallel_loop3A_483 : vector<16xf32>
            %parallel_loop3A_485 = arith.mulf %parallel_loop3A_476, %get3A_307 : vector<16xf32>
            %parallel_loop3A_486 = arith.addf %parallel_loop3A_453, %parallel_loop3A_485 : vector<16xf32>
            %parallel_loop3A_487 = arith.mulf %parallel_loop3A_469, %get3A_339 : vector<16xf32>
            %parallel_loop3A_488 = arith.subf %parallel_loop3A_486, %parallel_loop3A_487 : vector<16xf32>
            %parallel_loop3A_489 = arith.mulf %parallel_loop3A_476, %get3A_311 : vector<16xf32>
            %parallel_loop3A_490 = arith.addf %parallel_loop3A_457, %parallel_loop3A_489 : vector<16xf32>
            %parallel_loop3A_491 = arith.mulf %parallel_loop3A_469, %get3A_343 : vector<16xf32>
            %parallel_loop3A_492 = arith.subf %parallel_loop3A_490, %parallel_loop3A_491 : vector<16xf32>
            %parallel_loop3A_493 = arith.constant 8 : i32
            %parallel_loop3A_494 = arith.muli %min3A_87, %parallel_loop3A_493 : i32
            %parallel_loop3A_495 = arith.constant 4 : i32
            %parallel_loop3A_496 = arith.addi %parallel_loop3A_494, %parallel_loop3A_495 : i32
            %parallel_loop3A_497 = arith.constant 3 : i32
            %parallel_loop3A_498 = arith.addi %parallel_loop3A_496, %parallel_loop3A_497 : i32
            %parallel_loop3A_499 = vector.broadcast %parallel_loop3A_498 : i32 to vector<16xi32>
            %parallel_loop3A_500 = arith.addi %mul3A_55, %parallel_loop3A_499 : vector<16xi32>
            %parallel_loop3A_501 = arith.constant 0 : i32
            %parallel_loop3A_502 = tpu.memref_slice %arg9[%parallel_loop3A_355, %parallel_loop3A_501] : memref<16x4112xf32, #tpu.memory_space<vmem>> -> memref<1x4112xf32, #tpu.memory_space<vmem>>
            %parallel_loop3A_503 = tpu.memref_squeeze %parallel_loop3A_502 : memref<1x4112xf32, #tpu.memory_space<vmem>> -> memref<4112xf32, #tpu.memory_space<vmem>>
            %parallel_loop3A_504 = tpu.vector_load_idx %parallel_loop3A_503[%parallel_loop3A_500] : memref<4112xf32, #tpu.memory_space<vmem>>[vector<16xi32>], vector<16xf32>,
            %parallel_loop3A_505 = arith.constant 2056 : i32
            %parallel_loop3A_506 = vector.broadcast %parallel_loop3A_505 : i32 to vector<16xi32>
            %parallel_loop3A_507 = arith.addi %parallel_loop3A_500, %parallel_loop3A_506 : vector<16xi32>
            %parallel_loop3A_508 = arith.constant 0 : i32
            %parallel_loop3A_509 = tpu.memref_slice %arg9[%parallel_loop3A_355, %parallel_loop3A_508] : memref<16x4112xf32, #tpu.memory_space<vmem>> -> memref<1x4112xf32, #tpu.memory_space<vmem>>
            %parallel_loop3A_510 = tpu.memref_squeeze %parallel_loop3A_509 : memref<1x4112xf32, #tpu.memory_space<vmem>> -> memref<4112xf32, #tpu.memory_space<vmem>>
            %parallel_loop3A_511 = tpu.vector_load_idx %parallel_loop3A_510[%parallel_loop3A_507] : memref<4112xf32, #tpu.memory_space<vmem>>[vector<16xi32>], vector<16xf32>,
            %parallel_loop3A_512 = arith.mulf %parallel_loop3A_504, %get3A_315 : vector<16xf32>
            %parallel_loop3A_513 = arith.addf %parallel_loop3A_480, %parallel_loop3A_512 : vector<16xf32>
            %parallel_loop3A_514 = arith.mulf %parallel_loop3A_511, %get3A_347 : vector<16xf32>
            %parallel_loop3A_515 = arith.addf %parallel_loop3A_513, %parallel_loop3A_514 : vector<16xf32>
            %parallel_loop3A_516 = arith.mulf %parallel_loop3A_504, %get3A_319 : vector<16xf32>
            %parallel_loop3A_517 = arith.addf %parallel_loop3A_484, %parallel_loop3A_516 : vector<16xf32>
            %parallel_loop3A_518 = arith.mulf %parallel_loop3A_511, %get3A_351 : vector<16xf32>
            %parallel_loop3A_519 = arith.addf %parallel_loop3A_517, %parallel_loop3A_518 : vector<16xf32>
            %parallel_loop3A_520 = arith.mulf %parallel_loop3A_511, %get3A_315 : vector<16xf32>
            %parallel_loop3A_521 = arith.addf %parallel_loop3A_488, %parallel_loop3A_520 : vector<16xf32>
            %parallel_loop3A_522 = arith.mulf %parallel_loop3A_504, %get3A_347 : vector<16xf32>
            %parallel_loop3A_523 = arith.subf %parallel_loop3A_521, %parallel_loop3A_522 : vector<16xf32>
            %parallel_loop3A_524 = arith.mulf %parallel_loop3A_511, %get3A_319 : vector<16xf32>
            %parallel_loop3A_525 = arith.addf %parallel_loop3A_492, %parallel_loop3A_524 : vector<16xf32>
            %parallel_loop3A_526 = arith.mulf %parallel_loop3A_504, %get3A_351 : vector<16xf32>
            %parallel_loop3A_527 = arith.subf %parallel_loop3A_525, %parallel_loop3A_526 : vector<16xf32>
            %parallel_loop3A_528 = arith.constant 2 : i32
            %parallel_loop3A_529 = vector.broadcast %parallel_loop3A_528 : i32 to vector<16xi32>
            %parallel_loop3A_530 = arith.addi %parallel_loop3A_359, %parallel_loop3A_529 : vector<16xi32>
            %parallel_loop3A_531 = arith.constant 0 : i32
            %parallel_loop3A_532 = tpu.memref_slice %arg10[%parallel_loop3A_355, %parallel_loop3A_531] : memref<16x2056xf32, #tpu.memory_space<vmem>> -> memref<1x2056xf32, #tpu.memory_space<vmem>>
            %parallel_loop3A_533 = tpu.memref_squeeze %parallel_loop3A_532 : memref<1x2056xf32, #tpu.memory_space<vmem>> -> memref<2056xf32, #tpu.memory_space<vmem>>
            tpu.vector_store_idx %parallel_loop3A_533[%parallel_loop3A_530], %parallel_loop3A_515 : memref<2056xf32, #tpu.memory_space<vmem>>[vector<16xi32>], vector<16xf32>,
            %parallel_loop3A_534 = arith.constant 3 : i32
            %parallel_loop3A_535 = vector.broadcast %parallel_loop3A_534 : i32 to vector<16xi32>
            %parallel_loop3A_536 = arith.addi %parallel_loop3A_359, %parallel_loop3A_535 : vector<16xi32>
            %parallel_loop3A_537 = arith.constant 0 : i32
            %parallel_loop3A_538 = tpu.memref_slice %arg10[%parallel_loop3A_355, %parallel_loop3A_537] : memref<16x2056xf32, #tpu.memory_space<vmem>> -> memref<1x2056xf32, #tpu.memory_space<vmem>>
            %parallel_loop3A_539 = tpu.memref_squeeze %parallel_loop3A_538 : memref<1x2056xf32, #tpu.memory_space<vmem>> -> memref<2056xf32, #tpu.memory_space<vmem>>
            tpu.vector_store_idx %parallel_loop3A_539[%parallel_loop3A_536], %parallel_loop3A_519 : memref<2056xf32, #tpu.memory_space<vmem>>[vector<16xi32>], vector<16xf32>,
            %parallel_loop3A_540 = arith.constant 1030 : i32
            %parallel_loop3A_541 = vector.broadcast %parallel_loop3A_540 : i32 to vector<16xi32>
            %parallel_loop3A_542 = arith.addi %parallel_loop3A_359, %parallel_loop3A_541 : vector<16xi32>
            %parallel_loop3A_543 = arith.constant 0 : i32
            %parallel_loop3A_544 = tpu.memref_slice %arg10[%parallel_loop3A_355, %parallel_loop3A_543] : memref<16x2056xf32, #tpu.memory_space<vmem>> -> memref<1x2056xf32, #tpu.memory_space<vmem>>
            %parallel_loop3A_545 = tpu.memref_squeeze %parallel_loop3A_544 : memref<1x2056xf32, #tpu.memory_space<vmem>> -> memref<2056xf32, #tpu.memory_space<vmem>>
            tpu.vector_store_idx %parallel_loop3A_545[%parallel_loop3A_542], %parallel_loop3A_523 : memref<2056xf32, #tpu.memory_space<vmem>>[vector<16xi32>], vector<16xf32>,
            %parallel_loop3A_546 = arith.constant 1031 : i32
            %parallel_loop3A_547 = vector.broadcast %parallel_loop3A_546 : i32 to vector<16xi32>
            %parallel_loop3A_548 = arith.addi %parallel_loop3A_359, %parallel_loop3A_547 : vector<16xi32>
            %parallel_loop3A_549 = arith.constant 0 : i32
            %parallel_loop3A_550 = tpu.memref_slice %arg10[%parallel_loop3A_355, %parallel_loop3A_549] : memref<16x2056xf32, #tpu.memory_space<vmem>> -> memref<1x2056xf32, #tpu.memory_space<vmem>>
            %parallel_loop3A_551 = tpu.memref_squeeze %parallel_loop3A_550 : memref<1x2056xf32, #tpu.memory_space<vmem>> -> memref<2056xf32, #tpu.memory_space<vmem>>
            tpu.vector_store_idx %parallel_loop3A_551[%parallel_loop3A_548], %parallel_loop3A_527 : memref<2056xf32, #tpu.memory_space<vmem>>[vector<16xi32>], vector<16xf32>,
          } {sc.loop_unroll_factor = 1 : i64, sc.parallel_access}
        }
        %scan3A_64 = arith.constant 17 : i32
        %dma_start3A_65 = arith.constant 0 : i32
        %dma_start3A_66 = arith.constant 0 : i32
        %dma_start3A_67 = tpu.memref_slice %arg5[%dma_start3A_65, %dma_start3A_66] : memref<8192x2056xf32, #tpu.memory_space<hbm>> -> memref<8192x2056xf32, #tpu.memory_space<hbm>>
        tpu.enqueue_indirect_dma source(%arg10 : memref<16x2056xf32, #tpu.memory_space<vmem>>) target(%dma_start3A_67 : memref<8192x2056xf32, #tpu.memory_space<hbm>>) offsets(%get3A_51 : vector<16xi32>) semaphore(%arg12 : memref<!tpu.dma_semaphore, #tpu.memory_space<semaphore_mem>>)
        %add3A_68 = arith.constant 1 : i32
        %add3A_69 = arith.addi %while3A_47, %add3A_68 : i32
        %min3A = arith.minsi %add3A_69, %sub3A_32 : i32
        %mul3A_70 = arith.constant 16 : i32
        %mul3A_71 = arith.muli %min3A, %mul3A_70 : i32
        %get3A_72 = arith.index_cast %mul3A_71 : i32 to index
        %get3A_73 = tpu.vector_load %arg7[%get3A_72] {strides = array<i32>} : memref<4128xi32, #tpu.memory_space<vmem>>, vector<16xi32>,
        %dma_start3A_74 = arith.constant 0 : i32
        %dma_start3A_75 = arith.constant 0 : i32
        %dma_start3A_76 = tpu.memref_slice %arg2[%dma_start3A_74, %dma_start3A_75] : memref<8192x4112xf32, #tpu.memory_space<hbm>> -> memref<8192x4112xf32, #tpu.memory_space<hbm>>
        tpu.enqueue_indirect_dma source(%dma_start3A_76 : memref<8192x4112xf32, #tpu.memory_space<hbm>>) target(%arg9 : memref<16x4112xf32, #tpu.memory_space<vmem>>) offsets(%get3A_73 : vector<16xi32>) semaphore(%arg11 : memref<!tpu.dma_semaphore, #tpu.memory_space<semaphore_mem>>)
        %dma_wait3A_77 = arith.constant 0 : i32
        %dma_wait3A_78 = arith.constant 0 : i32
        %dma_wait3A_79 = tpu.memref_slice %arg5[%dma_wait3A_77, %dma_wait3A_78] : memref<8192x2056xf32, #tpu.memory_space<hbm>> -> memref<8192x2056xf32, #tpu.memory_space<hbm>>
        tpu.wait_indirect_dma semaphore(%arg12 : memref<!tpu.dma_semaphore, #tpu.memory_space<semaphore_mem>>) src(%arg10 : memref<16x2056xf32, #tpu.memory_space<vmem>>) dst(%dma_wait3A_79 : memref<8192x2056xf32, #tpu.memory_space<hbm>>)
        %dma_wait3A_80 = arith.constant 0 : i32
        %dma_wait3A_81 = arith.constant 0 : i32
        %dma_wait3A_82 = tpu.memref_slice %arg2[%dma_wait3A_80, %dma_wait3A_81] : memref<8192x4112xf32, #tpu.memory_space<hbm>> -> memref<8192x4112xf32, #tpu.memory_space<hbm>>
        tpu.wait_indirect_dma semaphore(%arg11 : memref<!tpu.dma_semaphore, #tpu.memory_space<semaphore_mem>>) src(%dma_wait3A_82 : memref<8192x4112xf32, #tpu.memory_space<hbm>>) dst(%arg9 : memref<16x4112xf32, #tpu.memory_space<vmem>>)
      }
      %while3A_46 = arith.constant 1 : i32
      scf.for %while3A_47 = %while3A_44 to %while3A_40 step %while3A_46  : i32 {
        %mul3A_48 = arith.constant 16 : i32
        %mul3A_49 = arith.muli %while3A_47, %mul3A_48 : i32
        %get3A_50 = arith.index_cast %mul3A_49 : i32 to index
        %get3A_51 = tpu.vector_load %arg7[%get3A_50] {strides = array<i32>} : memref<4128xi32, #tpu.memory_space<vmem>>, vector<16xi32>,
        %iota3A_52 = tpu.iota {dimensions = array<i32: 0>} : vector<16xi32>
        %mul3A_53 = arith.constant 8 : i32
        %mul3A_54 = vector.broadcast %mul3A_53 : i32 to vector<16xi32>
        %mul3A_55 = arith.muli %iota3A_52, %mul3A_54 : vector<16xi32>
        %mul3A_56 = arith.constant 4 : i32
        %mul3A_57 = vector.broadcast %mul3A_56 : i32 to vector<16xi32>
        %mul3A_58 = arith.muli %iota3A_52, %mul3A_57 : vector<16xi32>
        %scan3A_59 = arith.constant 0 : i32
        %scan3A_60 = arith.constant 0 : i32
        %scan3A_61 = arith.constant 17 : i32
        %scan3A_62 = arith.addi %scan3A_60, %scan3A_61 : i32
        %scan3A_63 = arith.constant 1 : i32
        scf.for %scan3A_83 = %scan3A_60 to %scan3A_62 step %scan3A_63  : i32 {
          %mul3A_84 = arith.constant 16 : i32
          %mul3A_85 = arith.muli %scan3A_83, %mul3A_84 : i32
          %min3A_86 = arith.constant 241 : i32
          %min3A_87 = arith.minsi %mul3A_85, %min3A_86 : i32
          %add3A_88 = arith.constant 0 : i32
          %add3A_89 = arith.addi %add3A_88, %min3A_87 : i32
          %get3A_90 = arith.index_cast %add3A_89 : i32 to index
          %get3A_91 = tpu.vector_load %arg8[%get3A_90] {strides = array<i32>} : memref<16448xf32, #tpu.memory_space<vmem>>, vector<16xf32>,
          %add3A_92 = arith.constant 257 : i32
          %add3A_93 = arith.addi %add3A_92, %min3A_87 : i32
          %get3A_94 = arith.index_cast %add3A_93 : i32 to index
          %get3A_95 = tpu.vector_load %arg8[%get3A_94] {strides = array<i32>} : memref<16448xf32, #tpu.memory_space<vmem>>, vector<16xf32>,
          %add3A_96 = arith.constant 1028 : i32
          %add3A_97 = arith.addi %add3A_96, %min3A_87 : i32
          %get3A_98 = arith.index_cast %add3A_97 : i32 to index
          %get3A_99 = tpu.vector_load %arg8[%get3A_98] {strides = array<i32>} : memref<16448xf32, #tpu.memory_space<vmem>>, vector<16xf32>,
          %add3A_100 = arith.constant 1285 : i32
          %add3A_101 = arith.addi %add3A_100, %min3A_87 : i32
          %get3A_102 = arith.index_cast %add3A_101 : i32 to index
          %get3A_103 = tpu.vector_load %arg8[%get3A_102] {strides = array<i32>} : memref<16448xf32, #tpu.memory_space<vmem>>, vector<16xf32>,
          %add3A_104 = arith.constant 2056 : i32
          %add3A_105 = arith.addi %add3A_104, %min3A_87 : i32
          %get3A_106 = arith.index_cast %add3A_105 : i32 to index
          %get3A_107 = tpu.vector_load %arg8[%get3A_106] {strides = array<i32>} : memref<16448xf32, #tpu.memory_space<vmem>>, vector<16xf32>,
          %add3A_108 = arith.constant 2313 : i32
          %add3A_109 = arith.addi %add3A_108, %min3A_87 : i32
          %get3A_110 = arith.index_cast %add3A_109 : i32 to index
          %get3A_111 = tpu.vector_load %arg8[%get3A_110] {strides = array<i32>} : memref<16448xf32, #tpu.memory_space<vmem>>, vector<16xf32>,
          %add3A_112 = arith.constant 3084 : i32
          %add3A_113 = arith.addi %add3A_112, %min3A_87 : i32
          %get3A_114 = arith.index_cast %add3A_113 : i32 to index
          %get3A_115 = tpu.vector_load %arg8[%get3A_114] {strides = array<i32>} : memref<16448xf32, #tpu.memory_space<vmem>>, vector<16xf32>,
          %add3A_116 = arith.constant 3341 : i32
          %add3A_117 = arith.addi %add3A_116, %min3A_87 : i32
          %get3A_118 = arith.index_cast %add3A_117 : i32 to index
          %get3A_119 = tpu.vector_load %arg8[%get3A_118] {strides = array<i32>} : memref<16448xf32, #tpu.memory_space<vmem>>, vector<16xf32>,
          %add3A_120 = arith.constant 8224 : i32
          %add3A_121 = arith.addi %add3A_120, %min3A_87 : i32
          %get3A_122 = arith.index_cast %add3A_121 : i32 to index
          %get3A_123 = tpu.vector_load %arg8[%get3A_122] {strides = array<i32>} : memref<16448xf32, #tpu.memory_space<vmem>>, vector<16xf32>,
          %add3A_124 = arith.constant 8481 : i32
          %add3A_125 = arith.addi %add3A_124, %min3A_87 : i32
          %get3A_126 = arith.index_cast %add3A_125 : i32 to index
          %get3A_127 = tpu.vector_load %arg8[%get3A_126] {strides = array<i32>} : memref<16448xf32, #tpu.memory_space<vmem>>, vector<16xf32>,
          %add3A_128 = arith.constant 9252 : i32
          %add3A_129 = arith.addi %add3A_128, %min3A_87 : i32
          %get3A_130 = arith.index_cast %add3A_129 : i32 to index
          %get3A_131 = tpu.vector_load %arg8[%get3A_130] {strides = array<i32>} : memref<16448xf32, #tpu.memory_space<vmem>>, vector<16xf32>,
          %add3A_132 = arith.constant 9509 : i32
          %add3A_133 = arith.addi %add3A_132, %min3A_87 : i32
          %get3A_134 = arith.index_cast %add3A_133 : i32 to index
          %get3A_135 = tpu.vector_load %arg8[%get3A_134] {strides = array<i32>} : memref<16448xf32, #tpu.memory_space<vmem>>, vector<16xf32>,
          %add3A_136 = arith.constant 10280 : i32
          %add3A_137 = arith.addi %add3A_136, %min3A_87 : i32
          %get3A_138 = arith.index_cast %add3A_137 : i32 to index
          %get3A_139 = tpu.vector_load %arg8[%get3A_138] {strides = array<i32>} : memref<16448xf32, #tpu.memory_space<vmem>>, vector<16xf32>,
          %add3A_140 = arith.constant 10537 : i32
          %add3A_141 = arith.addi %add3A_140, %min3A_87 : i32
          %get3A_142 = arith.index_cast %add3A_141 : i32 to index
          %get3A_143 = tpu.vector_load %arg8[%get3A_142] {strides = array<i32>} : memref<16448xf32, #tpu.memory_space<vmem>>, vector<16xf32>,
          %add3A_144 = arith.constant 11308 : i32
          %add3A_145 = arith.addi %add3A_144, %min3A_87 : i32
          %get3A_146 = arith.index_cast %add3A_145 : i32 to index
          %get3A_147 = tpu.vector_load %arg8[%get3A_146] {strides = array<i32>} : memref<16448xf32, #tpu.memory_space<vmem>>, vector<16xf32>,
          %add3A_148 = arith.constant 11565 : i32
          %add3A_149 = arith.addi %add3A_148, %min3A_87 : i32
          %get3A_150 = arith.index_cast %add3A_149 : i32 to index
          %get3A_151 = tpu.vector_load %arg8[%get3A_150] {strides = array<i32>} : memref<16448xf32, #tpu.memory_space<vmem>>, vector<16xf32>,
          %parallel_loop3A = arith.constant 0 : i32
          %parallel_loop3A_152 = arith.constant 16 : i32
          %parallel_loop3A_153 = arith.constant 1 : i32
          scf.for %parallel_loop3A_355 = %parallel_loop3A to %parallel_loop3A_152 step %parallel_loop3A_153  : i32 {
            %parallel_loop3A_356 = arith.constant 4 : i32
            %parallel_loop3A_357 = arith.muli %min3A_87, %parallel_loop3A_356 : i32
            %parallel_loop3A_358 = vector.broadcast %parallel_loop3A_357 : i32 to vector<16xi32>
            %parallel_loop3A_359 = arith.addi %mul3A_58, %parallel_loop3A_358 : vector<16xi32>
            %parallel_loop3A_360 = arith.constant 0.000000e+00 : f32
            %parallel_loop3A_361 = vector.broadcast %parallel_loop3A_360 : f32 to vector<16xf32>
            %parallel_loop3A_362 = arith.constant 0.000000e+00 : f32
            %parallel_loop3A_363 = vector.broadcast %parallel_loop3A_362 : f32 to vector<16xf32>
            %parallel_loop3A_364 = arith.constant 0.000000e+00 : f32
            %parallel_loop3A_365 = vector.broadcast %parallel_loop3A_364 : f32 to vector<16xf32>
            %parallel_loop3A_366 = arith.constant 0.000000e+00 : f32
            %parallel_loop3A_367 = vector.broadcast %parallel_loop3A_366 : f32 to vector<16xf32>
            %parallel_loop3A_368 = arith.constant 8 : i32
            %parallel_loop3A_369 = arith.muli %min3A_87, %parallel_loop3A_368 : i32
            %parallel_loop3A_370 = arith.constant 0 : i32
            %parallel_loop3A_371 = arith.addi %parallel_loop3A_369, %parallel_loop3A_370 : i32
            %parallel_loop3A_372 = arith.constant 0 : i32
            %parallel_loop3A_373 = arith.addi %parallel_loop3A_371, %parallel_loop3A_372 : i32
            %parallel_loop3A_374 = vector.broadcast %parallel_loop3A_373 : i32 to vector<16xi32>
            %parallel_loop3A_375 = arith.addi %mul3A_55, %parallel_loop3A_374 : vector<16xi32>
            %parallel_loop3A_376 = arith.constant 0 : i32
            %parallel_loop3A_377 = tpu.memref_slice %arg9[%parallel_loop3A_355, %parallel_loop3A_376] : memref<16x4112xf32, #tpu.memory_space<vmem>> -> memref<1x4112xf32, #tpu.memory_space<vmem>>
            %parallel_loop3A_378 = tpu.memref_squeeze %parallel_loop3A_377 : memref<1x4112xf32, #tpu.memory_space<vmem>> -> memref<4112xf32, #tpu.memory_space<vmem>>
            %parallel_loop3A_379 = tpu.vector_load_idx %parallel_loop3A_378[%parallel_loop3A_375] : memref<4112xf32, #tpu.memory_space<vmem>>[vector<16xi32>], vector<16xf32>,
            %parallel_loop3A_380 = arith.constant 2056 : i32
            %parallel_loop3A_381 = vector.broadcast %parallel_loop3A_380 : i32 to vector<16xi32>
            %parallel_loop3A_382 = arith.addi %parallel_loop3A_375, %parallel_loop3A_381 : vector<16xi32>
            %parallel_loop3A_383 = arith.constant 0 : i32
            %parallel_loop3A_384 = tpu.memref_slice %arg9[%parallel_loop3A_355, %parallel_loop3A_383] : memref<16x4112xf32, #tpu.memory_space<vmem>> -> memref<1x4112xf32, #tpu.memory_space<vmem>>
            %parallel_loop3A_385 = tpu.memref_squeeze %parallel_loop3A_384 : memref<1x4112xf32, #tpu.memory_space<vmem>> -> memref<4112xf32, #tpu.memory_space<vmem>>
            %parallel_loop3A_386 = tpu.vector_load_idx %parallel_loop3A_385[%parallel_loop3A_382] : memref<4112xf32, #tpu.memory_space<vmem>>[vector<16xi32>], vector<16xf32>,
            %parallel_loop3A_387 = arith.mulf %parallel_loop3A_379, %get3A_91 : vector<16xf32>
            %parallel_loop3A_388 = arith.addf %parallel_loop3A_361, %parallel_loop3A_387 : vector<16xf32>
            %parallel_loop3A_389 = arith.mulf %parallel_loop3A_386, %get3A_123 : vector<16xf32>
            %parallel_loop3A_390 = arith.addf %parallel_loop3A_388, %parallel_loop3A_389 : vector<16xf32>
            %parallel_loop3A_391 = arith.mulf %parallel_loop3A_379, %get3A_95 : vector<16xf32>
            %parallel_loop3A_392 = arith.addf %parallel_loop3A_363, %parallel_loop3A_391 : vector<16xf32>
            %parallel_loop3A_393 = arith.mulf %parallel_loop3A_386, %get3A_127 : vector<16xf32>
            %parallel_loop3A_394 = arith.addf %parallel_loop3A_392, %parallel_loop3A_393 : vector<16xf32>
            %parallel_loop3A_395 = arith.mulf %parallel_loop3A_386, %get3A_91 : vector<16xf32>
            %parallel_loop3A_396 = arith.addf %parallel_loop3A_365, %parallel_loop3A_395 : vector<16xf32>
            %parallel_loop3A_397 = arith.mulf %parallel_loop3A_379, %get3A_123 : vector<16xf32>
            %parallel_loop3A_398 = arith.subf %parallel_loop3A_396, %parallel_loop3A_397 : vector<16xf32>
            %parallel_loop3A_399 = arith.mulf %parallel_loop3A_386, %get3A_95 : vector<16xf32>
            %parallel_loop3A_400 = arith.addf %parallel_loop3A_367, %parallel_loop3A_399 : vector<16xf32>
            %parallel_loop3A_401 = arith.mulf %parallel_loop3A_379, %get3A_127 : vector<16xf32>
            %parallel_loop3A_402 = arith.subf %parallel_loop3A_400, %parallel_loop3A_401 : vector<16xf32>
            %parallel_loop3A_403 = arith.constant 8 : i32
            %parallel_loop3A_404 = arith.muli %min3A_87, %parallel_loop3A_403 : i32
            %parallel_loop3A_405 = arith.constant 0 : i32
            %parallel_loop3A_406 = arith.addi %parallel_loop3A_404, %parallel_loop3A_405 : i32
            %parallel_loop3A_407 = arith.constant 1 : i32
            %parallel_loop3A_408 = arith.addi %parallel_loop3A_406, %parallel_loop3A_407 : i32
            %parallel_loop3A_409 = vector.broadcast %parallel_loop3A_408 : i32 to vector<16xi32>
            %parallel_loop3A_410 = arith.addi %mul3A_55, %parallel_loop3A_409 : vector<16xi32>
            %parallel_loop3A_411 = arith.constant 0 : i32
            %parallel_loop3A_412 = tpu.memref_slice %arg9[%parallel_loop3A_355, %parallel_loop3A_411] : memref<16x4112xf32, #tpu.memory_space<vmem>> -> memref<1x4112xf32, #tpu.memory_space<vmem>>
            %parallel_loop3A_413 = tpu.memref_squeeze %parallel_loop3A_412 : memref<1x4112xf32, #tpu.memory_space<vmem>> -> memref<4112xf32, #tpu.memory_space<vmem>>
            %parallel_loop3A_414 = tpu.vector_load_idx %parallel_loop3A_413[%parallel_loop3A_410] : memref<4112xf32, #tpu.memory_space<vmem>>[vector<16xi32>], vector<16xf32>,
            %parallel_loop3A_415 = arith.constant 2056 : i32
            %parallel_loop3A_416 = vector.broadcast %parallel_loop3A_415 : i32 to vector<16xi32>
            %parallel_loop3A_417 = arith.addi %parallel_loop3A_410, %parallel_loop3A_416 : vector<16xi32>
            %parallel_loop3A_418 = arith.constant 0 : i32
            %parallel_loop3A_419 = tpu.memref_slice %arg9[%parallel_loop3A_355, %parallel_loop3A_418] : memref<16x4112xf32, #tpu.memory_space<vmem>> -> memref<1x4112xf32, #tpu.memory_space<vmem>>
            %parallel_loop3A_420 = tpu.memref_squeeze %parallel_loop3A_419 : memref<1x4112xf32, #tpu.memory_space<vmem>> -> memref<4112xf32, #tpu.memory_space<vmem>>
            %parallel_loop3A_421 = tpu.vector_load_idx %parallel_loop3A_420[%parallel_loop3A_417] : memref<4112xf32, #tpu.memory_space<vmem>>[vector<16xi32>], vector<16xf32>,
            %parallel_loop3A_422 = arith.mulf %parallel_loop3A_414, %get3A_99 : vector<16xf32>
            %parallel_loop3A_423 = arith.addf %parallel_loop3A_390, %parallel_loop3A_422 : vector<16xf32>
            %parallel_loop3A_424 = arith.mulf %parallel_loop3A_421, %get3A_131 : vector<16xf32>
            %parallel_loop3A_425 = arith.addf %parallel_loop3A_423, %parallel_loop3A_424 : vector<16xf32>
            %parallel_loop3A_426 = arith.mulf %parallel_loop3A_414, %get3A_103 : vector<16xf32>
            %parallel_loop3A_427 = arith.addf %parallel_loop3A_394, %parallel_loop3A_426 : vector<16xf32>
            %parallel_loop3A_428 = arith.mulf %parallel_loop3A_421, %get3A_135 : vector<16xf32>
            %parallel_loop3A_429 = arith.addf %parallel_loop3A_427, %parallel_loop3A_428 : vector<16xf32>
            %parallel_loop3A_430 = arith.mulf %parallel_loop3A_421, %get3A_99 : vector<16xf32>
            %parallel_loop3A_431 = arith.addf %parallel_loop3A_398, %parallel_loop3A_430 : vector<16xf32>
            %parallel_loop3A_432 = arith.mulf %parallel_loop3A_414, %get3A_131 : vector<16xf32>
            %parallel_loop3A_433 = arith.subf %parallel_loop3A_431, %parallel_loop3A_432 : vector<16xf32>
            %parallel_loop3A_434 = arith.mulf %parallel_loop3A_421, %get3A_103 : vector<16xf32>
            %parallel_loop3A_435 = arith.addf %parallel_loop3A_402, %parallel_loop3A_434 : vector<16xf32>
            %parallel_loop3A_436 = arith.mulf %parallel_loop3A_414, %get3A_135 : vector<16xf32>
            %parallel_loop3A_437 = arith.subf %parallel_loop3A_435, %parallel_loop3A_436 : vector<16xf32>
            %parallel_loop3A_438 = arith.constant 8 : i32
            %parallel_loop3A_439 = arith.muli %min3A_87, %parallel_loop3A_438 : i32
            %parallel_loop3A_440 = arith.constant 0 : i32
            %parallel_loop3A_441 = arith.addi %parallel_loop3A_439, %parallel_loop3A_440 : i32
            %parallel_loop3A_442 = arith.constant 2 : i32
            %parallel_loop3A_443 = arith.addi %parallel_loop3A_441, %parallel_loop3A_442 : i32
            %parallel_loop3A_444 = vector.broadcast %parallel_loop3A_443 : i32 to vector<16xi32>
            %parallel_loop3A_445 = arith.addi %mul3A_55, %parallel_loop3A_444 : vector<16xi32>
            %parallel_loop3A_446 = arith.constant 0 : i32
            %parallel_loop3A_447 = tpu.memref_slice %arg9[%parallel_loop3A_355, %parallel_loop3A_446] : memref<16x4112xf32, #tpu.memory_space<vmem>> -> memref<1x4112xf32, #tpu.memory_space<vmem>>
            %parallel_loop3A_448 = tpu.memref_squeeze %parallel_loop3A_447 : memref<1x4112xf32, #tpu.memory_space<vmem>> -> memref<4112xf32, #tpu.memory_space<vmem>>
            %parallel_loop3A_449 = tpu.vector_load_idx %parallel_loop3A_448[%parallel_loop3A_445] : memref<4112xf32, #tpu.memory_space<vmem>>[vector<16xi32>], vector<16xf32>,
            %parallel_loop3A_450 = arith.constant 2056 : i32
            %parallel_loop3A_451 = vector.broadcast %parallel_loop3A_450 : i32 to vector<16xi32>
            %parallel_loop3A_452 = arith.addi %parallel_loop3A_445, %parallel_loop3A_451 : vector<16xi32>
            %parallel_loop3A_453 = arith.constant 0 : i32
            %parallel_loop3A_454 = tpu.memref_slice %arg9[%parallel_loop3A_355, %parallel_loop3A_453] : memref<16x4112xf32, #tpu.memory_space<vmem>> -> memref<1x4112xf32, #tpu.memory_space<vmem>>
            %parallel_loop3A_455 = tpu.memref_squeeze %parallel_loop3A_454 : memref<1x4112xf32, #tpu.memory_space<vmem>> -> memref<4112xf32, #tpu.memory_space<vmem>>
            %parallel_loop3A_456 = tpu.vector_load_idx %parallel_loop3A_455[%parallel_loop3A_452] : memref<4112xf32, #tpu.memory_space<vmem>>[vector<16xi32>], vector<16xf32>,
            %parallel_loop3A_457 = arith.mulf %parallel_loop3A_449, %get3A_107 : vector<16xf32>
            %parallel_loop3A_458 = arith.addf %parallel_loop3A_425, %parallel_loop3A_457 : vector<16xf32>
            %parallel_loop3A_459 = arith.mulf %parallel_loop3A_456, %get3A_139 : vector<16xf32>
            %parallel_loop3A_460 = arith.addf %parallel_loop3A_458, %parallel_loop3A_459 : vector<16xf32>
            %parallel_loop3A_461 = arith.mulf %parallel_loop3A_449, %get3A_111 : vector<16xf32>
            %parallel_loop3A_462 = arith.addf %parallel_loop3A_429, %parallel_loop3A_461 : vector<16xf32>
            %parallel_loop3A_463 = arith.mulf %parallel_loop3A_456, %get3A_143 : vector<16xf32>
            %parallel_loop3A_464 = arith.addf %parallel_loop3A_462, %parallel_loop3A_463 : vector<16xf32>
            %parallel_loop3A_465 = arith.mulf %parallel_loop3A_456, %get3A_107 : vector<16xf32>
            %parallel_loop3A_466 = arith.addf %parallel_loop3A_433, %parallel_loop3A_465 : vector<16xf32>
            %parallel_loop3A_467 = arith.mulf %parallel_loop3A_449, %get3A_139 : vector<16xf32>
            %parallel_loop3A_468 = arith.subf %parallel_loop3A_466, %parallel_loop3A_467 : vector<16xf32>
            %parallel_loop3A_469 = arith.mulf %parallel_loop3A_456, %get3A_111 : vector<16xf32>
            %parallel_loop3A_470 = arith.addf %parallel_loop3A_437, %parallel_loop3A_469 : vector<16xf32>
            %parallel_loop3A_471 = arith.mulf %parallel_loop3A_449, %get3A_143 : vector<16xf32>
            %parallel_loop3A_472 = arith.subf %parallel_loop3A_470, %parallel_loop3A_471 : vector<16xf32>
            %parallel_loop3A_473 = arith.constant 8 : i32
            %parallel_loop3A_474 = arith.muli %min3A_87, %parallel_loop3A_473 : i32
            %parallel_loop3A_475 = arith.constant 0 : i32
            %parallel_loop3A_476 = arith.addi %parallel_loop3A_474, %parallel_loop3A_475 : i32
            %parallel_loop3A_477 = arith.constant 3 : i32
            %parallel_loop3A_478 = arith.addi %parallel_loop3A_476, %parallel_loop3A_477 : i32
            %parallel_loop3A_479 = vector.broadcast %parallel_loop3A_478 : i32 to vector<16xi32>
            %parallel_loop3A_480 = arith.addi %mul3A_55, %parallel_loop3A_479 : vector<16xi32>
            %parallel_loop3A_481 = arith.constant 0 : i32
            %parallel_loop3A_482 = tpu.memref_slice %arg9[%parallel_loop3A_355, %parallel_loop3A_481] : memref<16x4112xf32, #tpu.memory_space<vmem>> -> memref<1x4112xf32, #tpu.memory_space<vmem>>
            %parallel_loop3A_483 = tpu.memref_squeeze %parallel_loop3A_482 : memref<1x4112xf32, #tpu.memory_space<vmem>> -> memref<4112xf32, #tpu.memory_space<vmem>>
            %parallel_loop3A_484 = tpu.vector_load_idx %parallel_loop3A_483[%parallel_loop3A_480] : memref<4112xf32, #tpu.memory_space<vmem>>[vector<16xi32>], vector<16xf32>,
            %parallel_loop3A_485 = arith.constant 2056 : i32
            %parallel_loop3A_486 = vector.broadcast %parallel_loop3A_485 : i32 to vector<16xi32>
            %parallel_loop3A_487 = arith.addi %parallel_loop3A_480, %parallel_loop3A_486 : vector<16xi32>
            %parallel_loop3A_488 = arith.constant 0 : i32
            %parallel_loop3A_489 = tpu.memref_slice %arg9[%parallel_loop3A_355, %parallel_loop3A_488] : memref<16x4112xf32, #tpu.memory_space<vmem>> -> memref<1x4112xf32, #tpu.memory_space<vmem>>
            %parallel_loop3A_490 = tpu.memref_squeeze %parallel_loop3A_489 : memref<1x4112xf32, #tpu.memory_space<vmem>> -> memref<4112xf32, #tpu.memory_space<vmem>>
            %parallel_loop3A_491 = tpu.vector_load_idx %parallel_loop3A_490[%parallel_loop3A_487] : memref<4112xf32, #tpu.memory_space<vmem>>[vector<16xi32>], vector<16xf32>,
            %parallel_loop3A_492 = arith.mulf %parallel_loop3A_484, %get3A_115 : vector<16xf32>
            %parallel_loop3A_493 = arith.addf %parallel_loop3A_460, %parallel_loop3A_492 : vector<16xf32>
            %parallel_loop3A_494 = arith.mulf %parallel_loop3A_491, %get3A_147 : vector<16xf32>
            %parallel_loop3A_495 = arith.addf %parallel_loop3A_493, %parallel_loop3A_494 : vector<16xf32>
            %parallel_loop3A_496 = arith.mulf %parallel_loop3A_484, %get3A_119 : vector<16xf32>
            %parallel_loop3A_497 = arith.addf %parallel_loop3A_464, %parallel_loop3A_496 : vector<16xf32>
            %parallel_loop3A_498 = arith.mulf %parallel_loop3A_491, %get3A_151 : vector<16xf32>
            %parallel_loop3A_499 = arith.addf %parallel_loop3A_497, %parallel_loop3A_498 : vector<16xf32>
            %parallel_loop3A_500 = arith.mulf %parallel_loop3A_491, %get3A_115 : vector<16xf32>
            %parallel_loop3A_501 = arith.addf %parallel_loop3A_468, %parallel_loop3A_500 : vector<16xf32>
            %parallel_loop3A_502 = arith.mulf %parallel_loop3A_484, %get3A_147 : vector<16xf32>
            %parallel_loop3A_503 = arith.subf %parallel_loop3A_501, %parallel_loop3A_502 : vector<16xf32>
            %parallel_loop3A_504 = arith.mulf %parallel_loop3A_491, %get3A_119 : vector<16xf32>
            %parallel_loop3A_505 = arith.addf %parallel_loop3A_472, %parallel_loop3A_504 : vector<16xf32>
            %parallel_loop3A_506 = arith.mulf %parallel_loop3A_484, %get3A_151 : vector<16xf32>
            %parallel_loop3A_507 = arith.subf %parallel_loop3A_505, %parallel_loop3A_506 : vector<16xf32>
            %parallel_loop3A_508 = arith.constant 0 : i32
            %parallel_loop3A_509 = vector.broadcast %parallel_loop3A_508 : i32 to vector<16xi32>
            %parallel_loop3A_510 = arith.addi %parallel_loop3A_359, %parallel_loop3A_509 : vector<16xi32>
            %parallel_loop3A_511 = arith.constant 0 : i32
            %parallel_loop3A_512 = tpu.memref_slice %arg10[%parallel_loop3A_355, %parallel_loop3A_511] : memref<16x2056xf32, #tpu.memory_space<vmem>> -> memref<1x2056xf32, #tpu.memory_space<vmem>>
            %parallel_loop3A_513 = tpu.memref_squeeze %parallel_loop3A_512 : memref<1x2056xf32, #tpu.memory_space<vmem>> -> memref<2056xf32, #tpu.memory_space<vmem>>
            tpu.vector_store_idx %parallel_loop3A_513[%parallel_loop3A_510], %parallel_loop3A_495 : memref<2056xf32, #tpu.memory_space<vmem>>[vector<16xi32>], vector<16xf32>,
            %parallel_loop3A_514 = arith.constant 1 : i32
            %parallel_loop3A_515 = vector.broadcast %parallel_loop3A_514 : i32 to vector<16xi32>
            %parallel_loop3A_516 = arith.addi %parallel_loop3A_359, %parallel_loop3A_515 : vector<16xi32>
            %parallel_loop3A_517 = arith.constant 0 : i32
            %parallel_loop3A_518 = tpu.memref_slice %arg10[%parallel_loop3A_355, %parallel_loop3A_517] : memref<16x2056xf32, #tpu.memory_space<vmem>> -> memref<1x2056xf32, #tpu.memory_space<vmem>>
            %parallel_loop3A_519 = tpu.memref_squeeze %parallel_loop3A_518 : memref<1x2056xf32, #tpu.memory_space<vmem>> -> memref<2056xf32, #tpu.memory_space<vmem>>
            tpu.vector_store_idx %parallel_loop3A_519[%parallel_loop3A_516], %parallel_loop3A_499 : memref<2056xf32, #tpu.memory_space<vmem>>[vector<16xi32>], vector<16xf32>,
            %parallel_loop3A_520 = arith.constant 1028 : i32
            %parallel_loop3A_521 = vector.broadcast %parallel_loop3A_520 : i32 to vector<16xi32>
            %parallel_loop3A_522 = arith.addi %parallel_loop3A_359, %parallel_loop3A_521 : vector<16xi32>
            %parallel_loop3A_523 = arith.constant 0 : i32
            %parallel_loop3A_524 = tpu.memref_slice %arg10[%parallel_loop3A_355, %parallel_loop3A_523] : memref<16x2056xf32, #tpu.memory_space<vmem>> -> memref<1x2056xf32, #tpu.memory_space<vmem>>
            %parallel_loop3A_525 = tpu.memref_squeeze %parallel_loop3A_524 : memref<1x2056xf32, #tpu.memory_space<vmem>> -> memref<2056xf32, #tpu.memory_space<vmem>>
            tpu.vector_store_idx %parallel_loop3A_525[%parallel_loop3A_522], %parallel_loop3A_503 : memref<2056xf32, #tpu.memory_space<vmem>>[vector<16xi32>], vector<16xf32>,
            %parallel_loop3A_526 = arith.constant 1029 : i32
            %parallel_loop3A_527 = vector.broadcast %parallel_loop3A_526 : i32 to vector<16xi32>
            %parallel_loop3A_528 = arith.addi %parallel_loop3A_359, %parallel_loop3A_527 : vector<16xi32>
            %parallel_loop3A_529 = arith.constant 0 : i32
            %parallel_loop3A_530 = tpu.memref_slice %arg10[%parallel_loop3A_355, %parallel_loop3A_529] : memref<16x2056xf32, #tpu.memory_space<vmem>> -> memref<1x2056xf32, #tpu.memory_space<vmem>>
            %parallel_loop3A_531 = tpu.memref_squeeze %parallel_loop3A_530 : memref<1x2056xf32, #tpu.memory_space<vmem>> -> memref<2056xf32, #tpu.memory_space<vmem>>
            tpu.vector_store_idx %parallel_loop3A_531[%parallel_loop3A_528], %parallel_loop3A_507 : memref<2056xf32, #tpu.memory_space<vmem>>[vector<16xi32>], vector<16xf32>,
          } {sc.loop_unroll_factor = 1 : i64, sc.parallel_access}
          %add3A_154 = arith.constant 4112 : i32
          %add3A_155 = arith.addi %add3A_154, %min3A_87 : i32
          %get3A_156 = arith.index_cast %add3A_155 : i32 to index
          %get3A_157 = tpu.vector_load %arg8[%get3A_156] {strides = array<i32>} : memref<16448xf32, #tpu.memory_space<vmem>>, vector<16xf32>,
          %add3A_158 = arith.constant 4369 : i32
          %add3A_159 = arith.addi %add3A_158, %min3A_87 : i32
          %get3A_160 = arith.index_cast %add3A_159 : i32 to index
          %get3A_161 = tpu.vector_load %arg8[%get3A_160] {strides = array<i32>} : memref<16448xf32, #tpu.memory_space<vmem>>, vector<16xf32>,
          %add3A_162 = arith.constant 5140 : i32
          %add3A_163 = arith.addi %add3A_162, %min3A_87 : i32
          %get3A_164 = arith.index_cast %add3A_163 : i32 to index
          %get3A_165 = tpu.vector_load %arg8[%get3A_164] {strides = array<i32>} : memref<16448xf32, #tpu.memory_space<vmem>>, vector<16xf32>,
          %add3A_166 = arith.constant 5397 : i32
          %add3A_167 = arith.addi %add3A_166, %min3A_87 : i32
          %get3A_168 = arith.index_cast %add3A_167 : i32 to index
          %get3A_169 = tpu.vector_load %arg8[%get3A_168] {strides = array<i32>} : memref<16448xf32, #tpu.memory_space<vmem>>, vector<16xf32>,
          %add3A_170 = arith.constant 6168 : i32
          %add3A_171 = arith.addi %add3A_170, %min3A_87 : i32
          %get3A_172 = arith.index_cast %add3A_171 : i32 to index
          %get3A_173 = tpu.vector_load %arg8[%get3A_172] {strides = array<i32>} : memref<16448xf32, #tpu.memory_space<vmem>>, vector<16xf32>,
          %add3A_174 = arith.constant 6425 : i32
          %add3A_175 = arith.addi %add3A_174, %min3A_87 : i32
          %get3A_176 = arith.index_cast %add3A_175 : i32 to index
          %get3A_177 = tpu.vector_load %arg8[%get3A_176] {strides = array<i32>} : memref<16448xf32, #tpu.memory_space<vmem>>, vector<16xf32>,
          %add3A_178 = arith.constant 7196 : i32
          %add3A_179 = arith.addi %add3A_178, %min3A_87 : i32
          %get3A_180 = arith.index_cast %add3A_179 : i32 to index
          %get3A_181 = tpu.vector_load %arg8[%get3A_180] {strides = array<i32>} : memref<16448xf32, #tpu.memory_space<vmem>>, vector<16xf32>,
          %add3A_182 = arith.constant 7453 : i32
          %add3A_183 = arith.addi %add3A_182, %min3A_87 : i32
          %get3A_184 = arith.index_cast %add3A_183 : i32 to index
          %get3A_185 = tpu.vector_load %arg8[%get3A_184] {strides = array<i32>} : memref<16448xf32, #tpu.memory_space<vmem>>, vector<16xf32>,
          %add3A_186 = arith.constant 12336 : i32
          %add3A_187 = arith.addi %add3A_186, %min3A_87 : i32
          %get3A_188 = arith.index_cast %add3A_187 : i32 to index
          %get3A_189 = tpu.vector_load %arg8[%get3A_188] {strides = array<i32>} : memref<16448xf32, #tpu.memory_space<vmem>>, vector<16xf32>,
          %add3A_190 = arith.constant 12593 : i32
          %add3A_191 = arith.addi %add3A_190, %min3A_87 : i32
          %get3A_192 = arith.index_cast %add3A_191 : i32 to index
          %get3A_193 = tpu.vector_load %arg8[%get3A_192] {strides = array<i32>} : memref<16448xf32, #tpu.memory_space<vmem>>, vector<16xf32>,
          %add3A_194 = arith.constant 13364 : i32
          %add3A_195 = arith.addi %add3A_194, %min3A_87 : i32
          %get3A_196 = arith.index_cast %add3A_195 : i32 to index
          %get3A_197 = tpu.vector_load %arg8[%get3A_196] {strides = array<i32>} : memref<16448xf32, #tpu.memory_space<vmem>>, vector<16xf32>,
          %add3A_198 = arith.constant 13621 : i32
          %add3A_199 = arith.addi %add3A_198, %min3A_87 : i32
          %get3A_200 = arith.index_cast %add3A_199 : i32 to index
          %get3A_201 = tpu.vector_load %arg8[%get3A_200] {strides = array<i32>} : memref<16448xf32, #tpu.memory_space<vmem>>, vector<16xf32>,
          %add3A_202 = arith.constant 14392 : i32
          %add3A_203 = arith.addi %add3A_202, %min3A_87 : i32
          %get3A_204 = arith.index_cast %add3A_203 : i32 to index
          %get3A_205 = tpu.vector_load %arg8[%get3A_204] {strides = array<i32>} : memref<16448xf32, #tpu.memory_space<vmem>>, vector<16xf32>,
          %add3A_206 = arith.constant 14649 : i32
          %add3A_207 = arith.addi %add3A_206, %min3A_87 : i32
          %get3A_208 = arith.index_cast %add3A_207 : i32 to index
          %get3A_209 = tpu.vector_load %arg8[%get3A_208] {strides = array<i32>} : memref<16448xf32, #tpu.memory_space<vmem>>, vector<16xf32>,
          %add3A_210 = arith.constant 15420 : i32
          %add3A_211 = arith.addi %add3A_210, %min3A_87 : i32
          %get3A_212 = arith.index_cast %add3A_211 : i32 to index
          %get3A_213 = tpu.vector_load %arg8[%get3A_212] {strides = array<i32>} : memref<16448xf32, #tpu.memory_space<vmem>>, vector<16xf32>,
          %add3A_214 = arith.constant 15677 : i32
          %add3A_215 = arith.addi %add3A_214, %min3A_87 : i32
          %get3A_216 = arith.index_cast %add3A_215 : i32 to index
          %get3A_217 = tpu.vector_load %arg8[%get3A_216] {strides = array<i32>} : memref<16448xf32, #tpu.memory_space<vmem>>, vector<16xf32>,
          %parallel_loop3A_218 = arith.constant 0 : i32
          %parallel_loop3A_219 = arith.constant 16 : i32
          %parallel_loop3A_220 = arith.constant 1 : i32
          scf.for %parallel_loop3A_355 = %parallel_loop3A_218 to %parallel_loop3A_219 step %parallel_loop3A_220  : i32 {
            %parallel_loop3A_356 = arith.constant 4 : i32
            %parallel_loop3A_357 = arith.muli %min3A_87, %parallel_loop3A_356 : i32
            %parallel_loop3A_358 = vector.broadcast %parallel_loop3A_357 : i32 to vector<16xi32>
            %parallel_loop3A_359 = arith.addi %mul3A_58, %parallel_loop3A_358 : vector<16xi32>
            %parallel_loop3A_360 = arith.constant 0 : i32
            %parallel_loop3A_361 = vector.broadcast %parallel_loop3A_360 : i32 to vector<16xi32>
            %parallel_loop3A_362 = arith.addi %parallel_loop3A_359, %parallel_loop3A_361 : vector<16xi32>
            %parallel_loop3A_363 = arith.constant 0 : i32
            %parallel_loop3A_364 = tpu.memref_slice %arg10[%parallel_loop3A_355, %parallel_loop3A_363] : memref<16x2056xf32, #tpu.memory_space<vmem>> -> memref<1x2056xf32, #tpu.memory_space<vmem>>
            %parallel_loop3A_365 = tpu.memref_squeeze %parallel_loop3A_364 : memref<1x2056xf32, #tpu.memory_space<vmem>> -> memref<2056xf32, #tpu.memory_space<vmem>>
            %parallel_loop3A_366 = tpu.vector_load_idx %parallel_loop3A_365[%parallel_loop3A_362] : memref<2056xf32, #tpu.memory_space<vmem>>[vector<16xi32>], vector<16xf32>,
            %parallel_loop3A_367 = arith.constant 1 : i32
            %parallel_loop3A_368 = vector.broadcast %parallel_loop3A_367 : i32 to vector<16xi32>
            %parallel_loop3A_369 = arith.addi %parallel_loop3A_359, %parallel_loop3A_368 : vector<16xi32>
            %parallel_loop3A_370 = arith.constant 0 : i32
            %parallel_loop3A_371 = tpu.memref_slice %arg10[%parallel_loop3A_355, %parallel_loop3A_370] : memref<16x2056xf32, #tpu.memory_space<vmem>> -> memref<1x2056xf32, #tpu.memory_space<vmem>>
            %parallel_loop3A_372 = tpu.memref_squeeze %parallel_loop3A_371 : memref<1x2056xf32, #tpu.memory_space<vmem>> -> memref<2056xf32, #tpu.memory_space<vmem>>
            %parallel_loop3A_373 = tpu.vector_load_idx %parallel_loop3A_372[%parallel_loop3A_369] : memref<2056xf32, #tpu.memory_space<vmem>>[vector<16xi32>], vector<16xf32>,
            %parallel_loop3A_374 = arith.constant 1028 : i32
            %parallel_loop3A_375 = vector.broadcast %parallel_loop3A_374 : i32 to vector<16xi32>
            %parallel_loop3A_376 = arith.addi %parallel_loop3A_359, %parallel_loop3A_375 : vector<16xi32>
            %parallel_loop3A_377 = arith.constant 0 : i32
            %parallel_loop3A_378 = tpu.memref_slice %arg10[%parallel_loop3A_355, %parallel_loop3A_377] : memref<16x2056xf32, #tpu.memory_space<vmem>> -> memref<1x2056xf32, #tpu.memory_space<vmem>>
            %parallel_loop3A_379 = tpu.memref_squeeze %parallel_loop3A_378 : memref<1x2056xf32, #tpu.memory_space<vmem>> -> memref<2056xf32, #tpu.memory_space<vmem>>
            %parallel_loop3A_380 = tpu.vector_load_idx %parallel_loop3A_379[%parallel_loop3A_376] : memref<2056xf32, #tpu.memory_space<vmem>>[vector<16xi32>], vector<16xf32>,
            %parallel_loop3A_381 = arith.constant 1029 : i32
            %parallel_loop3A_382 = vector.broadcast %parallel_loop3A_381 : i32 to vector<16xi32>
            %parallel_loop3A_383 = arith.addi %parallel_loop3A_359, %parallel_loop3A_382 : vector<16xi32>
            %parallel_loop3A_384 = arith.constant 0 : i32
            %parallel_loop3A_385 = tpu.memref_slice %arg10[%parallel_loop3A_355, %parallel_loop3A_384] : memref<16x2056xf32, #tpu.memory_space<vmem>> -> memref<1x2056xf32, #tpu.memory_space<vmem>>
            %parallel_loop3A_386 = tpu.memref_squeeze %parallel_loop3A_385 : memref<1x2056xf32, #tpu.memory_space<vmem>> -> memref<2056xf32, #tpu.memory_space<vmem>>
            %parallel_loop3A_387 = tpu.vector_load_idx %parallel_loop3A_386[%parallel_loop3A_383] : memref<2056xf32, #tpu.memory_space<vmem>>[vector<16xi32>], vector<16xf32>,
            %parallel_loop3A_388 = arith.constant 8 : i32
            %parallel_loop3A_389 = arith.muli %min3A_87, %parallel_loop3A_388 : i32
            %parallel_loop3A_390 = arith.constant 4 : i32
            %parallel_loop3A_391 = arith.addi %parallel_loop3A_389, %parallel_loop3A_390 : i32
            %parallel_loop3A_392 = arith.constant 0 : i32
            %parallel_loop3A_393 = arith.addi %parallel_loop3A_391, %parallel_loop3A_392 : i32
            %parallel_loop3A_394 = vector.broadcast %parallel_loop3A_393 : i32 to vector<16xi32>
            %parallel_loop3A_395 = arith.addi %mul3A_55, %parallel_loop3A_394 : vector<16xi32>
            %parallel_loop3A_396 = arith.constant 0 : i32
            %parallel_loop3A_397 = tpu.memref_slice %arg9[%parallel_loop3A_355, %parallel_loop3A_396] : memref<16x4112xf32, #tpu.memory_space<vmem>> -> memref<1x4112xf32, #tpu.memory_space<vmem>>
            %parallel_loop3A_398 = tpu.memref_squeeze %parallel_loop3A_397 : memref<1x4112xf32, #tpu.memory_space<vmem>> -> memref<4112xf32, #tpu.memory_space<vmem>>
            %parallel_loop3A_399 = tpu.vector_load_idx %parallel_loop3A_398[%parallel_loop3A_395] : memref<4112xf32, #tpu.memory_space<vmem>>[vector<16xi32>], vector<16xf32>,
            %parallel_loop3A_400 = arith.constant 2056 : i32
            %parallel_loop3A_401 = vector.broadcast %parallel_loop3A_400 : i32 to vector<16xi32>
            %parallel_loop3A_402 = arith.addi %parallel_loop3A_395, %parallel_loop3A_401 : vector<16xi32>
            %parallel_loop3A_403 = arith.constant 0 : i32
            %parallel_loop3A_404 = tpu.memref_slice %arg9[%parallel_loop3A_355, %parallel_loop3A_403] : memref<16x4112xf32, #tpu.memory_space<vmem>> -> memref<1x4112xf32, #tpu.memory_space<vmem>>
            %parallel_loop3A_405 = tpu.memref_squeeze %parallel_loop3A_404 : memref<1x4112xf32, #tpu.memory_space<vmem>> -> memref<4112xf32, #tpu.memory_space<vmem>>
            %parallel_loop3A_406 = tpu.vector_load_idx %parallel_loop3A_405[%parallel_loop3A_402] : memref<4112xf32, #tpu.memory_space<vmem>>[vector<16xi32>], vector<16xf32>,
            %parallel_loop3A_407 = arith.mulf %parallel_loop3A_399, %get3A_157 : vector<16xf32>
            %parallel_loop3A_408 = arith.addf %parallel_loop3A_366, %parallel_loop3A_407 : vector<16xf32>
            %parallel_loop3A_409 = arith.mulf %parallel_loop3A_406, %get3A_189 : vector<16xf32>
            %parallel_loop3A_410 = arith.addf %parallel_loop3A_408, %parallel_loop3A_409 : vector<16xf32>
            %parallel_loop3A_411 = arith.mulf %parallel_loop3A_399, %get3A_161 : vector<16xf32>
            %parallel_loop3A_412 = arith.addf %parallel_loop3A_373, %parallel_loop3A_411 : vector<16xf32>
            %parallel_loop3A_413 = arith.mulf %parallel_loop3A_406, %get3A_193 : vector<16xf32>
            %parallel_loop3A_414 = arith.addf %parallel_loop3A_412, %parallel_loop3A_413 : vector<16xf32>
            %parallel_loop3A_415 = arith.mulf %parallel_loop3A_406, %get3A_157 : vector<16xf32>
            %parallel_loop3A_416 = arith.addf %parallel_loop3A_380, %parallel_loop3A_415 : vector<16xf32>
            %parallel_loop3A_417 = arith.mulf %parallel_loop3A_399, %get3A_189 : vector<16xf32>
            %parallel_loop3A_418 = arith.subf %parallel_loop3A_416, %parallel_loop3A_417 : vector<16xf32>
            %parallel_loop3A_419 = arith.mulf %parallel_loop3A_406, %get3A_161 : vector<16xf32>
            %parallel_loop3A_420 = arith.addf %parallel_loop3A_387, %parallel_loop3A_419 : vector<16xf32>
            %parallel_loop3A_421 = arith.mulf %parallel_loop3A_399, %get3A_193 : vector<16xf32>
            %parallel_loop3A_422 = arith.subf %parallel_loop3A_420, %parallel_loop3A_421 : vector<16xf32>
            %parallel_loop3A_423 = arith.constant 8 : i32
            %parallel_loop3A_424 = arith.muli %min3A_87, %parallel_loop3A_423 : i32
            %parallel_loop3A_425 = arith.constant 4 : i32
            %parallel_loop3A_426 = arith.addi %parallel_loop3A_424, %parallel_loop3A_425 : i32
            %parallel_loop3A_427 = arith.constant 1 : i32
            %parallel_loop3A_428 = arith.addi %parallel_loop3A_426, %parallel_loop3A_427 : i32
            %parallel_loop3A_429 = vector.broadcast %parallel_loop3A_428 : i32 to vector<16xi32>
            %parallel_loop3A_430 = arith.addi %mul3A_55, %parallel_loop3A_429 : vector<16xi32>
            %parallel_loop3A_431 = arith.constant 0 : i32
            %parallel_loop3A_432 = tpu.memref_slice %arg9[%parallel_loop3A_355, %parallel_loop3A_431] : memref<16x4112xf32, #tpu.memory_space<vmem>> -> memref<1x4112xf32, #tpu.memory_space<vmem>>
            %parallel_loop3A_433 = tpu.memref_squeeze %parallel_loop3A_432 : memref<1x4112xf32, #tpu.memory_space<vmem>> -> memref<4112xf32, #tpu.memory_space<vmem>>
            %parallel_loop3A_434 = tpu.vector_load_idx %parallel_loop3A_433[%parallel_loop3A_430] : memref<4112xf32, #tpu.memory_space<vmem>>[vector<16xi32>], vector<16xf32>,
            %parallel_loop3A_435 = arith.constant 2056 : i32
            %parallel_loop3A_436 = vector.broadcast %parallel_loop3A_435 : i32 to vector<16xi32>
            %parallel_loop3A_437 = arith.addi %parallel_loop3A_430, %parallel_loop3A_436 : vector<16xi32>
            %parallel_loop3A_438 = arith.constant 0 : i32
            %parallel_loop3A_439 = tpu.memref_slice %arg9[%parallel_loop3A_355, %parallel_loop3A_438] : memref<16x4112xf32, #tpu.memory_space<vmem>> -> memref<1x4112xf32, #tpu.memory_space<vmem>>
            %parallel_loop3A_440 = tpu.memref_squeeze %parallel_loop3A_439 : memref<1x4112xf32, #tpu.memory_space<vmem>> -> memref<4112xf32, #tpu.memory_space<vmem>>
            %parallel_loop3A_441 = tpu.vector_load_idx %parallel_loop3A_440[%parallel_loop3A_437] : memref<4112xf32, #tpu.memory_space<vmem>>[vector<16xi32>], vector<16xf32>,
            %parallel_loop3A_442 = arith.mulf %parallel_loop3A_434, %get3A_165 : vector<16xf32>
            %parallel_loop3A_443 = arith.addf %parallel_loop3A_410, %parallel_loop3A_442 : vector<16xf32>
            %parallel_loop3A_444 = arith.mulf %parallel_loop3A_441, %get3A_197 : vector<16xf32>
            %parallel_loop3A_445 = arith.addf %parallel_loop3A_443, %parallel_loop3A_444 : vector<16xf32>
            %parallel_loop3A_446 = arith.mulf %parallel_loop3A_434, %get3A_169 : vector<16xf32>
            %parallel_loop3A_447 = arith.addf %parallel_loop3A_414, %parallel_loop3A_446 : vector<16xf32>
            %parallel_loop3A_448 = arith.mulf %parallel_loop3A_441, %get3A_201 : vector<16xf32>
            %parallel_loop3A_449 = arith.addf %parallel_loop3A_447, %parallel_loop3A_448 : vector<16xf32>
            %parallel_loop3A_450 = arith.mulf %parallel_loop3A_441, %get3A_165 : vector<16xf32>
            %parallel_loop3A_451 = arith.addf %parallel_loop3A_418, %parallel_loop3A_450 : vector<16xf32>
            %parallel_loop3A_452 = arith.mulf %parallel_loop3A_434, %get3A_197 : vector<16xf32>
            %parallel_loop3A_453 = arith.subf %parallel_loop3A_451, %parallel_loop3A_452 : vector<16xf32>
            %parallel_loop3A_454 = arith.mulf %parallel_loop3A_441, %get3A_169 : vector<16xf32>
            %parallel_loop3A_455 = arith.addf %parallel_loop3A_422, %parallel_loop3A_454 : vector<16xf32>
            %parallel_loop3A_456 = arith.mulf %parallel_loop3A_434, %get3A_201 : vector<16xf32>
            %parallel_loop3A_457 = arith.subf %parallel_loop3A_455, %parallel_loop3A_456 : vector<16xf32>
            %parallel_loop3A_458 = arith.constant 8 : i32
            %parallel_loop3A_459 = arith.muli %min3A_87, %parallel_loop3A_458 : i32
            %parallel_loop3A_460 = arith.constant 4 : i32
            %parallel_loop3A_461 = arith.addi %parallel_loop3A_459, %parallel_loop3A_460 : i32
            %parallel_loop3A_462 = arith.constant 2 : i32
            %parallel_loop3A_463 = arith.addi %parallel_loop3A_461, %parallel_loop3A_462 : i32
            %parallel_loop3A_464 = vector.broadcast %parallel_loop3A_463 : i32 to vector<16xi32>
            %parallel_loop3A_465 = arith.addi %mul3A_55, %parallel_loop3A_464 : vector<16xi32>
            %parallel_loop3A_466 = arith.constant 0 : i32
            %parallel_loop3A_467 = tpu.memref_slice %arg9[%parallel_loop3A_355, %parallel_loop3A_466] : memref<16x4112xf32, #tpu.memory_space<vmem>> -> memref<1x4112xf32, #tpu.memory_space<vmem>>
            %parallel_loop3A_468 = tpu.memref_squeeze %parallel_loop3A_467 : memref<1x4112xf32, #tpu.memory_space<vmem>> -> memref<4112xf32, #tpu.memory_space<vmem>>
            %parallel_loop3A_469 = tpu.vector_load_idx %parallel_loop3A_468[%parallel_loop3A_465] : memref<4112xf32, #tpu.memory_space<vmem>>[vector<16xi32>], vector<16xf32>,
            %parallel_loop3A_470 = arith.constant 2056 : i32
            %parallel_loop3A_471 = vector.broadcast %parallel_loop3A_470 : i32 to vector<16xi32>
            %parallel_loop3A_472 = arith.addi %parallel_loop3A_465, %parallel_loop3A_471 : vector<16xi32>
            %parallel_loop3A_473 = arith.constant 0 : i32
            %parallel_loop3A_474 = tpu.memref_slice %arg9[%parallel_loop3A_355, %parallel_loop3A_473] : memref<16x4112xf32, #tpu.memory_space<vmem>> -> memref<1x4112xf32, #tpu.memory_space<vmem>>
            %parallel_loop3A_475 = tpu.memref_squeeze %parallel_loop3A_474 : memref<1x4112xf32, #tpu.memory_space<vmem>> -> memref<4112xf32, #tpu.memory_space<vmem>>
            %parallel_loop3A_476 = tpu.vector_load_idx %parallel_loop3A_475[%parallel_loop3A_472] : memref<4112xf32, #tpu.memory_space<vmem>>[vector<16xi32>], vector<16xf32>,
            %parallel_loop3A_477 = arith.mulf %parallel_loop3A_469, %get3A_173 : vector<16xf32>
            %parallel_loop3A_478 = arith.addf %parallel_loop3A_445, %parallel_loop3A_477 : vector<16xf32>
            %parallel_loop3A_479 = arith.mulf %parallel_loop3A_476, %get3A_205 : vector<16xf32>
            %parallel_loop3A_480 = arith.addf %parallel_loop3A_478, %parallel_loop3A_479 : vector<16xf32>
            %parallel_loop3A_481 = arith.mulf %parallel_loop3A_469, %get3A_177 : vector<16xf32>
            %parallel_loop3A_482 = arith.addf %parallel_loop3A_449, %parallel_loop3A_481 : vector<16xf32>
            %parallel_loop3A_483 = arith.mulf %parallel_loop3A_476, %get3A_209 : vector<16xf32>
            %parallel_loop3A_484 = arith.addf %parallel_loop3A_482, %parallel_loop3A_483 : vector<16xf32>
            %parallel_loop3A_485 = arith.mulf %parallel_loop3A_476, %get3A_173 : vector<16xf32>
            %parallel_loop3A_486 = arith.addf %parallel_loop3A_453, %parallel_loop3A_485 : vector<16xf32>
            %parallel_loop3A_487 = arith.mulf %parallel_loop3A_469, %get3A_205 : vector<16xf32>
            %parallel_loop3A_488 = arith.subf %parallel_loop3A_486, %parallel_loop3A_487 : vector<16xf32>
            %parallel_loop3A_489 = arith.mulf %parallel_loop3A_476, %get3A_177 : vector<16xf32>
            %parallel_loop3A_490 = arith.addf %parallel_loop3A_457, %parallel_loop3A_489 : vector<16xf32>
            %parallel_loop3A_491 = arith.mulf %parallel_loop3A_469, %get3A_209 : vector<16xf32>
            %parallel_loop3A_492 = arith.subf %parallel_loop3A_490, %parallel_loop3A_491 : vector<16xf32>
            %parallel_loop3A_493 = arith.constant 8 : i32
            %parallel_loop3A_494 = arith.muli %min3A_87, %parallel_loop3A_493 : i32
            %parallel_loop3A_495 = arith.constant 4 : i32
            %parallel_loop3A_496 = arith.addi %parallel_loop3A_494, %parallel_loop3A_495 : i32
            %parallel_loop3A_497 = arith.constant 3 : i32
            %parallel_loop3A_498 = arith.addi %parallel_loop3A_496, %parallel_loop3A_497 : i32
            %parallel_loop3A_499 = vector.broadcast %parallel_loop3A_498 : i32 to vector<16xi32>
            %parallel_loop3A_500 = arith.addi %mul3A_55, %parallel_loop3A_499 : vector<16xi32>
            %parallel_loop3A_501 = arith.constant 0 : i32
            %parallel_loop3A_502 = tpu.memref_slice %arg9[%parallel_loop3A_355, %parallel_loop3A_501] : memref<16x4112xf32, #tpu.memory_space<vmem>> -> memref<1x4112xf32, #tpu.memory_space<vmem>>
            %parallel_loop3A_503 = tpu.memref_squeeze %parallel_loop3A_502 : memref<1x4112xf32, #tpu.memory_space<vmem>> -> memref<4112xf32, #tpu.memory_space<vmem>>
            %parallel_loop3A_504 = tpu.vector_load_idx %parallel_loop3A_503[%parallel_loop3A_500] : memref<4112xf32, #tpu.memory_space<vmem>>[vector<16xi32>], vector<16xf32>,
            %parallel_loop3A_505 = arith.constant 2056 : i32
            %parallel_loop3A_506 = vector.broadcast %parallel_loop3A_505 : i32 to vector<16xi32>
            %parallel_loop3A_507 = arith.addi %parallel_loop3A_500, %parallel_loop3A_506 : vector<16xi32>
            %parallel_loop3A_508 = arith.constant 0 : i32
            %parallel_loop3A_509 = tpu.memref_slice %arg9[%parallel_loop3A_355, %parallel_loop3A_508] : memref<16x4112xf32, #tpu.memory_space<vmem>> -> memref<1x4112xf32, #tpu.memory_space<vmem>>
            %parallel_loop3A_510 = tpu.memref_squeeze %parallel_loop3A_509 : memref<1x4112xf32, #tpu.memory_space<vmem>> -> memref<4112xf32, #tpu.memory_space<vmem>>
            %parallel_loop3A_511 = tpu.vector_load_idx %parallel_loop3A_510[%parallel_loop3A_507] : memref<4112xf32, #tpu.memory_space<vmem>>[vector<16xi32>], vector<16xf32>,
            %parallel_loop3A_512 = arith.mulf %parallel_loop3A_504, %get3A_181 : vector<16xf32>
            %parallel_loop3A_513 = arith.addf %parallel_loop3A_480, %parallel_loop3A_512 : vector<16xf32>
            %parallel_loop3A_514 = arith.mulf %parallel_loop3A_511, %get3A_213 : vector<16xf32>
            %parallel_loop3A_515 = arith.addf %parallel_loop3A_513, %parallel_loop3A_514 : vector<16xf32>
            %parallel_loop3A_516 = arith.mulf %parallel_loop3A_504, %get3A_185 : vector<16xf32>
            %parallel_loop3A_517 = arith.addf %parallel_loop3A_484, %parallel_loop3A_516 : vector<16xf32>
            %parallel_loop3A_518 = arith.mulf %parallel_loop3A_511, %get3A_217 : vector<16xf32>
            %parallel_loop3A_519 = arith.addf %parallel_loop3A_517, %parallel_loop3A_518 : vector<16xf32>
            %parallel_loop3A_520 = arith.mulf %parallel_loop3A_511, %get3A_181 : vector<16xf32>
            %parallel_loop3A_521 = arith.addf %parallel_loop3A_488, %parallel_loop3A_520 : vector<16xf32>
            %parallel_loop3A_522 = arith.mulf %parallel_loop3A_504, %get3A_213 : vector<16xf32>
            %parallel_loop3A_523 = arith.subf %parallel_loop3A_521, %parallel_loop3A_522 : vector<16xf32>
            %parallel_loop3A_524 = arith.mulf %parallel_loop3A_511, %get3A_185 : vector<16xf32>
            %parallel_loop3A_525 = arith.addf %parallel_loop3A_492, %parallel_loop3A_524 : vector<16xf32>
            %parallel_loop3A_526 = arith.mulf %parallel_loop3A_504, %get3A_217 : vector<16xf32>
            %parallel_loop3A_527 = arith.subf %parallel_loop3A_525, %parallel_loop3A_526 : vector<16xf32>
            %parallel_loop3A_528 = arith.constant 0 : i32
            %parallel_loop3A_529 = vector.broadcast %parallel_loop3A_528 : i32 to vector<16xi32>
            %parallel_loop3A_530 = arith.addi %parallel_loop3A_359, %parallel_loop3A_529 : vector<16xi32>
            %parallel_loop3A_531 = arith.constant 0 : i32
            %parallel_loop3A_532 = tpu.memref_slice %arg10[%parallel_loop3A_355, %parallel_loop3A_531] : memref<16x2056xf32, #tpu.memory_space<vmem>> -> memref<1x2056xf32, #tpu.memory_space<vmem>>
            %parallel_loop3A_533 = tpu.memref_squeeze %parallel_loop3A_532 : memref<1x2056xf32, #tpu.memory_space<vmem>> -> memref<2056xf32, #tpu.memory_space<vmem>>
            tpu.vector_store_idx %parallel_loop3A_533[%parallel_loop3A_530], %parallel_loop3A_515 : memref<2056xf32, #tpu.memory_space<vmem>>[vector<16xi32>], vector<16xf32>,
            %parallel_loop3A_534 = arith.constant 1 : i32
            %parallel_loop3A_535 = vector.broadcast %parallel_loop3A_534 : i32 to vector<16xi32>
            %parallel_loop3A_536 = arith.addi %parallel_loop3A_359, %parallel_loop3A_535 : vector<16xi32>
            %parallel_loop3A_537 = arith.constant 0 : i32
            %parallel_loop3A_538 = tpu.memref_slice %arg10[%parallel_loop3A_355, %parallel_loop3A_537] : memref<16x2056xf32, #tpu.memory_space<vmem>> -> memref<1x2056xf32, #tpu.memory_space<vmem>>
            %parallel_loop3A_539 = tpu.memref_squeeze %parallel_loop3A_538 : memref<1x2056xf32, #tpu.memory_space<vmem>> -> memref<2056xf32, #tpu.memory_space<vmem>>
            tpu.vector_store_idx %parallel_loop3A_539[%parallel_loop3A_536], %parallel_loop3A_519 : memref<2056xf32, #tpu.memory_space<vmem>>[vector<16xi32>], vector<16xf32>,
            %parallel_loop3A_540 = arith.constant 1028 : i32
            %parallel_loop3A_541 = vector.broadcast %parallel_loop3A_540 : i32 to vector<16xi32>
            %parallel_loop3A_542 = arith.addi %parallel_loop3A_359, %parallel_loop3A_541 : vector<16xi32>
            %parallel_loop3A_543 = arith.constant 0 : i32
            %parallel_loop3A_544 = tpu.memref_slice %arg10[%parallel_loop3A_355, %parallel_loop3A_543] : memref<16x2056xf32, #tpu.memory_space<vmem>> -> memref<1x2056xf32, #tpu.memory_space<vmem>>
            %parallel_loop3A_545 = tpu.memref_squeeze %parallel_loop3A_544 : memref<1x2056xf32, #tpu.memory_space<vmem>> -> memref<2056xf32, #tpu.memory_space<vmem>>
            tpu.vector_store_idx %parallel_loop3A_545[%parallel_loop3A_542], %parallel_loop3A_523 : memref<2056xf32, #tpu.memory_space<vmem>>[vector<16xi32>], vector<16xf32>,
            %parallel_loop3A_546 = arith.constant 1029 : i32
            %parallel_loop3A_547 = vector.broadcast %parallel_loop3A_546 : i32 to vector<16xi32>
            %parallel_loop3A_548 = arith.addi %parallel_loop3A_359, %parallel_loop3A_547 : vector<16xi32>
            %parallel_loop3A_549 = arith.constant 0 : i32
            %parallel_loop3A_550 = tpu.memref_slice %arg10[%parallel_loop3A_355, %parallel_loop3A_549] : memref<16x2056xf32, #tpu.memory_space<vmem>> -> memref<1x2056xf32, #tpu.memory_space<vmem>>
            %parallel_loop3A_551 = tpu.memref_squeeze %parallel_loop3A_550 : memref<1x2056xf32, #tpu.memory_space<vmem>> -> memref<2056xf32, #tpu.memory_space<vmem>>
            tpu.vector_store_idx %parallel_loop3A_551[%parallel_loop3A_548], %parallel_loop3A_527 : memref<2056xf32, #tpu.memory_space<vmem>>[vector<16xi32>], vector<16xf32>,
          } {sc.loop_unroll_factor = 1 : i64, sc.parallel_access}
          %add3A_221 = arith.constant 514 : i32
          %add3A_222 = arith.addi %add3A_221, %min3A_87 : i32
          %get3A_223 = arith.index_cast %add3A_222 : i32 to index
          %get3A_224 = tpu.vector_load %arg8[%get3A_223] {strides = array<i32>} : memref<16448xf32, #tpu.memory_space<vmem>>, vector<16xf32>,
          %add3A_225 = arith.constant 771 : i32
          %add3A_226 = arith.addi %add3A_225, %min3A_87 : i32
          %get3A_227 = arith.index_cast %add3A_226 : i32 to index
          %get3A_228 = tpu.vector_load %arg8[%get3A_227] {strides = array<i32>} : memref<16448xf32, #tpu.memory_space<vmem>>, vector<16xf32>,
          %add3A_229 = arith.constant 1542 : i32
          %add3A_230 = arith.addi %add3A_229, %min3A_87 : i32
          %get3A_231 = arith.index_cast %add3A_230 : i32 to index
          %get3A_232 = tpu.vector_load %arg8[%get3A_231] {strides = array<i32>} : memref<16448xf32, #tpu.memory_space<vmem>>, vector<16xf32>,
          %add3A_233 = arith.constant 1799 : i32
          %add3A_234 = arith.addi %add3A_233, %min3A_87 : i32
          %get3A_235 = arith.index_cast %add3A_234 : i32 to index
          %get3A_236 = tpu.vector_load %arg8[%get3A_235] {strides = array<i32>} : memref<16448xf32, #tpu.memory_space<vmem>>, vector<16xf32>,
          %add3A_237 = arith.constant 2570 : i32
          %add3A_238 = arith.addi %add3A_237, %min3A_87 : i32
          %get3A_239 = arith.index_cast %add3A_238 : i32 to index
          %get3A_240 = tpu.vector_load %arg8[%get3A_239] {strides = array<i32>} : memref<16448xf32, #tpu.memory_space<vmem>>, vector<16xf32>,
          %add3A_241 = arith.constant 2827 : i32
          %add3A_242 = arith.addi %add3A_241, %min3A_87 : i32
          %get3A_243 = arith.index_cast %add3A_242 : i32 to index
          %get3A_244 = tpu.vector_load %arg8[%get3A_243] {strides = array<i32>} : memref<16448xf32, #tpu.memory_space<vmem>>, vector<16xf32>,
          %add3A_245 = arith.constant 3598 : i32
          %add3A_246 = arith.addi %add3A_245, %min3A_87 : i32
          %get3A_247 = arith.index_cast %add3A_246 : i32 to index
          %get3A_248 = tpu.vector_load %arg8[%get3A_247] {strides = array<i32>} : memref<16448xf32, #tpu.memory_space<vmem>>, vector<16xf32>,
          %add3A_249 = arith.constant 3855 : i32
          %add3A_250 = arith.addi %add3A_249, %min3A_87 : i32
          %get3A_251 = arith.index_cast %add3A_250 : i32 to index
          %get3A_252 = tpu.vector_load %arg8[%get3A_251] {strides = array<i32>} : memref<16448xf32, #tpu.memory_space<vmem>>, vector<16xf32>,
          %add3A_253 = arith.constant 8738 : i32
          %add3A_254 = arith.addi %add3A_253, %min3A_87 : i32
          %get3A_255 = arith.index_cast %add3A_254 : i32 to index
          %get3A_256 = tpu.vector_load %arg8[%get3A_255] {strides = array<i32>} : memref<16448xf32, #tpu.memory_space<vmem>>, vector<16xf32>,
          %add3A_257 = arith.constant 8995 : i32
          %add3A_258 = arith.addi %add3A_257, %min3A_87 : i32
          %get3A_259 = arith.index_cast %add3A_258 : i32 to index
          %get3A_260 = tpu.vector_load %arg8[%get3A_259] {strides = array<i32>} : memref<16448xf32, #tpu.memory_space<vmem>>, vector<16xf32>,
          %add3A_261 = arith.constant 9766 : i32
          %add3A_262 = arith.addi %add3A_261, %min3A_87 : i32
          %get3A_263 = arith.index_cast %add3A_262 : i32 to index
          %get3A_264 = tpu.vector_load %arg8[%get3A_263] {strides = array<i32>} : memref<16448xf32, #tpu.memory_space<vmem>>, vector<16xf32>,
          %add3A_265 = arith.constant 10023 : i32
          %add3A_266 = arith.addi %add3A_265, %min3A_87 : i32
          %get3A_267 = arith.index_cast %add3A_266 : i32 to index
          %get3A_268 = tpu.vector_load %arg8[%get3A_267] {strides = array<i32>} : memref<16448xf32, #tpu.memory_space<vmem>>, vector<16xf32>,
          %add3A_269 = arith.constant 10794 : i32
          %add3A_270 = arith.addi %add3A_269, %min3A_87 : i32
          %get3A_271 = arith.index_cast %add3A_270 : i32 to index
          %get3A_272 = tpu.vector_load %arg8[%get3A_271] {strides = array<i32>} : memref<16448xf32, #tpu.memory_space<vmem>>, vector<16xf32>,
          %add3A_273 = arith.constant 11051 : i32
          %add3A_274 = arith.addi %add3A_273, %min3A_87 : i32
          %get3A_275 = arith.index_cast %add3A_274 : i32 to index
          %get3A_276 = tpu.vector_load %arg8[%get3A_275] {strides = array<i32>} : memref<16448xf32, #tpu.memory_space<vmem>>, vector<16xf32>,
          %add3A_277 = arith.constant 11822 : i32
          %add3A_278 = arith.addi %add3A_277, %min3A_87 : i32
          %get3A_279 = arith.index_cast %add3A_278 : i32 to index
          %get3A_280 = tpu.vector_load %arg8[%get3A_279] {strides = array<i32>} : memref<16448xf32, #tpu.memory_space<vmem>>, vector<16xf32>,
          %add3A_281 = arith.constant 12079 : i32
          %add3A_282 = arith.addi %add3A_281, %min3A_87 : i32
          %get3A_283 = arith.index_cast %add3A_282 : i32 to index
          %get3A_284 = tpu.vector_load %arg8[%get3A_283] {strides = array<i32>} : memref<16448xf32, #tpu.memory_space<vmem>>, vector<16xf32>,
          %parallel_loop3A_285 = arith.constant 0 : i32
          %parallel_loop3A_286 = arith.constant 16 : i32
          %parallel_loop3A_287 = arith.constant 1 : i32
          scf.for %parallel_loop3A_355 = %parallel_loop3A_285 to %parallel_loop3A_286 step %parallel_loop3A_287  : i32 {
            %parallel_loop3A_356 = arith.constant 4 : i32
            %parallel_loop3A_357 = arith.muli %min3A_87, %parallel_loop3A_356 : i32
            %parallel_loop3A_358 = vector.broadcast %parallel_loop3A_357 : i32 to vector<16xi32>
            %parallel_loop3A_359 = arith.addi %mul3A_58, %parallel_loop3A_358 : vector<16xi32>
            %parallel_loop3A_360 = arith.constant 0.000000e+00 : f32
            %parallel_loop3A_361 = vector.broadcast %parallel_loop3A_360 : f32 to vector<16xf32>
            %parallel_loop3A_362 = arith.constant 0.000000e+00 : f32
            %parallel_loop3A_363 = vector.broadcast %parallel_loop3A_362 : f32 to vector<16xf32>
            %parallel_loop3A_364 = arith.constant 0.000000e+00 : f32
            %parallel_loop3A_365 = vector.broadcast %parallel_loop3A_364 : f32 to vector<16xf32>
            %parallel_loop3A_366 = arith.constant 0.000000e+00 : f32
            %parallel_loop3A_367 = vector.broadcast %parallel_loop3A_366 : f32 to vector<16xf32>
            %parallel_loop3A_368 = arith.constant 8 : i32
            %parallel_loop3A_369 = arith.muli %min3A_87, %parallel_loop3A_368 : i32
            %parallel_loop3A_370 = arith.constant 0 : i32
            %parallel_loop3A_371 = arith.addi %parallel_loop3A_369, %parallel_loop3A_370 : i32
            %parallel_loop3A_372 = arith.constant 0 : i32
            %parallel_loop3A_373 = arith.addi %parallel_loop3A_371, %parallel_loop3A_372 : i32
            %parallel_loop3A_374 = vector.broadcast %parallel_loop3A_373 : i32 to vector<16xi32>
            %parallel_loop3A_375 = arith.addi %mul3A_55, %parallel_loop3A_374 : vector<16xi32>
            %parallel_loop3A_376 = arith.constant 0 : i32
            %parallel_loop3A_377 = tpu.memref_slice %arg9[%parallel_loop3A_355, %parallel_loop3A_376] : memref<16x4112xf32, #tpu.memory_space<vmem>> -> memref<1x4112xf32, #tpu.memory_space<vmem>>
            %parallel_loop3A_378 = tpu.memref_squeeze %parallel_loop3A_377 : memref<1x4112xf32, #tpu.memory_space<vmem>> -> memref<4112xf32, #tpu.memory_space<vmem>>
            %parallel_loop3A_379 = tpu.vector_load_idx %parallel_loop3A_378[%parallel_loop3A_375] : memref<4112xf32, #tpu.memory_space<vmem>>[vector<16xi32>], vector<16xf32>,
            %parallel_loop3A_380 = arith.constant 2056 : i32
            %parallel_loop3A_381 = vector.broadcast %parallel_loop3A_380 : i32 to vector<16xi32>
            %parallel_loop3A_382 = arith.addi %parallel_loop3A_375, %parallel_loop3A_381 : vector<16xi32>
            %parallel_loop3A_383 = arith.constant 0 : i32
            %parallel_loop3A_384 = tpu.memref_slice %arg9[%parallel_loop3A_355, %parallel_loop3A_383] : memref<16x4112xf32, #tpu.memory_space<vmem>> -> memref<1x4112xf32, #tpu.memory_space<vmem>>
            %parallel_loop3A_385 = tpu.memref_squeeze %parallel_loop3A_384 : memref<1x4112xf32, #tpu.memory_space<vmem>> -> memref<4112xf32, #tpu.memory_space<vmem>>
            %parallel_loop3A_386 = tpu.vector_load_idx %parallel_loop3A_385[%parallel_loop3A_382] : memref<4112xf32, #tpu.memory_space<vmem>>[vector<16xi32>], vector<16xf32>,
            %parallel_loop3A_387 = arith.mulf %parallel_loop3A_379, %get3A_224 : vector<16xf32>
            %parallel_loop3A_388 = arith.addf %parallel_loop3A_361, %parallel_loop3A_387 : vector<16xf32>
            %parallel_loop3A_389 = arith.mulf %parallel_loop3A_386, %get3A_256 : vector<16xf32>
            %parallel_loop3A_390 = arith.addf %parallel_loop3A_388, %parallel_loop3A_389 : vector<16xf32>
            %parallel_loop3A_391 = arith.mulf %parallel_loop3A_379, %get3A_228 : vector<16xf32>
            %parallel_loop3A_392 = arith.addf %parallel_loop3A_363, %parallel_loop3A_391 : vector<16xf32>
            %parallel_loop3A_393 = arith.mulf %parallel_loop3A_386, %get3A_260 : vector<16xf32>
            %parallel_loop3A_394 = arith.addf %parallel_loop3A_392, %parallel_loop3A_393 : vector<16xf32>
            %parallel_loop3A_395 = arith.mulf %parallel_loop3A_386, %get3A_224 : vector<16xf32>
            %parallel_loop3A_396 = arith.addf %parallel_loop3A_365, %parallel_loop3A_395 : vector<16xf32>
            %parallel_loop3A_397 = arith.mulf %parallel_loop3A_379, %get3A_256 : vector<16xf32>
            %parallel_loop3A_398 = arith.subf %parallel_loop3A_396, %parallel_loop3A_397 : vector<16xf32>
            %parallel_loop3A_399 = arith.mulf %parallel_loop3A_386, %get3A_228 : vector<16xf32>
            %parallel_loop3A_400 = arith.addf %parallel_loop3A_367, %parallel_loop3A_399 : vector<16xf32>
            %parallel_loop3A_401 = arith.mulf %parallel_loop3A_379, %get3A_260 : vector<16xf32>
            %parallel_loop3A_402 = arith.subf %parallel_loop3A_400, %parallel_loop3A_401 : vector<16xf32>
            %parallel_loop3A_403 = arith.constant 8 : i32
            %parallel_loop3A_404 = arith.muli %min3A_87, %parallel_loop3A_403 : i32
            %parallel_loop3A_405 = arith.constant 0 : i32
            %parallel_loop3A_406 = arith.addi %parallel_loop3A_404, %parallel_loop3A_405 : i32
            %parallel_loop3A_407 = arith.constant 1 : i32
            %parallel_loop3A_408 = arith.addi %parallel_loop3A_406, %parallel_loop3A_407 : i32
            %parallel_loop3A_409 = vector.broadcast %parallel_loop3A_408 : i32 to vector<16xi32>
            %parallel_loop3A_410 = arith.addi %mul3A_55, %parallel_loop3A_409 : vector<16xi32>
            %parallel_loop3A_411 = arith.constant 0 : i32
            %parallel_loop3A_412 = tpu.memref_slice %arg9[%parallel_loop3A_355, %parallel_loop3A_411] : memref<16x4112xf32, #tpu.memory_space<vmem>> -> memref<1x4112xf32, #tpu.memory_space<vmem>>
            %parallel_loop3A_413 = tpu.memref_squeeze %parallel_loop3A_412 : memref<1x4112xf32, #tpu.memory_space<vmem>> -> memref<4112xf32, #tpu.memory_space<vmem>>
            %parallel_loop3A_414 = tpu.vector_load_idx %parallel_loop3A_413[%parallel_loop3A_410] : memref<4112xf32, #tpu.memory_space<vmem>>[vector<16xi32>], vector<16xf32>,
            %parallel_loop3A_415 = arith.constant 2056 : i32
            %parallel_loop3A_416 = vector.broadcast %parallel_loop3A_415 : i32 to vector<16xi32>
            %parallel_loop3A_417 = arith.addi %parallel_loop3A_410, %parallel_loop3A_416 : vector<16xi32>
            %parallel_loop3A_418 = arith.constant 0 : i32
            %parallel_loop3A_419 = tpu.memref_slice %arg9[%parallel_loop3A_355, %parallel_loop3A_418] : memref<16x4112xf32, #tpu.memory_space<vmem>> -> memref<1x4112xf32, #tpu.memory_space<vmem>>
            %parallel_loop3A_420 = tpu.memref_squeeze %parallel_loop3A_419 : memref<1x4112xf32, #tpu.memory_space<vmem>> -> memref<4112xf32, #tpu.memory_space<vmem>>
            %parallel_loop3A_421 = tpu.vector_load_idx %parallel_loop3A_420[%parallel_loop3A_417] : memref<4112xf32, #tpu.memory_space<vmem>>[vector<16xi32>], vector<16xf32>,
            %parallel_loop3A_422 = arith.mulf %parallel_loop3A_414, %get3A_232 : vector<16xf32>
            %parallel_loop3A_423 = arith.addf %parallel_loop3A_390, %parallel_loop3A_422 : vector<16xf32>
            %parallel_loop3A_424 = arith.mulf %parallel_loop3A_421, %get3A_264 : vector<16xf32>
            %parallel_loop3A_425 = arith.addf %parallel_loop3A_423, %parallel_loop3A_424 : vector<16xf32>
            %parallel_loop3A_426 = arith.mulf %parallel_loop3A_414, %get3A_236 : vector<16xf32>
            %parallel_loop3A_427 = arith.addf %parallel_loop3A_394, %parallel_loop3A_426 : vector<16xf32>
            %parallel_loop3A_428 = arith.mulf %parallel_loop3A_421, %get3A_268 : vector<16xf32>
            %parallel_loop3A_429 = arith.addf %parallel_loop3A_427, %parallel_loop3A_428 : vector<16xf32>
            %parallel_loop3A_430 = arith.mulf %parallel_loop3A_421, %get3A_232 : vector<16xf32>
            %parallel_loop3A_431 = arith.addf %parallel_loop3A_398, %parallel_loop3A_430 : vector<16xf32>
            %parallel_loop3A_432 = arith.mulf %parallel_loop3A_414, %get3A_264 : vector<16xf32>
            %parallel_loop3A_433 = arith.subf %parallel_loop3A_431, %parallel_loop3A_432 : vector<16xf32>
            %parallel_loop3A_434 = arith.mulf %parallel_loop3A_421, %get3A_236 : vector<16xf32>
            %parallel_loop3A_435 = arith.addf %parallel_loop3A_402, %parallel_loop3A_434 : vector<16xf32>
            %parallel_loop3A_436 = arith.mulf %parallel_loop3A_414, %get3A_268 : vector<16xf32>
            %parallel_loop3A_437 = arith.subf %parallel_loop3A_435, %parallel_loop3A_436 : vector<16xf32>
            %parallel_loop3A_438 = arith.constant 8 : i32
            %parallel_loop3A_439 = arith.muli %min3A_87, %parallel_loop3A_438 : i32
            %parallel_loop3A_440 = arith.constant 0 : i32
            %parallel_loop3A_441 = arith.addi %parallel_loop3A_439, %parallel_loop3A_440 : i32
            %parallel_loop3A_442 = arith.constant 2 : i32
            %parallel_loop3A_443 = arith.addi %parallel_loop3A_441, %parallel_loop3A_442 : i32
            %parallel_loop3A_444 = vector.broadcast %parallel_loop3A_443 : i32 to vector<16xi32>
            %parallel_loop3A_445 = arith.addi %mul3A_55, %parallel_loop3A_444 : vector<16xi32>
            %parallel_loop3A_446 = arith.constant 0 : i32
            %parallel_loop3A_447 = tpu.memref_slice %arg9[%parallel_loop3A_355, %parallel_loop3A_446] : memref<16x4112xf32, #tpu.memory_space<vmem>> -> memref<1x4112xf32, #tpu.memory_space<vmem>>
            %parallel_loop3A_448 = tpu.memref_squeeze %parallel_loop3A_447 : memref<1x4112xf32, #tpu.memory_space<vmem>> -> memref<4112xf32, #tpu.memory_space<vmem>>
            %parallel_loop3A_449 = tpu.vector_load_idx %parallel_loop3A_448[%parallel_loop3A_445] : memref<4112xf32, #tpu.memory_space<vmem>>[vector<16xi32>], vector<16xf32>,
            %parallel_loop3A_450 = arith.constant 2056 : i32
            %parallel_loop3A_451 = vector.broadcast %parallel_loop3A_450 : i32 to vector<16xi32>
            %parallel_loop3A_452 = arith.addi %parallel_loop3A_445, %parallel_loop3A_451 : vector<16xi32>
            %parallel_loop3A_453 = arith.constant 0 : i32
            %parallel_loop3A_454 = tpu.memref_slice %arg9[%parallel_loop3A_355, %parallel_loop3A_453] : memref<16x4112xf32, #tpu.memory_space<vmem>> -> memref<1x4112xf32, #tpu.memory_space<vmem>>
            %parallel_loop3A_455 = tpu.memref_squeeze %parallel_loop3A_454 : memref<1x4112xf32, #tpu.memory_space<vmem>> -> memref<4112xf32, #tpu.memory_space<vmem>>
            %parallel_loop3A_456 = tpu.vector_load_idx %parallel_loop3A_455[%parallel_loop3A_452] : memref<4112xf32, #tpu.memory_space<vmem>>[vector<16xi32>], vector<16xf32>,
            %parallel_loop3A_457 = arith.mulf %parallel_loop3A_449, %get3A_240 : vector<16xf32>
            %parallel_loop3A_458 = arith.addf %parallel_loop3A_425, %parallel_loop3A_457 : vector<16xf32>
            %parallel_loop3A_459 = arith.mulf %parallel_loop3A_456, %get3A_272 : vector<16xf32>
            %parallel_loop3A_460 = arith.addf %parallel_loop3A_458, %parallel_loop3A_459 : vector<16xf32>
            %parallel_loop3A_461 = arith.mulf %parallel_loop3A_449, %get3A_244 : vector<16xf32>
            %parallel_loop3A_462 = arith.addf %parallel_loop3A_429, %parallel_loop3A_461 : vector<16xf32>
            %parallel_loop3A_463 = arith.mulf %parallel_loop3A_456, %get3A_276 : vector<16xf32>
            %parallel_loop3A_464 = arith.addf %parallel_loop3A_462, %parallel_loop3A_463 : vector<16xf32>
            %parallel_loop3A_465 = arith.mulf %parallel_loop3A_456, %get3A_240 : vector<16xf32>
            %parallel_loop3A_466 = arith.addf %parallel_loop3A_433, %parallel_loop3A_465 : vector<16xf32>
            %parallel_loop3A_467 = arith.mulf %parallel_loop3A_449, %get3A_272 : vector<16xf32>
            %parallel_loop3A_468 = arith.subf %parallel_loop3A_466, %parallel_loop3A_467 : vector<16xf32>
            %parallel_loop3A_469 = arith.mulf %parallel_loop3A_456, %get3A_244 : vector<16xf32>
            %parallel_loop3A_470 = arith.addf %parallel_loop3A_437, %parallel_loop3A_469 : vector<16xf32>
            %parallel_loop3A_471 = arith.mulf %parallel_loop3A_449, %get3A_276 : vector<16xf32>
            %parallel_loop3A_472 = arith.subf %parallel_loop3A_470, %parallel_loop3A_471 : vector<16xf32>
            %parallel_loop3A_473 = arith.constant 8 : i32
            %parallel_loop3A_474 = arith.muli %min3A_87, %parallel_loop3A_473 : i32
            %parallel_loop3A_475 = arith.constant 0 : i32
            %parallel_loop3A_476 = arith.addi %parallel_loop3A_474, %parallel_loop3A_475 : i32
            %parallel_loop3A_477 = arith.constant 3 : i32
            %parallel_loop3A_478 = arith.addi %parallel_loop3A_476, %parallel_loop3A_477 : i32
            %parallel_loop3A_479 = vector.broadcast %parallel_loop3A_478 : i32 to vector<16xi32>
            %parallel_loop3A_480 = arith.addi %mul3A_55, %parallel_loop3A_479 : vector<16xi32>
            %parallel_loop3A_481 = arith.constant 0 : i32
            %parallel_loop3A_482 = tpu.memref_slice %arg9[%parallel_loop3A_355, %parallel_loop3A_481] : memref<16x4112xf32, #tpu.memory_space<vmem>> -> memref<1x4112xf32, #tpu.memory_space<vmem>>
            %parallel_loop3A_483 = tpu.memref_squeeze %parallel_loop3A_482 : memref<1x4112xf32, #tpu.memory_space<vmem>> -> memref<4112xf32, #tpu.memory_space<vmem>>
            %parallel_loop3A_484 = tpu.vector_load_idx %parallel_loop3A_483[%parallel_loop3A_480] : memref<4112xf32, #tpu.memory_space<vmem>>[vector<16xi32>], vector<16xf32>,
            %parallel_loop3A_485 = arith.constant 2056 : i32
            %parallel_loop3A_486 = vector.broadcast %parallel_loop3A_485 : i32 to vector<16xi32>
            %parallel_loop3A_487 = arith.addi %parallel_loop3A_480, %parallel_loop3A_486 : vector<16xi32>
            %parallel_loop3A_488 = arith.constant 0 : i32
            %parallel_loop3A_489 = tpu.memref_slice %arg9[%parallel_loop3A_355, %parallel_loop3A_488] : memref<16x4112xf32, #tpu.memory_space<vmem>> -> memref<1x4112xf32, #tpu.memory_space<vmem>>
            %parallel_loop3A_490 = tpu.memref_squeeze %parallel_loop3A_489 : memref<1x4112xf32, #tpu.memory_space<vmem>> -> memref<4112xf32, #tpu.memory_space<vmem>>
            %parallel_loop3A_491 = tpu.vector_load_idx %parallel_loop3A_490[%parallel_loop3A_487] : memref<4112xf32, #tpu.memory_space<vmem>>[vector<16xi32>], vector<16xf32>,
            %parallel_loop3A_492 = arith.mulf %parallel_loop3A_484, %get3A_248 : vector<16xf32>
            %parallel_loop3A_493 = arith.addf %parallel_loop3A_460, %parallel_loop3A_492 : vector<16xf32>
            %parallel_loop3A_494 = arith.mulf %parallel_loop3A_491, %get3A_280 : vector<16xf32>
            %parallel_loop3A_495 = arith.addf %parallel_loop3A_493, %parallel_loop3A_494 : vector<16xf32>
            %parallel_loop3A_496 = arith.mulf %parallel_loop3A_484, %get3A_252 : vector<16xf32>
            %parallel_loop3A_497 = arith.addf %parallel_loop3A_464, %parallel_loop3A_496 : vector<16xf32>
            %parallel_loop3A_498 = arith.mulf %parallel_loop3A_491, %get3A_284 : vector<16xf32>
            %parallel_loop3A_499 = arith.addf %parallel_loop3A_497, %parallel_loop3A_498 : vector<16xf32>
            %parallel_loop3A_500 = arith.mulf %parallel_loop3A_491, %get3A_248 : vector<16xf32>
            %parallel_loop3A_501 = arith.addf %parallel_loop3A_468, %parallel_loop3A_500 : vector<16xf32>
            %parallel_loop3A_502 = arith.mulf %parallel_loop3A_484, %get3A_280 : vector<16xf32>
            %parallel_loop3A_503 = arith.subf %parallel_loop3A_501, %parallel_loop3A_502 : vector<16xf32>
            %parallel_loop3A_504 = arith.mulf %parallel_loop3A_491, %get3A_252 : vector<16xf32>
            %parallel_loop3A_505 = arith.addf %parallel_loop3A_472, %parallel_loop3A_504 : vector<16xf32>
            %parallel_loop3A_506 = arith.mulf %parallel_loop3A_484, %get3A_284 : vector<16xf32>
            %parallel_loop3A_507 = arith.subf %parallel_loop3A_505, %parallel_loop3A_506 : vector<16xf32>
            %parallel_loop3A_508 = arith.constant 2 : i32
            %parallel_loop3A_509 = vector.broadcast %parallel_loop3A_508 : i32 to vector<16xi32>
            %parallel_loop3A_510 = arith.addi %parallel_loop3A_359, %parallel_loop3A_509 : vector<16xi32>
            %parallel_loop3A_511 = arith.constant 0 : i32
            %parallel_loop3A_512 = tpu.memref_slice %arg10[%parallel_loop3A_355, %parallel_loop3A_511] : memref<16x2056xf32, #tpu.memory_space<vmem>> -> memref<1x2056xf32, #tpu.memory_space<vmem>>
            %parallel_loop3A_513 = tpu.memref_squeeze %parallel_loop3A_512 : memref<1x2056xf32, #tpu.memory_space<vmem>> -> memref<2056xf32, #tpu.memory_space<vmem>>
            tpu.vector_store_idx %parallel_loop3A_513[%parallel_loop3A_510], %parallel_loop3A_495 : memref<2056xf32, #tpu.memory_space<vmem>>[vector<16xi32>], vector<16xf32>,
            %parallel_loop3A_514 = arith.constant 3 : i32
            %parallel_loop3A_515 = vector.broadcast %parallel_loop3A_514 : i32 to vector<16xi32>
            %parallel_loop3A_516 = arith.addi %parallel_loop3A_359, %parallel_loop3A_515 : vector<16xi32>
            %parallel_loop3A_517 = arith.constant 0 : i32
            %parallel_loop3A_518 = tpu.memref_slice %arg10[%parallel_loop3A_355, %parallel_loop3A_517] : memref<16x2056xf32, #tpu.memory_space<vmem>> -> memref<1x2056xf32, #tpu.memory_space<vmem>>
            %parallel_loop3A_519 = tpu.memref_squeeze %parallel_loop3A_518 : memref<1x2056xf32, #tpu.memory_space<vmem>> -> memref<2056xf32, #tpu.memory_space<vmem>>
            tpu.vector_store_idx %parallel_loop3A_519[%parallel_loop3A_516], %parallel_loop3A_499 : memref<2056xf32, #tpu.memory_space<vmem>>[vector<16xi32>], vector<16xf32>,
            %parallel_loop3A_520 = arith.constant 1030 : i32
            %parallel_loop3A_521 = vector.broadcast %parallel_loop3A_520 : i32 to vector<16xi32>
            %parallel_loop3A_522 = arith.addi %parallel_loop3A_359, %parallel_loop3A_521 : vector<16xi32>
            %parallel_loop3A_523 = arith.constant 0 : i32
            %parallel_loop3A_524 = tpu.memref_slice %arg10[%parallel_loop3A_355, %parallel_loop3A_523] : memref<16x2056xf32, #tpu.memory_space<vmem>> -> memref<1x2056xf32, #tpu.memory_space<vmem>>
            %parallel_loop3A_525 = tpu.memref_squeeze %parallel_loop3A_524 : memref<1x2056xf32, #tpu.memory_space<vmem>> -> memref<2056xf32, #tpu.memory_space<vmem>>
            tpu.vector_store_idx %parallel_loop3A_525[%parallel_loop3A_522], %parallel_loop3A_503 : memref<2056xf32, #tpu.memory_space<vmem>>[vector<16xi32>], vector<16xf32>,
            %parallel_loop3A_526 = arith.constant 1031 : i32
            %parallel_loop3A_527 = vector.broadcast %parallel_loop3A_526 : i32 to vector<16xi32>
            %parallel_loop3A_528 = arith.addi %parallel_loop3A_359, %parallel_loop3A_527 : vector<16xi32>
            %parallel_loop3A_529 = arith.constant 0 : i32
            %parallel_loop3A_530 = tpu.memref_slice %arg10[%parallel_loop3A_355, %parallel_loop3A_529] : memref<16x2056xf32, #tpu.memory_space<vmem>> -> memref<1x2056xf32, #tpu.memory_space<vmem>>
            %parallel_loop3A_531 = tpu.memref_squeeze %parallel_loop3A_530 : memref<1x2056xf32, #tpu.memory_space<vmem>> -> memref<2056xf32, #tpu.memory_space<vmem>>
            tpu.vector_store_idx %parallel_loop3A_531[%parallel_loop3A_528], %parallel_loop3A_507 : memref<2056xf32, #tpu.memory_space<vmem>>[vector<16xi32>], vector<16xf32>,
          } {sc.loop_unroll_factor = 1 : i64, sc.parallel_access}
          %add3A_288 = arith.constant 4626 : i32
          %add3A_289 = arith.addi %add3A_288, %min3A_87 : i32
          %get3A_290 = arith.index_cast %add3A_289 : i32 to index
          %get3A_291 = tpu.vector_load %arg8[%get3A_290] {strides = array<i32>} : memref<16448xf32, #tpu.memory_space<vmem>>, vector<16xf32>,
          %add3A_292 = arith.constant 4883 : i32
          %add3A_293 = arith.addi %add3A_292, %min3A_87 : i32
          %get3A_294 = arith.index_cast %add3A_293 : i32 to index
          %get3A_295 = tpu.vector_load %arg8[%get3A_294] {strides = array<i32>} : memref<16448xf32, #tpu.memory_space<vmem>>, vector<16xf32>,
          %add3A_296 = arith.constant 5654 : i32
          %add3A_297 = arith.addi %add3A_296, %min3A_87 : i32
          %get3A_298 = arith.index_cast %add3A_297 : i32 to index
          %get3A_299 = tpu.vector_load %arg8[%get3A_298] {strides = array<i32>} : memref<16448xf32, #tpu.memory_space<vmem>>, vector<16xf32>,
          %add3A_300 = arith.constant 5911 : i32
          %add3A_301 = arith.addi %add3A_300, %min3A_87 : i32
          %get3A_302 = arith.index_cast %add3A_301 : i32 to index
          %get3A_303 = tpu.vector_load %arg8[%get3A_302] {strides = array<i32>} : memref<16448xf32, #tpu.memory_space<vmem>>, vector<16xf32>,
          %add3A_304 = arith.constant 6682 : i32
          %add3A_305 = arith.addi %add3A_304, %min3A_87 : i32
          %get3A_306 = arith.index_cast %add3A_305 : i32 to index
          %get3A_307 = tpu.vector_load %arg8[%get3A_306] {strides = array<i32>} : memref<16448xf32, #tpu.memory_space<vmem>>, vector<16xf32>,
          %add3A_308 = arith.constant 6939 : i32
          %add3A_309 = arith.addi %add3A_308, %min3A_87 : i32
          %get3A_310 = arith.index_cast %add3A_309 : i32 to index
          %get3A_311 = tpu.vector_load %arg8[%get3A_310] {strides = array<i32>} : memref<16448xf32, #tpu.memory_space<vmem>>, vector<16xf32>,
          %add3A_312 = arith.constant 7710 : i32
          %add3A_313 = arith.addi %add3A_312, %min3A_87 : i32
          %get3A_314 = arith.index_cast %add3A_313 : i32 to index
          %get3A_315 = tpu.vector_load %arg8[%get3A_314] {strides = array<i32>} : memref<16448xf32, #tpu.memory_space<vmem>>, vector<16xf32>,
          %add3A_316 = arith.constant 7967 : i32
          %add3A_317 = arith.addi %add3A_316, %min3A_87 : i32
          %get3A_318 = arith.index_cast %add3A_317 : i32 to index
          %get3A_319 = tpu.vector_load %arg8[%get3A_318] {strides = array<i32>} : memref<16448xf32, #tpu.memory_space<vmem>>, vector<16xf32>,
          %add3A_320 = arith.constant 12850 : i32
          %add3A_321 = arith.addi %add3A_320, %min3A_87 : i32
          %get3A_322 = arith.index_cast %add3A_321 : i32 to index
          %get3A_323 = tpu.vector_load %arg8[%get3A_322] {strides = array<i32>} : memref<16448xf32, #tpu.memory_space<vmem>>, vector<16xf32>,
          %add3A_324 = arith.constant 13107 : i32
          %add3A_325 = arith.addi %add3A_324, %min3A_87 : i32
          %get3A_326 = arith.index_cast %add3A_325 : i32 to index
          %get3A_327 = tpu.vector_load %arg8[%get3A_326] {strides = array<i32>} : memref<16448xf32, #tpu.memory_space<vmem>>, vector<16xf32>,
          %add3A_328 = arith.constant 13878 : i32
          %add3A_329 = arith.addi %add3A_328, %min3A_87 : i32
          %get3A_330 = arith.index_cast %add3A_329 : i32 to index
          %get3A_331 = tpu.vector_load %arg8[%get3A_330] {strides = array<i32>} : memref<16448xf32, #tpu.memory_space<vmem>>, vector<16xf32>,
          %add3A_332 = arith.constant 14135 : i32
          %add3A_333 = arith.addi %add3A_332, %min3A_87 : i32
          %get3A_334 = arith.index_cast %add3A_333 : i32 to index
          %get3A_335 = tpu.vector_load %arg8[%get3A_334] {strides = array<i32>} : memref<16448xf32, #tpu.memory_space<vmem>>, vector<16xf32>,
          %add3A_336 = arith.constant 14906 : i32
          %add3A_337 = arith.addi %add3A_336, %min3A_87 : i32
          %get3A_338 = arith.index_cast %add3A_337 : i32 to index
          %get3A_339 = tpu.vector_load %arg8[%get3A_338] {strides = array<i32>} : memref<16448xf32, #tpu.memory_space<vmem>>, vector<16xf32>,
          %add3A_340 = arith.constant 15163 : i32
          %add3A_341 = arith.addi %add3A_340, %min3A_87 : i32
          %get3A_342 = arith.index_cast %add3A_341 : i32 to index
          %get3A_343 = tpu.vector_load %arg8[%get3A_342] {strides = array<i32>} : memref<16448xf32, #tpu.memory_space<vmem>>, vector<16xf32>,
          %add3A_344 = arith.constant 15934 : i32
          %add3A_345 = arith.addi %add3A_344, %min3A_87 : i32
          %get3A_346 = arith.index_cast %add3A_345 : i32 to index
          %get3A_347 = tpu.vector_load %arg8[%get3A_346] {strides = array<i32>} : memref<16448xf32, #tpu.memory_space<vmem>>, vector<16xf32>,
          %add3A_348 = arith.constant 16191 : i32
          %add3A_349 = arith.addi %add3A_348, %min3A_87 : i32
          %get3A_350 = arith.index_cast %add3A_349 : i32 to index
          %get3A_351 = tpu.vector_load %arg8[%get3A_350] {strides = array<i32>} : memref<16448xf32, #tpu.memory_space<vmem>>, vector<16xf32>,
          %parallel_loop3A_352 = arith.constant 0 : i32
          %parallel_loop3A_353 = arith.constant 16 : i32
          %parallel_loop3A_354 = arith.constant 1 : i32
          scf.for %parallel_loop3A_355 = %parallel_loop3A_352 to %parallel_loop3A_353 step %parallel_loop3A_354  : i32 {
            %parallel_loop3A_356 = arith.constant 4 : i32
            %parallel_loop3A_357 = arith.muli %min3A_87, %parallel_loop3A_356 : i32
            %parallel_loop3A_358 = vector.broadcast %parallel_loop3A_357 : i32 to vector<16xi32>
            %parallel_loop3A_359 = arith.addi %mul3A_58, %parallel_loop3A_358 : vector<16xi32>
            %parallel_loop3A_360 = arith.constant 2 : i32
            %parallel_loop3A_361 = vector.broadcast %parallel_loop3A_360 : i32 to vector<16xi32>
            %parallel_loop3A_362 = arith.addi %parallel_loop3A_359, %parallel_loop3A_361 : vector<16xi32>
            %parallel_loop3A_363 = arith.constant 0 : i32
            %parallel_loop3A_364 = tpu.memref_slice %arg10[%parallel_loop3A_355, %parallel_loop3A_363] : memref<16x2056xf32, #tpu.memory_space<vmem>> -> memref<1x2056xf32, #tpu.memory_space<vmem>>
            %parallel_loop3A_365 = tpu.memref_squeeze %parallel_loop3A_364 : memref<1x2056xf32, #tpu.memory_space<vmem>> -> memref<2056xf32, #tpu.memory_space<vmem>>
            %parallel_loop3A_366 = tpu.vector_load_idx %parallel_loop3A_365[%parallel_loop3A_362] : memref<2056xf32, #tpu.memory_space<vmem>>[vector<16xi32>], vector<16xf32>,
            %parallel_loop3A_367 = arith.constant 3 : i32
            %parallel_loop3A_368 = vector.broadcast %parallel_loop3A_367 : i32 to vector<16xi32>
            %parallel_loop3A_369 = arith.addi %parallel_loop3A_359, %parallel_loop3A_368 : vector<16xi32>
            %parallel_loop3A_370 = arith.constant 0 : i32
            %parallel_loop3A_371 = tpu.memref_slice %arg10[%parallel_loop3A_355, %parallel_loop3A_370] : memref<16x2056xf32, #tpu.memory_space<vmem>> -> memref<1x2056xf32, #tpu.memory_space<vmem>>
            %parallel_loop3A_372 = tpu.memref_squeeze %parallel_loop3A_371 : memref<1x2056xf32, #tpu.memory_space<vmem>> -> memref<2056xf32, #tpu.memory_space<vmem>>
            %parallel_loop3A_373 = tpu.vector_load_idx %parallel_loop3A_372[%parallel_loop3A_369] : memref<2056xf32, #tpu.memory_space<vmem>>[vector<16xi32>], vector<16xf32>,
            %parallel_loop3A_374 = arith.constant 1030 : i32
            %parallel_loop3A_375 = vector.broadcast %parallel_loop3A_374 : i32 to vector<16xi32>
            %parallel_loop3A_376 = arith.addi %parallel_loop3A_359, %parallel_loop3A_375 : vector<16xi32>
            %parallel_loop3A_377 = arith.constant 0 : i32
            %parallel_loop3A_378 = tpu.memref_slice %arg10[%parallel_loop3A_355, %parallel_loop3A_377] : memref<16x2056xf32, #tpu.memory_space<vmem>> -> memref<1x2056xf32, #tpu.memory_space<vmem>>
            %parallel_loop3A_379 = tpu.memref_squeeze %parallel_loop3A_378 : memref<1x2056xf32, #tpu.memory_space<vmem>> -> memref<2056xf32, #tpu.memory_space<vmem>>
            %parallel_loop3A_380 = tpu.vector_load_idx %parallel_loop3A_379[%parallel_loop3A_376] : memref<2056xf32, #tpu.memory_space<vmem>>[vector<16xi32>], vector<16xf32>,
            %parallel_loop3A_381 = arith.constant 1031 : i32
            %parallel_loop3A_382 = vector.broadcast %parallel_loop3A_381 : i32 to vector<16xi32>
            %parallel_loop3A_383 = arith.addi %parallel_loop3A_359, %parallel_loop3A_382 : vector<16xi32>
            %parallel_loop3A_384 = arith.constant 0 : i32
            %parallel_loop3A_385 = tpu.memref_slice %arg10[%parallel_loop3A_355, %parallel_loop3A_384] : memref<16x2056xf32, #tpu.memory_space<vmem>> -> memref<1x2056xf32, #tpu.memory_space<vmem>>
            %parallel_loop3A_386 = tpu.memref_squeeze %parallel_loop3A_385 : memref<1x2056xf32, #tpu.memory_space<vmem>> -> memref<2056xf32, #tpu.memory_space<vmem>>
            %parallel_loop3A_387 = tpu.vector_load_idx %parallel_loop3A_386[%parallel_loop3A_383] : memref<2056xf32, #tpu.memory_space<vmem>>[vector<16xi32>], vector<16xf32>,
            %parallel_loop3A_388 = arith.constant 8 : i32
            %parallel_loop3A_389 = arith.muli %min3A_87, %parallel_loop3A_388 : i32
            %parallel_loop3A_390 = arith.constant 4 : i32
            %parallel_loop3A_391 = arith.addi %parallel_loop3A_389, %parallel_loop3A_390 : i32
            %parallel_loop3A_392 = arith.constant 0 : i32
            %parallel_loop3A_393 = arith.addi %parallel_loop3A_391, %parallel_loop3A_392 : i32
            %parallel_loop3A_394 = vector.broadcast %parallel_loop3A_393 : i32 to vector<16xi32>
            %parallel_loop3A_395 = arith.addi %mul3A_55, %parallel_loop3A_394 : vector<16xi32>
            %parallel_loop3A_396 = arith.constant 0 : i32
            %parallel_loop3A_397 = tpu.memref_slice %arg9[%parallel_loop3A_355, %parallel_loop3A_396] : memref<16x4112xf32, #tpu.memory_space<vmem>> -> memref<1x4112xf32, #tpu.memory_space<vmem>>
            %parallel_loop3A_398 = tpu.memref_squeeze %parallel_loop3A_397 : memref<1x4112xf32, #tpu.memory_space<vmem>> -> memref<4112xf32, #tpu.memory_space<vmem>>
            %parallel_loop3A_399 = tpu.vector_load_idx %parallel_loop3A_398[%parallel_loop3A_395] : memref<4112xf32, #tpu.memory_space<vmem>>[vector<16xi32>], vector<16xf32>,
            %parallel_loop3A_400 = arith.constant 2056 : i32
            %parallel_loop3A_401 = vector.broadcast %parallel_loop3A_400 : i32 to vector<16xi32>
            %parallel_loop3A_402 = arith.addi %parallel_loop3A_395, %parallel_loop3A_401 : vector<16xi32>
            %parallel_loop3A_403 = arith.constant 0 : i32
            %parallel_loop3A_404 = tpu.memref_slice %arg9[%parallel_loop3A_355, %parallel_loop3A_403] : memref<16x4112xf32, #tpu.memory_space<vmem>> -> memref<1x4112xf32, #tpu.memory_space<vmem>>
            %parallel_loop3A_405 = tpu.memref_squeeze %parallel_loop3A_404 : memref<1x4112xf32, #tpu.memory_space<vmem>> -> memref<4112xf32, #tpu.memory_space<vmem>>
            %parallel_loop3A_406 = tpu.vector_load_idx %parallel_loop3A_405[%parallel_loop3A_402] : memref<4112xf32, #tpu.memory_space<vmem>>[vector<16xi32>], vector<16xf32>,
            %parallel_loop3A_407 = arith.mulf %parallel_loop3A_399, %get3A_291 : vector<16xf32>
            %parallel_loop3A_408 = arith.addf %parallel_loop3A_366, %parallel_loop3A_407 : vector<16xf32>
            %parallel_loop3A_409 = arith.mulf %parallel_loop3A_406, %get3A_323 : vector<16xf32>
            %parallel_loop3A_410 = arith.addf %parallel_loop3A_408, %parallel_loop3A_409 : vector<16xf32>
            %parallel_loop3A_411 = arith.mulf %parallel_loop3A_399, %get3A_295 : vector<16xf32>
            %parallel_loop3A_412 = arith.addf %parallel_loop3A_373, %parallel_loop3A_411 : vector<16xf32>
            %parallel_loop3A_413 = arith.mulf %parallel_loop3A_406, %get3A_327 : vector<16xf32>
            %parallel_loop3A_414 = arith.addf %parallel_loop3A_412, %parallel_loop3A_413 : vector<16xf32>
            %parallel_loop3A_415 = arith.mulf %parallel_loop3A_406, %get3A_291 : vector<16xf32>
            %parallel_loop3A_416 = arith.addf %parallel_loop3A_380, %parallel_loop3A_415 : vector<16xf32>
            %parallel_loop3A_417 = arith.mulf %parallel_loop3A_399, %get3A_323 : vector<16xf32>
            %parallel_loop3A_418 = arith.subf %parallel_loop3A_416, %parallel_loop3A_417 : vector<16xf32>
            %parallel_loop3A_419 = arith.mulf %parallel_loop3A_406, %get3A_295 : vector<16xf32>
            %parallel_loop3A_420 = arith.addf %parallel_loop3A_387, %parallel_loop3A_419 : vector<16xf32>
            %parallel_loop3A_421 = arith.mulf %parallel_loop3A_399, %get3A_327 : vector<16xf32>
            %parallel_loop3A_422 = arith.subf %parallel_loop3A_420, %parallel_loop3A_421 : vector<16xf32>
            %parallel_loop3A_423 = arith.constant 8 : i32
            %parallel_loop3A_424 = arith.muli %min3A_87, %parallel_loop3A_423 : i32
            %parallel_loop3A_425 = arith.constant 4 : i32
            %parallel_loop3A_426 = arith.addi %parallel_loop3A_424, %parallel_loop3A_425 : i32
            %parallel_loop3A_427 = arith.constant 1 : i32
            %parallel_loop3A_428 = arith.addi %parallel_loop3A_426, %parallel_loop3A_427 : i32
            %parallel_loop3A_429 = vector.broadcast %parallel_loop3A_428 : i32 to vector<16xi32>
            %parallel_loop3A_430 = arith.addi %mul3A_55, %parallel_loop3A_429 : vector<16xi32>
            %parallel_loop3A_431 = arith.constant 0 : i32
            %parallel_loop3A_432 = tpu.memref_slice %arg9[%parallel_loop3A_355, %parallel_loop3A_431] : memref<16x4112xf32, #tpu.memory_space<vmem>> -> memref<1x4112xf32, #tpu.memory_space<vmem>>
            %parallel_loop3A_433 = tpu.memref_squeeze %parallel_loop3A_432 : memref<1x4112xf32, #tpu.memory_space<vmem>> -> memref<4112xf32, #tpu.memory_space<vmem>>
            %parallel_loop3A_434 = tpu.vector_load_idx %parallel_loop3A_433[%parallel_loop3A_430] : memref<4112xf32, #tpu.memory_space<vmem>>[vector<16xi32>], vector<16xf32>,
            %parallel_loop3A_435 = arith.constant 2056 : i32
            %parallel_loop3A_436 = vector.broadcast %parallel_loop3A_435 : i32 to vector<16xi32>
            %parallel_loop3A_437 = arith.addi %parallel_loop3A_430, %parallel_loop3A_436 : vector<16xi32>
            %parallel_loop3A_438 = arith.constant 0 : i32
            %parallel_loop3A_439 = tpu.memref_slice %arg9[%parallel_loop3A_355, %parallel_loop3A_438] : memref<16x4112xf32, #tpu.memory_space<vmem>> -> memref<1x4112xf32, #tpu.memory_space<vmem>>
            %parallel_loop3A_440 = tpu.memref_squeeze %parallel_loop3A_439 : memref<1x4112xf32, #tpu.memory_space<vmem>> -> memref<4112xf32, #tpu.memory_space<vmem>>
            %parallel_loop3A_441 = tpu.vector_load_idx %parallel_loop3A_440[%parallel_loop3A_437] : memref<4112xf32, #tpu.memory_space<vmem>>[vector<16xi32>], vector<16xf32>,
            %parallel_loop3A_442 = arith.mulf %parallel_loop3A_434, %get3A_299 : vector<16xf32>
            %parallel_loop3A_443 = arith.addf %parallel_loop3A_410, %parallel_loop3A_442 : vector<16xf32>
            %parallel_loop3A_444 = arith.mulf %parallel_loop3A_441, %get3A_331 : vector<16xf32>
            %parallel_loop3A_445 = arith.addf %parallel_loop3A_443, %parallel_loop3A_444 : vector<16xf32>
            %parallel_loop3A_446 = arith.mulf %parallel_loop3A_434, %get3A_303 : vector<16xf32>
            %parallel_loop3A_447 = arith.addf %parallel_loop3A_414, %parallel_loop3A_446 : vector<16xf32>
            %parallel_loop3A_448 = arith.mulf %parallel_loop3A_441, %get3A_335 : vector<16xf32>
            %parallel_loop3A_449 = arith.addf %parallel_loop3A_447, %parallel_loop3A_448 : vector<16xf32>
            %parallel_loop3A_450 = arith.mulf %parallel_loop3A_441, %get3A_299 : vector<16xf32>
            %parallel_loop3A_451 = arith.addf %parallel_loop3A_418, %parallel_loop3A_450 : vector<16xf32>
            %parallel_loop3A_452 = arith.mulf %parallel_loop3A_434, %get3A_331 : vector<16xf32>
            %parallel_loop3A_453 = arith.subf %parallel_loop3A_451, %parallel_loop3A_452 : vector<16xf32>
            %parallel_loop3A_454 = arith.mulf %parallel_loop3A_441, %get3A_303 : vector<16xf32>
            %parallel_loop3A_455 = arith.addf %parallel_loop3A_422, %parallel_loop3A_454 : vector<16xf32>
            %parallel_loop3A_456 = arith.mulf %parallel_loop3A_434, %get3A_335 : vector<16xf32>
            %parallel_loop3A_457 = arith.subf %parallel_loop3A_455, %parallel_loop3A_456 : vector<16xf32>
            %parallel_loop3A_458 = arith.constant 8 : i32
            %parallel_loop3A_459 = arith.muli %min3A_87, %parallel_loop3A_458 : i32
            %parallel_loop3A_460 = arith.constant 4 : i32
            %parallel_loop3A_461 = arith.addi %parallel_loop3A_459, %parallel_loop3A_460 : i32
            %parallel_loop3A_462 = arith.constant 2 : i32
            %parallel_loop3A_463 = arith.addi %parallel_loop3A_461, %parallel_loop3A_462 : i32
            %parallel_loop3A_464 = vector.broadcast %parallel_loop3A_463 : i32 to vector<16xi32>
            %parallel_loop3A_465 = arith.addi %mul3A_55, %parallel_loop3A_464 : vector<16xi32>
            %parallel_loop3A_466 = arith.constant 0 : i32
            %parallel_loop3A_467 = tpu.memref_slice %arg9[%parallel_loop3A_355, %parallel_loop3A_466] : memref<16x4112xf32, #tpu.memory_space<vmem>> -> memref<1x4112xf32, #tpu.memory_space<vmem>>
            %parallel_loop3A_468 = tpu.memref_squeeze %parallel_loop3A_467 : memref<1x4112xf32, #tpu.memory_space<vmem>> -> memref<4112xf32, #tpu.memory_space<vmem>>
            %parallel_loop3A_469 = tpu.vector_load_idx %parallel_loop3A_468[%parallel_loop3A_465] : memref<4112xf32, #tpu.memory_space<vmem>>[vector<16xi32>], vector<16xf32>,
            %parallel_loop3A_470 = arith.constant 2056 : i32
            %parallel_loop3A_471 = vector.broadcast %parallel_loop3A_470 : i32 to vector<16xi32>
            %parallel_loop3A_472 = arith.addi %parallel_loop3A_465, %parallel_loop3A_471 : vector<16xi32>
            %parallel_loop3A_473 = arith.constant 0 : i32
            %parallel_loop3A_474 = tpu.memref_slice %arg9[%parallel_loop3A_355, %parallel_loop3A_473] : memref<16x4112xf32, #tpu.memory_space<vmem>> -> memref<1x4112xf32, #tpu.memory_space<vmem>>
            %parallel_loop3A_475 = tpu.memref_squeeze %parallel_loop3A_474 : memref<1x4112xf32, #tpu.memory_space<vmem>> -> memref<4112xf32, #tpu.memory_space<vmem>>
            %parallel_loop3A_476 = tpu.vector_load_idx %parallel_loop3A_475[%parallel_loop3A_472] : memref<4112xf32, #tpu.memory_space<vmem>>[vector<16xi32>], vector<16xf32>,
            %parallel_loop3A_477 = arith.mulf %parallel_loop3A_469, %get3A_307 : vector<16xf32>
            %parallel_loop3A_478 = arith.addf %parallel_loop3A_445, %parallel_loop3A_477 : vector<16xf32>
            %parallel_loop3A_479 = arith.mulf %parallel_loop3A_476, %get3A_339 : vector<16xf32>
            %parallel_loop3A_480 = arith.addf %parallel_loop3A_478, %parallel_loop3A_479 : vector<16xf32>
            %parallel_loop3A_481 = arith.mulf %parallel_loop3A_469, %get3A_311 : vector<16xf32>
            %parallel_loop3A_482 = arith.addf %parallel_loop3A_449, %parallel_loop3A_481 : vector<16xf32>
            %parallel_loop3A_483 = arith.mulf %parallel_loop3A_476, %get3A_343 : vector<16xf32>
            %parallel_loop3A_484 = arith.addf %parallel_loop3A_482, %parallel_loop3A_483 : vector<16xf32>
            %parallel_loop3A_485 = arith.mulf %parallel_loop3A_476, %get3A_307 : vector<16xf32>
            %parallel_loop3A_486 = arith.addf %parallel_loop3A_453, %parallel_loop3A_485 : vector<16xf32>
            %parallel_loop3A_487 = arith.mulf %parallel_loop3A_469, %get3A_339 : vector<16xf32>
            %parallel_loop3A_488 = arith.subf %parallel_loop3A_486, %parallel_loop3A_487 : vector<16xf32>
            %parallel_loop3A_489 = arith.mulf %parallel_loop3A_476, %get3A_311 : vector<16xf32>
            %parallel_loop3A_490 = arith.addf %parallel_loop3A_457, %parallel_loop3A_489 : vector<16xf32>
            %parallel_loop3A_491 = arith.mulf %parallel_loop3A_469, %get3A_343 : vector<16xf32>
            %parallel_loop3A_492 = arith.subf %parallel_loop3A_490, %parallel_loop3A_491 : vector<16xf32>
            %parallel_loop3A_493 = arith.constant 8 : i32
            %parallel_loop3A_494 = arith.muli %min3A_87, %parallel_loop3A_493 : i32
            %parallel_loop3A_495 = arith.constant 4 : i32
            %parallel_loop3A_496 = arith.addi %parallel_loop3A_494, %parallel_loop3A_495 : i32
            %parallel_loop3A_497 = arith.constant 3 : i32
            %parallel_loop3A_498 = arith.addi %parallel_loop3A_496, %parallel_loop3A_497 : i32
            %parallel_loop3A_499 = vector.broadcast %parallel_loop3A_498 : i32 to vector<16xi32>
            %parallel_loop3A_500 = arith.addi %mul3A_55, %parallel_loop3A_499 : vector<16xi32>
            %parallel_loop3A_501 = arith.constant 0 : i32
            %parallel_loop3A_502 = tpu.memref_slice %arg9[%parallel_loop3A_355, %parallel_loop3A_501] : memref<16x4112xf32, #tpu.memory_space<vmem>> -> memref<1x4112xf32, #tpu.memory_space<vmem>>
            %parallel_loop3A_503 = tpu.memref_squeeze %parallel_loop3A_502 : memref<1x4112xf32, #tpu.memory_space<vmem>> -> memref<4112xf32, #tpu.memory_space<vmem>>
            %parallel_loop3A_504 = tpu.vector_load_idx %parallel_loop3A_503[%parallel_loop3A_500] : memref<4112xf32, #tpu.memory_space<vmem>>[vector<16xi32>], vector<16xf32>,
            %parallel_loop3A_505 = arith.constant 2056 : i32
            %parallel_loop3A_506 = vector.broadcast %parallel_loop3A_505 : i32 to vector<16xi32>
            %parallel_loop3A_507 = arith.addi %parallel_loop3A_500, %parallel_loop3A_506 : vector<16xi32>
            %parallel_loop3A_508 = arith.constant 0 : i32
            %parallel_loop3A_509 = tpu.memref_slice %arg9[%parallel_loop3A_355, %parallel_loop3A_508] : memref<16x4112xf32, #tpu.memory_space<vmem>> -> memref<1x4112xf32, #tpu.memory_space<vmem>>
            %parallel_loop3A_510 = tpu.memref_squeeze %parallel_loop3A_509 : memref<1x4112xf32, #tpu.memory_space<vmem>> -> memref<4112xf32, #tpu.memory_space<vmem>>
            %parallel_loop3A_511 = tpu.vector_load_idx %parallel_loop3A_510[%parallel_loop3A_507] : memref<4112xf32, #tpu.memory_space<vmem>>[vector<16xi32>], vector<16xf32>,
            %parallel_loop3A_512 = arith.mulf %parallel_loop3A_504, %get3A_315 : vector<16xf32>
            %parallel_loop3A_513 = arith.addf %parallel_loop3A_480, %parallel_loop3A_512 : vector<16xf32>
            %parallel_loop3A_514 = arith.mulf %parallel_loop3A_511, %get3A_347 : vector<16xf32>
            %parallel_loop3A_515 = arith.addf %parallel_loop3A_513, %parallel_loop3A_514 : vector<16xf32>
            %parallel_loop3A_516 = arith.mulf %parallel_loop3A_504, %get3A_319 : vector<16xf32>
            %parallel_loop3A_517 = arith.addf %parallel_loop3A_484, %parallel_loop3A_516 : vector<16xf32>
            %parallel_loop3A_518 = arith.mulf %parallel_loop3A_511, %get3A_351 : vector<16xf32>
            %parallel_loop3A_519 = arith.addf %parallel_loop3A_517, %parallel_loop3A_518 : vector<16xf32>
            %parallel_loop3A_520 = arith.mulf %parallel_loop3A_511, %get3A_315 : vector<16xf32>
            %parallel_loop3A_521 = arith.addf %parallel_loop3A_488, %parallel_loop3A_520 : vector<16xf32>
            %parallel_loop3A_522 = arith.mulf %parallel_loop3A_504, %get3A_347 : vector<16xf32>
            %parallel_loop3A_523 = arith.subf %parallel_loop3A_521, %parallel_loop3A_522 : vector<16xf32>
            %parallel_loop3A_524 = arith.mulf %parallel_loop3A_511, %get3A_319 : vector<16xf32>
            %parallel_loop3A_525 = arith.addf %parallel_loop3A_492, %parallel_loop3A_524 : vector<16xf32>
            %parallel_loop3A_526 = arith.mulf %parallel_loop3A_504, %get3A_351 : vector<16xf32>
            %parallel_loop3A_527 = arith.subf %parallel_loop3A_525, %parallel_loop3A_526 : vector<16xf32>
            %parallel_loop3A_528 = arith.constant 2 : i32
            %parallel_loop3A_529 = vector.broadcast %parallel_loop3A_528 : i32 to vector<16xi32>
            %parallel_loop3A_530 = arith.addi %parallel_loop3A_359, %parallel_loop3A_529 : vector<16xi32>
            %parallel_loop3A_531 = arith.constant 0 : i32
            %parallel_loop3A_532 = tpu.memref_slice %arg10[%parallel_loop3A_355, %parallel_loop3A_531] : memref<16x2056xf32, #tpu.memory_space<vmem>> -> memref<1x2056xf32, #tpu.memory_space<vmem>>
            %parallel_loop3A_533 = tpu.memref_squeeze %parallel_loop3A_532 : memref<1x2056xf32, #tpu.memory_space<vmem>> -> memref<2056xf32, #tpu.memory_space<vmem>>
            tpu.vector_store_idx %parallel_loop3A_533[%parallel_loop3A_530], %parallel_loop3A_515 : memref<2056xf32, #tpu.memory_space<vmem>>[vector<16xi32>], vector<16xf32>,
            %parallel_loop3A_534 = arith.constant 3 : i32
            %parallel_loop3A_535 = vector.broadcast %parallel_loop3A_534 : i32 to vector<16xi32>
            %parallel_loop3A_536 = arith.addi %parallel_loop3A_359, %parallel_loop3A_535 : vector<16xi32>
            %parallel_loop3A_537 = arith.constant 0 : i32
            %parallel_loop3A_538 = tpu.memref_slice %arg10[%parallel_loop3A_355, %parallel_loop3A_537] : memref<16x2056xf32, #tpu.memory_space<vmem>> -> memref<1x2056xf32, #tpu.memory_space<vmem>>
            %parallel_loop3A_539 = tpu.memref_squeeze %parallel_loop3A_538 : memref<1x2056xf32, #tpu.memory_space<vmem>> -> memref<2056xf32, #tpu.memory_space<vmem>>
            tpu.vector_store_idx %parallel_loop3A_539[%parallel_loop3A_536], %parallel_loop3A_519 : memref<2056xf32, #tpu.memory_space<vmem>>[vector<16xi32>], vector<16xf32>,
            %parallel_loop3A_540 = arith.constant 1030 : i32
            %parallel_loop3A_541 = vector.broadcast %parallel_loop3A_540 : i32 to vector<16xi32>
            %parallel_loop3A_542 = arith.addi %parallel_loop3A_359, %parallel_loop3A_541 : vector<16xi32>
            %parallel_loop3A_543 = arith.constant 0 : i32
            %parallel_loop3A_544 = tpu.memref_slice %arg10[%parallel_loop3A_355, %parallel_loop3A_543] : memref<16x2056xf32, #tpu.memory_space<vmem>> -> memref<1x2056xf32, #tpu.memory_space<vmem>>
            %parallel_loop3A_545 = tpu.memref_squeeze %parallel_loop3A_544 : memref<1x2056xf32, #tpu.memory_space<vmem>> -> memref<2056xf32, #tpu.memory_space<vmem>>
            tpu.vector_store_idx %parallel_loop3A_545[%parallel_loop3A_542], %parallel_loop3A_523 : memref<2056xf32, #tpu.memory_space<vmem>>[vector<16xi32>], vector<16xf32>,
            %parallel_loop3A_546 = arith.constant 1031 : i32
            %parallel_loop3A_547 = vector.broadcast %parallel_loop3A_546 : i32 to vector<16xi32>
            %parallel_loop3A_548 = arith.addi %parallel_loop3A_359, %parallel_loop3A_547 : vector<16xi32>
            %parallel_loop3A_549 = arith.constant 0 : i32
            %parallel_loop3A_550 = tpu.memref_slice %arg10[%parallel_loop3A_355, %parallel_loop3A_549] : memref<16x2056xf32, #tpu.memory_space<vmem>> -> memref<1x2056xf32, #tpu.memory_space<vmem>>
            %parallel_loop3A_551 = tpu.memref_squeeze %parallel_loop3A_550 : memref<1x2056xf32, #tpu.memory_space<vmem>> -> memref<2056xf32, #tpu.memory_space<vmem>>
            tpu.vector_store_idx %parallel_loop3A_551[%parallel_loop3A_548], %parallel_loop3A_527 : memref<2056xf32, #tpu.memory_space<vmem>>[vector<16xi32>], vector<16xf32>,
          } {sc.loop_unroll_factor = 1 : i64, sc.parallel_access}
        }
        %scan3A_64 = arith.constant 17 : i32
        %dma_start3A_65 = arith.constant 0 : i32
        %dma_start3A_66 = arith.constant 0 : i32
        %dma_start3A_67 = tpu.memref_slice %arg5[%dma_start3A_65, %dma_start3A_66] : memref<8192x2056xf32, #tpu.memory_space<hbm>> -> memref<8192x2056xf32, #tpu.memory_space<hbm>>
        tpu.enqueue_indirect_dma source(%arg10 : memref<16x2056xf32, #tpu.memory_space<vmem>>) target(%dma_start3A_67 : memref<8192x2056xf32, #tpu.memory_space<hbm>>) offsets(%get3A_51 : vector<16xi32>) semaphore(%arg12 : memref<!tpu.dma_semaphore, #tpu.memory_space<semaphore_mem>>)
        %add3A_68 = arith.constant 1 : i32
        %add3A_69 = arith.addi %while3A_47, %add3A_68 : i32
        %min3A = arith.minsi %add3A_69, %sub3A_32 : i32
        %mul3A_70 = arith.constant 16 : i32
        %mul3A_71 = arith.muli %min3A, %mul3A_70 : i32
        %get3A_72 = arith.index_cast %mul3A_71 : i32 to index
        %get3A_73 = tpu.vector_load %arg7[%get3A_72] {strides = array<i32>} : memref<4128xi32, #tpu.memory_space<vmem>>, vector<16xi32>,
        %dma_start3A_74 = arith.constant 0 : i32
        %dma_start3A_75 = arith.constant 0 : i32
        %dma_start3A_76 = tpu.memref_slice %arg2[%dma_start3A_74, %dma_start3A_75] : memref<8192x4112xf32, #tpu.memory_space<hbm>> -> memref<8192x4112xf32, #tpu.memory_space<hbm>>
        tpu.enqueue_indirect_dma source(%dma_start3A_76 : memref<8192x4112xf32, #tpu.memory_space<hbm>>) target(%arg9 : memref<16x4112xf32, #tpu.memory_space<vmem>>) offsets(%get3A_73 : vector<16xi32>) semaphore(%arg11 : memref<!tpu.dma_semaphore, #tpu.memory_space<semaphore_mem>>)
        %dma_wait3A_77 = arith.constant 0 : i32
        %dma_wait3A_78 = arith.constant 0 : i32
        %dma_wait3A_79 = tpu.memref_slice %arg5[%dma_wait3A_77, %dma_wait3A_78] : memref<8192x2056xf32, #tpu.memory_space<hbm>> -> memref<8192x2056xf32, #tpu.memory_space<hbm>>
        tpu.wait_indirect_dma semaphore(%arg12 : memref<!tpu.dma_semaphore, #tpu.memory_space<semaphore_mem>>) src(%arg10 : memref<16x2056xf32, #tpu.memory_space<vmem>>) dst(%dma_wait3A_79 : memref<8192x2056xf32, #tpu.memory_space<hbm>>)
        %dma_wait3A_80 = arith.constant 0 : i32
        %dma_wait3A_81 = arith.constant 0 : i32
        %dma_wait3A_82 = tpu.memref_slice %arg2[%dma_wait3A_80, %dma_wait3A_81] : memref<8192x4112xf32, #tpu.memory_space<hbm>> -> memref<8192x4112xf32, #tpu.memory_space<hbm>>
        tpu.wait_indirect_dma semaphore(%arg11 : memref<!tpu.dma_semaphore, #tpu.memory_space<semaphore_mem>>) src(%dma_wait3A_82 : memref<8192x4112xf32, #tpu.memory_space<hbm>>) dst(%arg9 : memref<16x4112xf32, #tpu.memory_space<vmem>>)
      }
    } else {
    }
    return
  }
}

</mosaic_0001>

<sc_bundles>
// kernel: kernel.3.cloned.1.call-start
scs
__scs_entry_jumppad:
0x0: {  	(pc) =	sbr.rel $0x88, $3  }
0x1: {  	(tag) =	ssettag $0x0;
	lr =	simm.s32 $0x1  }
0x2: {  	[smem:$0x3F9E] =	sst lr;
	_ =	strace $0xD0000000  }
0x3: {  	_ = 	snop  }
0x4: {  	_ = 	snop  }
0x5: {  	_ = 	snop  }
0x6: {  	_ = 	snop  }
0x7: {  	_ = 	snop  }
__scs_overlays_trampoline_lowered:
0x8: {  	[smem:$0x3FAD] =	sst s0  }
0x9: {  	[smem:$0x3FAE] =	sst s1  }
0xa: {  	[smem:$0x3FAF] =	sst s2  }
0xb: {  	[smem:$0x3FB0] =	sst s3  }
0xc: {  	[smem:$0x3FB1] =	sst s4  }
0xd: {  	[smem:$0x3FB2] =	sst s5  }
0xe: {  	[smem:$0x3FB3] =	sst s6  }
0xf: {  	[smem:$0x3FB4] =	sst s7  }
0x10: {  	[smem:$0x3FB5] =	sst s8  }
0x11: {  	[smem:$0x3FB6] =	sst s9;
	s0 =	simm.s32 @!p0 $0x0  }
0x12: {  	s1 =	sld [smem:$0x3F9C];
	s0 =	simm.s32 @p0 $0x1  }
0x13: {  	[smem:$0x3FB7] =	sst s0;
	s0 =	simm.s32 @!p1 $0x0  }
0x14: {  	s2 =	sld [smem:$0x3F9B];
	s0 =	simm.s32 @p1 $0x1  }
0x15: {  	[smem:$0x3FB8] =	sst s0;
	s0 =	simm.s32 @!p2 $0x0  }
0x16: {  	s3 =	sld [smem:$0x3FDB];
	s0 =	simm.s32 @p2 $0x1  }
0x17: {  	s4 =	simm.s32 $0x1BF5;
	[smem:$0x3FBA] =	sst s0  }
0x18: {  	s0 =	sld [smem:$0x3F9D];
	_ =	swait.ge [sflag:s4], $0x0  }
0x19: {  	s7 =	sld [smem:$0x3F9E]  }
0x1a: {  	s8 =	sadd.s32 $0xFFFFE003, lr  }
0x1b: {  	s9 =	sadd.s32 $0xFFFFFEF7, lr;
	s5 =	simm.s32 $0xFFFFFFFF;
	p2 =	slt.u32 s8, $0xFFFFF086  }
0x1c: {  	p1 =	slt.u32 s9, $0xF7A;
	s5 =	simm.s32 @!p2 $0x0  }
0x1d: {  	s5 =	simm.s32 @p1 $0x1;
	p0 =	seq.s32 s7, s2  }
0x1e: {  	s7 =	smul.u32 @!p0 $0xF7A, s2;
	p2 =	seq.s32 @!p0 s5, $0x0  }
0x1f: {  	s9 =	smul.u32 $0xF7A, s1;
	s8 =	simm.s32 @!p0 $0x1BF5;
	p2 =	por !p2, p0  }
0x20: {  	[sflag:s8] =	ssyncset.s32 @!p0 $0xFFFFF086;
	s6 =	sadd.s32 @!p0 s3, s7;
	s7 =	simm.s32 @!p0 $0x108  }
0x21: {  	s3 =	sadd.s32 s3, s9;
	s6 =	sadd.s32 @!p0 $0x88, s6;
	s7 =	simm.s32 @p2 $0x1082  }
0x22: {  	[simem:s7], [sflag:s8] =	dma.local @!p0 [hbm:s6], $0xF7A  }
0x23: {  	s9 =	sor.u32 $0xD0000000, s2;
	s6 =	simm.s32 $0x108;
	_ =	swait.ge @!p0 [sflag:s8], $0x0  }
0x24: {  	s3 =	sadd.s32 $0x88, s3;
	s6 =	simm.s32 @!p1 $0x1082;
	[sflag:s4] =	ssyncset.s32 $0xFFFFF086  }
0x25: {  	[simem:s6], [sflag:s4] =	dma.local [hbm:s3], $0xF7A  }
0x26: {  	[smem:$0x3F9E] =	sst s1;
	(tag) =	ssettag s2;
	_ =	strace s9  }
0x27: {  	s1 =	sld [smem:$0x3FAE]  }
0x28: {  	s2 =	sld [smem:$0x3FAF]  }
0x29: {  	s4 =	sld [smem:$0x3FB1]  }
0x2a: {  	p0 =	seq.s32 s5, $0x0;
	s5 =	sld [smem:$0x3FB2]  }
0x2b: {  	s6 =	sld [smem:$0x3FB3]  }
0x2c: {  	s7 =	sld [smem:$0x3FB4]  }
0x2d: {  	s3 =	simm.s32 $0x108;
	s8 =	sld [smem:$0x3FB5]  }
0x2e: {  	s3 =	simm.s32 @!p0 $0x1082;
	s9 =	sld [smem:$0x3FB6]  }
0x2f: {  	lr =	sadd.s32 s0, s3;
	s0 =	sld [smem:$0x3FAD]  }
0x30: {  	s3 =	sld [smem:$0x3FB0]  }
0x31: {  	[smem:$0x3FB9] =	sst s10  }
0x32: {  	s10 =	sld [smem:$0x3FB7];
	_ =	sdelay $0x3  }
0x33: {  	p0 =	seq.s32 s10, $0x1;
	s10 =	sld [smem:$0x3FB9];
	_ =	sdelay $0x3  }
0x34: {  	[smem:$0x3FB9] =	sst s10  }
0x35: {  	s10 =	sld [smem:$0x3FB8];
	_ =	sdelay $0x3  }
0x36: {  	p1 =	seq.s32 s10, $0x1;
	s10 =	sld [smem:$0x3FB9];
	_ =	sdelay $0x3  }
0x37: {  	[smem:$0x3FB9] =	sst s10  }
0x38: {  	s10 =	sld [smem:$0x3FBA]  }
0x39: {  	_ = 	snop;
	(pc) =	sbr.ind lr, $3  }
0x3a: {  	_ = 	snop  }
0x3b: {  	_ = 	snop  }
0x3c: {  	p2 =	seq.s32 s10, $0x1;
	s10 =	sld [smem:$0x3FB9]  }
0x3d: {  	_ =	shalt  }
0x3e: {  	_ =	shalt  }
0x3f: {  	_ =	shalt  }
0x40: {  	_ =	shalt  }
0x41: {  	_ =	shalt  }
0x42: {  	_ =	shalt  }
0x43: {  	_ =	shalt  }
0x44: {  	_ =	shalt  }
0x45: {  	_ =	shalt  }
0x46: {  	_ =	shalt  }
0x47: {  	_ =	shalt  }
0x48: {  	_ =	shalt  }
0x49: {  	_ =	shalt  }
0x4a: {  	_ =	shalt  }
0x4b: {  	_ =	shalt  }
0x4c: {  	_ =	shalt  }
0x4d: {  	_ =	shalt  }
0x4e: {  	_ =	shalt  }
0x4f: {  	_ =	shalt  }
0x50: {  	_ =	shalt  }
0x51: {  	_ =	shalt  }
0x52: {  	_ =	shalt  }
0x53: {  	_ =	shalt  }
0x54: {  	_ =	shalt  }
0x55: {  	_ =	shalt  }
0x56: {  	_ =	shalt  }
0x57: {  	_ =	shalt  }
0x58: {  	_ =	shalt  }
0x59: {  	_ =	shalt  }
0x5a: {  	_ =	shalt  }
0x5b: {  	_ =	shalt  }
0x5c: {  	_ =	shalt  }
0x5d: {  	_ =	shalt  }
0x5e: {  	_ =	shalt  }
0x5f: {  	_ =	shalt  }
0x60: {  	_ =	shalt  }
0x61: {  	_ =	shalt  }
0x62: {  	_ =	shalt  }
0x63: {  	_ =	shalt  }
0x64: {  	_ =	shalt  }
0x65: {  	_ =	shalt  }
0x66: {  	_ =	shalt  }
0x67: {  	_ =	shalt  }
0x68: {  	_ =	shalt  }
0x69: {  	_ =	shalt  }
0x6a: {  	_ =	shalt  }
0x6b: {  	_ =	shalt  }
0x6c: {  	_ =	shalt  }
0x6d: {  	_ =	shalt  }
0x6e: {  	_ =	shalt  }
0x6f: {  	_ =	shalt  }
0x70: {  	_ =	shalt  }
0x71: {  	_ =	shalt  }
0x72: {  	_ =	shalt  }
0x73: {  	_ =	shalt  }
0x74: {  	_ =	shalt  }
0x75: {  	_ =	shalt  }
0x76: {  	_ =	shalt  }
0x77: {  	_ =	shalt  }
0x78: {  	_ =	shalt  }
0x79: {  	_ =	shalt  }
0x7a: {  	_ =	shalt  }
0x7b: {  	_ =	shalt  }
0x7c: {  	_ =	shalt  }
0x7d: {  	_ =	shalt  }
0x7e: {  	_ =	shalt  }
0x7f: {  	_ =	shalt  }
0x80: {  	_ =	shalt  }
0x81: {  	_ =	shalt  }
0x82: {  	_ =	shalt  }
0x83: {  	_ =	shalt  }
0x84: {  	_ =	shalt  }
0x85: {  	_ =	shalt  }
0x86: {  	_ =	shalt  }
0x87: {  	_ =	shalt  }
.Lfunc_end0:
.L_simem_size_0:
called_computation.2_lowered:
.L_overlay_start_0:
0x88: {  	s2 =	sld [smem:$0x3FD9]  }
0x89: {  	s3 =	sld [smem:$0x3FFE];
	_ =	sdelay $0x1  }
0x8a: {  	s1 =	srdreg.scid  }
0x8b: {  	s0 =	sand.u32 $0x1, s1  }
0x8c: {  	s17 =	sshll.u32 s0, $0xA;
	s2 =	sadd.s32 s3, s2  }
0x8d: {  	s2 =	sadd.s32 s2, s17  }
0x8e: {  	[smem:$0x3FC5] =	sst s2  }
0x8f: {  	_ = 	snop  }
0x90: {  	s2 =	sld [smem:$0x3FC8]  }
0x91: {  	s18 =	sld [smem:$0x3FD0];
	(tm) =	ssettm $0x1  }
0x92: {  	s4 =	sld [smem:$0x3FFB];
	_ =	sdelay $0x3  }
0x93: {  	_ =	strace s4  }
0x94: {  	s4 =	sld [smem:$0x3FFC];
	_ =	sdelay $0x3  }
0x95: {  	_ =	strace s4  }
0x96: {  	s4 =	sld [smem:$0x3FFD];
	_ =	sdelay $0x3  }
0x97: {  	_ =	strace s4  }
0x98: {  	_ =	strace $0x8FFFFFFF  }
0x99: {  	s19 =	sld [smem:$0x3FDB];
	_ =	sdelay $0x1  }
0x9a: {  	s5 =	simm.s32 $_scs_section_size  }
0x9b: {  	s6 =	simm.s32 $_size__tile_overlayer_lowered;
	s7 =	simm.s32 $_tile_overlayer_lowered  }
0x9c: {  	s22 =	simm.s32 $0x1BFF;
	s21 =	sshll.u32 s7, $0x1;
	s4 =	sadd.s32 s5, s19  }
0x9d: {  	s8 =	simm.s32 $0x0;
	s20 =	sshll.u32 s6, $0x1;
	s6 =	sadd.s32 s21, s4  }
0x9e: {  	[timem:s8], [sflag:s22] =	dma.local [hbm:s6], s20  }
0x9f: {  	_ =	swait.ge [sflag:s22], s20  }
0xa0: {  	s5 =	ssub.s32 $0x0, s20;
	[sflag:s22] =	ssyncset.done $0x0  }
0xa1: {  	[sflag:s22] =	ssyncadd.s32 s5;
	_ =	sdelay $0x1  }
0xa2: {  	s23 =	simm.s32 $0x1B8B  }
0xa3: {  	_ =	swait.ge [sflag:s23], $0x1  }
0xa4: {  	[sflag:s23] =	ssyncset.done $0x0  }
0xa5: {  	s25 =	simm.s32 $0x1B8E;
	s24 =	sld [smem:$0x3FFE];
	[sflag:s23] =	ssyncadd.s32 $0xFFFFFFFF  }
0xa6: {  	s26 =	simm.s32 $execute0_lowered;
	[smem:$0x3FD2] =	sst s25  }
0xa7: {  	s6 =	sshll.u32 s26, $0x1;
	_ =	strace $0x80000049;
	[dreg:$0x1] =	wrdreg $0xFFFFFFFF  }
0xa8: {  	s28 =	simm.s32 $_size_execute0_lowered;
	s4 =	sadd.s32 s4, s6;
	[dreg:$0x0] =	wrdreg $0x0  }
0xa9: {  	s6 =	sshll.u32 s28, $0x1;
	[dreg:$0x2] =	wrdreg s4  }
0xaa: {  	[dreg:$0x3] =	wrdreg s6  }
0xab: {  	[dreg:$0x4] =	wrdreg $0xC0  }
0xac: {  	_ =	task [dreg:s8], $0x5FFFF  }
0xad: {  	[dreg:$0x1] =	wrdreg $0xFFFFFFFF  }
0xae: {  	[dreg:$0x0] =	wrdreg $0x60  }
0xaf: {  	[dreg:$0x2] =	wrdreg s24  }
0xb0: {  	[dreg:$0x3] =	wrdreg s2  }
0xb1: {  	[dreg:$0x4] =	wrdreg s18  }
0xb2: {  	[dreg:$0x5] =	wrdreg $0x9  }
0xb3: {  	_ =	task.clear_ibuf [dreg:s8], $0x6FFFF;
	_ =	strace $0x90000049  }
0xb4: {  	s29 =	simm.s32 $0x9;
	_ =	strace $0x8000004B  }
0xb5: {  	_ =	swait.ge [sflag:s29], $0x1  }
0xb6: {  	[sflag:s29] =	ssyncadd.s32 $0xFFFFFFFF  }
0xb7: {  	_ =	strace $0x9000004B  }
0xb8: {  	_ =	sfence  }
0xb9: {  	s30 =	sld [smem:$0x0];
	_ =	sdelay $0x2  }
0xba: {  	s31 =	sshll.u32 s1, $0xD;
	s1 =	sshrl.u32 s1, $0x2  }
0xbb: {  	s3 =	sand.u32 $0x4000, s31;
	s1 =	sadd.s32 s1, s30  }
0xbc: {  	s0 =	sor.u32 s3, s0;
	s1 =	sshll.u32 s1, $0x11  }
0xbd: {  	s0 =	sor.u32 s1, s0  }
0xbe: {  	s0 =	sadd.s32 $0x8F2B, s0  }
0xbf: {  	[sflag:s0] =	ssyncadd.remote.s32 $0x1  }
0xc0: {  	_ =	sfence.sel $0xFFFF  }
0xc1: {  	[dreg:$0x0] =	wrdreg $0xFFFFFFFF;
	(pc) =	sbr.abs _section_cstart, $3  }
0xc2: {  	[dreg:$0x1] =	wrdreg $0xFFFFFFFF  }
0xc3: {  	_ =	task.clear_ibuf [dreg:s8], $0x2FFFF;
	_ =	strace $0x9FFFFFFF  }
0xc4: {  	(tm) =	ssettm $0x7FFFFFFF  }
0xc5: {  	_ =	shalt  }
tec
execute0_lowered:
.L_overlay_start_1:
0x0: {  	(tag) =	ssettag $0x1  }
0x1: {  	s5 =	rddreg [dreg:$0x0]  }
0x2: {  	s6 =	rddreg [dreg:$0x1]  }
0x3: {  	s2 =	rddreg [dreg:$0x2]  }
0x4: {  	s0 =	rddreg [dreg:$0x3];
	s3 =	simm.s32 $0x0;
	s1 =	stileid.u32;
	v1 =	vlaneseq.u32  }
0x5: {  	s4 =	srdreg.scid;
	s11 =	simm.s32 $0x1000;
	[smem:$0x7FF] =	sst s3;
	v0 =	vmul.u32 $0x4, v1;
	v3 =	vmov s1  }
0x6: {  	s12 =	simm.s32 $0x16160;
	s13 =	simm.s32 $0x6060;
	v2 =	vmul.u32 $0x8, v1;
	_ =	strace $0x8000004A;
	[tilespmem:$0x1FFE0] =	vst v3  }
0x7: {  	s14 =	simm.s32 $0x2;
	s15 =	simm.s32 $0x1;
	s8 =	smul.u32 $0x808, s1;
	[tilespmem:$0x1FFB0] =	vst v0  }
.Ltmp0:
0x8: {  	s16 =	simm.s32 $0x0;
	s7 =	sand.u32 $0x1, s4;
	v6 =	vor.u32 $0x1, v0;
	[tilespmem:$0x1FFD0] =	vst v2;
	(pc) =	sbr.rel .LBB2_1-.Ltmp0, $4  }
0x9: {  	s4 =	sadd.s32 $0x429000, s5;
	s9 =	ssub.s32 $0x2, s7;
	s31 =	sshll.u32 s7, $0x9;
	v5 =	vadd.s32 $0x808, v2;
	[tilespmem:$0x1FF90] =	vst v6  }
0xa: {  	s10 =	sshrl.u32 s9, $0x1;
	s8 =	sadd.s32 s8, s5;
	s5 =	sshll.u32 s7, $0xC;
	v6 =	vadd.s32 $0x404, v0;
	[tilespmem:$0x1FFF0] =	vst v5  }
0xb: {  	s6 =	sadd.s32 s6, s31;
	s9 =	ssub.s32 s9, s10;
	s7 =	sadd.s32 $0x420E00, s8;
	v0 =	vadd.s32 $0x405, v0;
	[tilespmem:$0x1FFA0] =	vst v6  }
0xc: {  	v4 =	vimm.s32 $0x0;
	s10 =	simm.s32 $0x2020;
	s8 =	smax.u32 s9, $0x1;
	s9 =	simm.s32 $0x3;
	[tilespmem:$0x1FFC0] =	vst v0  }
.LBB2_16:
0xd: {  	s16 =	sadd.s32 $0x1, s16  }
0xe: {  	p0 =	sne.s32 s16, s8  }
.Ltmp1:
0xf: {  	_ = 	snop;
	(pc) =	sbr.rel @!p0 .LBB2_17-.Ltmp1, $2  }
0x10: {  	_ =	sdelay $0x2  }
0x11: {  	v1 =	vlaneseq.u32;
	v3 =	vld [tilespmem:$0x1FFE0];
	v4 =	vimm.s32 $0x0  }
.LBB2_1:
0x12: {  	[tilespmem:s3], [sflag:$0x3] =	stream.linear.gather [hbm4b:s6+s3], $0x1000, $0x38;
	[tilespmem:$0x1E1E0] =	vst v63  }
0x13: {  	_ =	swait.ge [sflag:s9], $0x1000  }
0x14: {  	[sflag:s9] =	ssyncset.done $0x0  }
0x15: {  	[sflag:s9] =	ssyncadd.s32 $0xFFFFF000  }
0x16: {  	[tilespmem:s10], [sflag:$0x3] =	stream.linear.gather [hbm4b:s7+s3], $0x4040, $0x38;
	[tilespmem:$0x1E1E0] =	vst v63  }
0x17: {  	_ =	swait.ge [sflag:s9], $0x4040  }
0x18: {  	[sflag:s9] =	ssyncset.done $0x0  }
0x19: {  	s17 =	simm.s32 $0x0;
	[sflag:s9] =	ssyncadd.s32 $0xFFFFBFC0  }
0x1a: {  	v0 =	vld [tilespmem:s17+$0x0];
	_ =	sdelay $0x4  }
0x1b: {  	vm0 =	veq.s32 v0, v3  }
0x1c: {  	v0 =	vsel vm0, $0x1, v4  }
0x1d: {  	(xrf0) =	vadd.scan.msk.s32 $0xffff, v0;
	_ =	sdelay $0x4  }
0x1e: {  	v0 =	vsel vm0, $0xFFFFFFFF, v4  }
0x1f: {  	v0 =	vadd.s32 s3, v0;
	v6, _, _ =	vpop (xrf0)  }
0x20: {  	v0 =	vadd.s32 v6, v0;
	(v2sf) =	vpush v6, $0xF;
	_ =	sdelay $0x3  }
0x21: {  	v7 =	vor.u32 s5, v1;
	s20 =	simm.s32 $0x10  }
0x22: {  	s19 =	simm.s32 $0x80;
	s18 =	simm.s32 $0x0;
	s17 =	smov.u32 s5;
	[tilespmem:v0+s11+$0x0] =	vst.idx.msk vm0, v7  }
.LBB2_2:
0x23: {  	p0 =	sne.s32 s19, $0x3FC0;
	v0 =	vld [tilespmem:s20+$0x0];
	_ =	sdelay $0x4  }
0x24: {  	vm0 =	veq.s32 v0, v3  }
0x25: {  	v0 =	vsel vm0, $0xFFFFFFFF, v4;
	v6 =	vsel vm0, $0x1, v4  }
0x26: {  	(xrf0) =	vadd.scan.msk.s32 $0xffff, v6;
	_ =	sdelay $0x1  }
0x27: {  	s20 =	spop (v2sf)  }
0x28: {  	s18 =	sadd.s32 s18, s20  }
0x29: {  	v0 =	vadd.s32 s18, v0;
	_ =	sdelay $0x1  }
0x2a: {  	v6, _, _ =	vpop (xrf0)  }
0x2b: {  	v0 =	vadd.s32 v6, v0;
	(v2sf) =	vpush v6, $0xF  }
.Ltmp2:
0x2c: {  	(pc) =	sbr.rel @p0 .LBB2_2-.Ltmp2, $4  }
0x2d: {  	_ = 	snop  }
0x2e: {  	s17 =	sadd.s32 $0x10, s17  }
0x2f: {  	v6 =	vor.u32 s17, v1  }
0x30: {  	s20 =	sshra.s32 s19, $0x2;
	s19 =	sadd.s32 $0x40, s19;
	[tilespmem:v0+s11+$0x0] =	vst.idx.msk vm0, v6  }
0x31: {  	v0 =	vld [tilespmem:s20+$0x0];
	_ =	sdelay $0x4  }
0x32: {  	vm0 =	veq.s32 v0, v3  }
0x33: {  	v0 =	vsel vm0, $0x1, v4  }
0x34: {  	(xrf0) =	vadd.scan.msk.s32 $0xffff, v0;
	_ =	sdelay $0x5  }
0x35: {  	v0, _, _ =	vpop (xrf0)  }
0x36: {  	(v2sf) =	vpush v0, $0xF;
	_ =	sdelay $0xd  }
0x37: {  	s19 =	spop (v2sf)  }
0x38: {  	s18 =	sadd.s32 s18, s19;
	s31 =	spop (v2sf)  }
0x39: {  	v6 =	vsel vm0, $0xFFFFFFFF, v4;
	s19 =	sadd.s32 s18, s31  }
0x3a: {  	v6 =	vadd.s32 s18, v6;
	p0 =	slt.s32 s19, $0x1  }
0x3b: {  	v0 =	vadd.s32 v0, v6;
	s18 =	sadd.s32 @!p0 $0xFFFFFFFF, s19  }
0x3c: {  	v6 =	vmov @!p0 s18;
	_ =	sdelay $0x1  }
0x3d: {  	s17 =	sadd.s32 $0x10, s17  }
0x3e: {  	v7 =	vor.u32 s17, v1  }
0x3f: {  	[tilespmem:v0+s11+$0x0] =	vst.idx.msk vm0, v7;
	s17 =	simm.s32 @!p0 $0x1000  }
0x40: {  	v0 =	vld.idx.msk @!p0 [tilespmem:v6+s17+$0x0], $0xffff;
	_ =	sdelay $0x2  }
0x41: {  	s17 =	sadd.s32 @!p0 $0xF, s19  }
0x42: {  	s18 =	sand.u32 @!p0 $0xF, s17  }
0x43: {  	p1 =	slt.s32 @!p0 s17, $0x0;
	p2 =	sne.s32 @!p0 s18, $0x0;
	[tilespmem:s19+$0x1000] =	vst @!p0 v0  }
0x44: {  	s18 =	sshra.s32 @!p0 s17, $0x1F;
	p1 =	por @!p0 !p1, !p2;
	v0 =	vld @!p0 [tilespmem:$0x1000]  }
0x45: {  	s18 =	sshrl.u32 @!p0 s18, $0x1C;
	p1 =	por @!p0 !p1, !p1  }
0x46: {  	s17 =	sadd.s32 @!p0 s18, s17;
	s18 =	simm.s32 @!p0 $0x1;
	p1 =	por !p1, p0  }
0x47: {  	s17 =	sshra.s32 @!p0 s17, $0x4;
	s18 =	simm.s32 @p1 $0x0  }
0x48: {  	s17 =	ssub.s32 @!p0 s17, s18  }
0x49: {  	p1 =	slt.s32 @!p0 s17, $0x1  }
0x4a: {  	s20 =	simm.s32 @!p0 $0x6060;
	p1 =	por p0, p1  }
.Ltmp3:
0x4b: {  	vm0 =	vmmov @!p0 $0xffff;
	s19 =	simm.s32 @!p0 $0x1;
	s18 =	simm.s32 @!p0 $0x0;
	(pc) =	sbr.rel @p1 .LBB2_16-.Ltmp3, $4  }
0x4c: {  	[tilespmem:s20], [sflag:$0x1] =	stream.indirect_vreg.gather @!p0 [hbm4b:s4+s18], $0x1010, v0, vm0, $0xb8;
	[tilespmem:$0x1E1E0] =	vst v63  }
0x4d: {  	_ =	swait.ge @!p0 [sflag:s19], $0x10100  }
0x4e: {  	[sflag:s19] =	ssyncset.done @!p0 $0x0  }
0x4f: {  	[sflag:s19] =	ssyncadd.s32 @!p0 $0xFFFEFF00  }
0x50: {  	s19 =	sadd.s32 @!p0 $0xFFFFFFFF, s17  }
.LBB2_5:
0x51: {  	s20 =	sshll.u32 s18, $0x6  }
0x52: {  	s20 =	sshra.s32 s20, $0x2  }
0x53: {  	v0 =	vld [tilespmem:s20+$0x1000];
	_ =	sdelay $0x4  }
0x54: {  	s20 =	simm.s32 $0x0;
	[tilespmem:$0x1FF80] =	vst v0  }
.LBB2_6:
0x55: {  	s21 =	sshll.u32 s20, $0x4  }
0x56: {  	v1 =	vld [tilespmem:$0x1FFB0];
	s21 =	smin.u32 s21, $0xF1  }
0x57: {  	v12 =	vld [tilespmem:s21+$0x2020]  }
0x58: {  	v14 =	vld [tilespmem:s21+$0x2121]  }
0x59: {  	v16 =	vld [tilespmem:s21+$0x2424]  }
0x5a: {  	v18 =	vld [tilespmem:s21+$0x2525]  }
0x5b: {  	s22 =	sshll.u32 s21, $0x3;
	v25 =	vld [tilespmem:s21+$0x4141]  }
0x5c: {  	v31 =	vld [tilespmem:s21+$0x4444];
	v3 =	vadd.s32 s22, v2  }
0x5d: {  	s23 =	sand.u32 $0xF0, s21;
	s24 =	sand.u32 $0x1, s21;
	v32 =	vld [tilespmem:s21+$0x4545];
	v4 =	vadd.s32 s22, v5  }
0x5e: {  	v21 =	vld [tilespmem:s21+$0x4D4D];
	s25 =	sor.u32 s24, s23  }
0x5f: {  	s26 =	sor.u32 $0x1, s22;
	v23 =	vld [tilespmem:s25+$0x2828]  }
0x60: {  	s28 =	simm.s32 $0x6060;
	s29 =	sor.u32 $0x3, s22;
	v24 =	vld [tilespmem:s25+$0x4040];
	v8 =	vadd.s32 s26, v2  }
0x61: {  	v10 =	vadd.s32 s29, v2;
	v0 =	vld.idx.msk [tilespmem:v3+s28+$0x0], $0xffff  }
0x62: {  	s31 =	sor.u32 $0x2, s22;
	v11 =	vadd.s32 s26, v5;
	v6 =	vld.idx.msk [tilespmem:v4+s28+$0x0], $0xffff  }
0x63: {  	s30 =	sshll.u32 s21, $0x2;
	v33 =	vld [tilespmem:s25+$0x4848];
	v13 =	vadd.s32 s31, v2  }
0x64: {  	v15 =	vadd.s32 s31, v5;
	v27 =	vadd.s32 s30, v1;
	v1 =	vld [tilespmem:$0x1FF90]  }
0x65: {  	v7 =	vld.idx.msk [tilespmem:v8+s28+$0x0], $0xffff  }
0x66: {  	v39 =	vld.idx.msk [tilespmem:v10+s28+$0x0], $0xffff;
	v9 =	vmul.f32 v0, v12  }
0x67: {  	v40 =	vld.idx.msk [tilespmem:v11+s28+$0x0], $0xffff;
	v30 =	vmul.f32 v6, v12;
	v34 =	vmul.f32 v0, v14  }
0x68: {  	v42 =	vld.idx.msk [tilespmem:v13+s28+$0x0], $0xffff;
	v35 =	vmul.f32 v6, v24;
	v37 =	vmul.f32 v0, v24  }
0x69: {  	v22 =	vadd.s32 s29, v5;
	v43 =	vld.idx.msk [tilespmem:v15+s28+$0x0], $0xffff;
	v38 =	vmul.f32 v6, v25;
	v6 =	vmul.f32 v6, v14  }
0x6a: {  	v28 =	vadd.s32 s30, v1;
	v1 =	vld [tilespmem:$0x1FFA0];
	v0 =	vmul.f32 v0, v25;
	v44 =	vmul.f32 v7, v16  }
0x6b: {  	v57 =	vmul.f32 v7, v18;
	v50 =	vmul.f32 v39, v21  }
0x6c: {  	v58 =	vmul.f32 v40, v31;
	v59 =	vmul.f32 v40, v32  }
0x6d: {  	v46 =	vmul.f32 v7, v31;
	v51 =	vmul.f32 v42, v33  }
0x6e: {  	v20 =	vmov s30;
	v48 =	vld.idx.msk [tilespmem:v22+s28+$0x0], $0xffff;
	v60 =	vmul.f32 v40, v16;
	v47 =	vmul.f32 v43, v23  }
0x6f: {  	v29 =	vadd.s32 s30, v1;
	v9 =	vadd.f32 $0.0e+00, v9;
	v1 =	vld [tilespmem:$0x1FFC0];
	v41 =	vadd.f32 $0.0e+00, v34  }
0x70: {  	v49 =	vmul.f32 v42, v23;
	v36 =	vadd.f32 $0.0e+00, v30;
	v34 =	vld [tilespmem:s21+$0x2929];
	v6 =	vadd.f32 $0.0e+00, v6  }
0x71: {  	v53 =	vmul.f32 v43, v33;
	v9 =	vadd.f32 v35, v9;
	v38 =	vadd.f32 v38, v41  }
0x72: {  	v45 =	vsub.f32 v36, v37;
	v35 =	vld [tilespmem:s21+$0x4949];
	v0 =	vsub.f32 v6, v0;
	v6 =	vmul.f32 v40, v18  }
0x73: {  	v55 =	vmul.f32 v48, v21;
	v36 =	vld [tilespmem:s21+$0x2C2C];
	v9 =	vadd.f32 v44, v9;
	v37 =	vadd.f32 v57, v38  }
0x74: {  	v38 =	vld [tilespmem:s21+$0x2D2D];
	v54 =	vadd.f32 v60, v45;
	v0 =	vadd.f32 v6, v0;
	v6 =	vmul.f32 v7, v32  }
0x75: {  	s31 =	simm.s32 $0x7070;
	v30 =	vadd.s32 s30, v1;
	v52 =	vmul.f32 v42, v34;
	v44 =	vadd.f32 v59, v37;
	v37 =	vld [tilespmem:s21+$0x4C4C]  }
0x76: {  	v9 =	vadd.f32 v58, v9;
	v58 =	vld.idx.msk [tilespmem:v3+s31+$0x0], $0xffff;
	v0 =	vsub.f32 v0, v6;
	v6 =	vmul.f32 v43, v34  }
0x77: {  	v54 =	vsub.f32 v54, v46;
	v46 =	vld.idx.msk [tilespmem:v15+s31+$0x0], $0xffff;
	v61 =	vmul.f32 v43, v35;
	v44 =	vadd.f32 v52, v44  }
0x78: {  	v62 =	vmul.f32 v39, v36;
	v59 =	vmul.f32 v48, v36;
	v9 =	vadd.f32 v49, v9  }
0x79: {  	v0 =	vadd.f32 v6, v0;
	v63 =	vmul.f32 v39, v38;
	v41 =	vadd.f32 v61, v44  }
0x7a: {  	v52 =	vmul.f32 v48, v38;
	v9 =	vadd.f32 v53, v9;
	v53 =	vld.idx.msk [tilespmem:v4+s31+$0x0], $0xffff;
	v44 =	vmul.f32 v42, v35  }
0x7b: {  	v43 =	vld.idx.msk [tilespmem:v10+s31+$0x0], $0xffff;
	v39 =	vmul.f32 v39, v37;
	v57 =	vmul.f32 v58, v12;
	v41 =	vadd.f32 v63, v41  }
0x7c: {  	v54 =	vadd.f32 v47, v54;
	v42 =	vld.idx.msk [tilespmem:v13+s31+$0x0], $0xffff;
	v61 =	vmul.f32 v58, v14;
	v56 =	vmul.f32 v46, v35  }
0x7d: {  	v7 =	vadd.f32 v62, v9;
	v9 =	vmul.f32 v48, v37;
	v60 =	vadd.f32 v55, v41;
	v41 =	vld.idx.msk [tilespmem:v8+s31+$0x0], $0xffff  }
0x7e: {  	v45 =	vld.idx.msk [tilespmem:v11+s31+$0x0], $0xffff;
	v63 =	vmul.f32 v58, v24;
	v0 =	vsub.f32 v0, v44;
	v40 =	vadd.f32 $0.0e+00, v57  }
0x7f: {  	v48 =	vadd.f32 $0.0e+00, v61;
	v7 =	vadd.f32 v9, v7;
	v62 =	vmul.f32 v53, v12  }
0x80: {  	s25 =	simm.s32 $0x0;
	v0 =	vadd.f32 v52, v0;
	v9 =	vmul.f32 v53, v25;
	v55 =	vmul.f32 v53, v24  }
0x81: {  	v44 =	vmul.f32 v42, v33;
	v52 =	vmul.f32 v42, v23;
	[tilespmem:v27+s25+$0x16160] =	vst.idx.msk $0xffff, v7;
	v6 =	vadd.f32 $0.0e+00, v62  }
0x82: {  	v57 =	vadd.f32 v55, v40;
	v40 =	vmul.f32 v43, v21;
	v61 =	vmul.f32 v41, v16  }
0x83: {  	v9 =	vadd.f32 v9, v48;
	v62 =	vmul.f32 v45, v31;
	v7 =	vmul.f32 v41, v18  }
0x84: {  	v48 =	vmul.f32 v46, v23;
	v55 =	vmul.f32 v46, v33;
	v47 =	vadd.f32 v61, v57  }
0x85: {  	v6 =	vsub.f32 v6, v63;
	v63 =	vmul.f32 v45, v32;
	v7 =	vadd.f32 v7, v9  }
0x86: {  	v49 =	vmul.f32 v41, v31;
	v9 =	vmul.f32 v45, v16;
	v57 =	vadd.f32 v62, v47;
	v47 =	vld.idx.msk [tilespmem:v22+s31+$0x0], $0xffff  }
0x87: {  	v61 =	vmul.f32 v42, v34;
	v7 =	vadd.f32 v63, v7;
	v62 =	vsub.f32 v54, v51  }
0x88: {  	v51 =	vadd.f32 v9, v6;
	v63 =	vmul.f32 v53, v14;
	v6 =	vadd.f32 v52, v57  }
0x89: {  	v53 =	vsub.f32 v0, v50;
	v52 =	vmul.f32 v43, v36;
	v57 =	vadd.f32 v61, v7  }
0x8a: {  	v9 =	vadd.f32 v59, v62;
	v54 =	vadd.f32 v55, v6;
	v55 =	vmul.f32 v43, v38  }
0x8b: {  	s26 =	simm.s32 $0x2020;
	s29 =	simm.s32 $0x8080;
	s28 =	simm.s32 $0x4040;
	[tilespmem:v28+s25+$0x16160] =	vst.idx.msk $0xffff, v60;
	v0 =	vadd.f32 $0.0e+00, v63;
	v6 =	vmul.f32 v58, v25;
	v50 =	vmul.f32 v47, v38  }
.LBB2_7:
0x8c: {  	v7 =	vld.idx.msk [tilespmem:v3+s29+$0x0], $0xffff;
	p0 =	sne.s32 s28, $0x1E1E0;
	v56 =	vadd.f32 v56, v57;
	v9 =	vsub.f32 v9, v39;
	v39 =	vmul.f32 v43, v37;
	s30 =	smov.u32 s28;
	s28 =	sadd.s32 $0x2020, s28  }
0x8d: {  	v43 =	vmul.f32 v47, v21;
	v57 =	vld.idx.msk [tilespmem:v4+s29+$0x0], $0xffff;
	v0 =	vsub.f32 v0, v6;
	v6 =	vmul.f32 v45, v18  }
0x8e: {  	v59 =	vmul.f32 v47, v36;
	v58 =	vld.idx.msk [tilespmem:v22+s29+$0x0], $0xffff;
	v45 =	vadd.f32 v55, v56;
	[tilespmem:v29+s25+$0x16160] =	vst.idx.msk $0xffff, v9  }
0x8f: {  	v0 =	vadd.f32 v6, v0;
	v6 =	vmul.f32 v41, v32;
	[tilespmem:v30+s25+$0x16160] =	vst.idx.msk $0xffff, v53  }
0x90: {  	v47 =	vmul.f32 v47, v37;
	v9 =	vadd.f32 v52, v54;
	v41 =	vld.idx.msk [tilespmem:v8+s29+$0x0], $0xffff;
	v60 =	vadd.f32 v43, v45  }
0x91: {  	v52 =	vmul.f32 v42, v35;
	v43 =	vld.idx.msk [tilespmem:v10+s29+$0x0], $0xffff;
	v0 =	vsub.f32 v0, v6;
	v6 =	vmul.f32 v46, v34  }
0x92: {  	v9 =	vadd.f32 v47, v9;
	v42 =	vmul.f32 v7, v12;
	v53 =	vmul.f32 v7, v14;
	v45 =	vld.idx.msk [tilespmem:v11+s29+$0x0], $0xffff  }
0x93: {  	v49 =	vsub.f32 v51, v49;
	v54 =	vmul.f32 v57, v25;
	v46 =	vmul.f32 v57, v12  }
0x94: {  	v55 =	vmul.f32 v57, v24;
	v51 =	vadd.f32 $0.0e+00, v42;
	v0 =	vadd.f32 v6, v0;
	v47 =	vmovc v58;
	v42 =	vld.idx.msk [tilespmem:v13+s29+$0x0], $0xffff  }
0x95: {  	s25 =	sshra.s32 s26, $0x2;
	s26 =	smov.u32 s30;
	v56 =	vmul.f32 v7, v24;
	v58 =	vadd.f32 v48, v49;
	v6 =	vadd.f32 $0.0e+00, v46;
	v46 =	vld.idx.msk [tilespmem:v15+s29+$0x0], $0xffff  }
0x96: {  	v49 =	vadd.f32 $0.0e+00, v53;
	v48 =	vadd.f32 v55, v51;
	v51 =	vmul.f32 v41, v16;
	[tilespmem:v27+s25+$0x16160] =	vst.idx.msk $0xffff, v9  }
0x97: {  	v6 =	vsub.f32 v6, v56;
	v9 =	vmul.f32 v41, v18;
	v55 =	vmul.f32 v43, v21  }
0x98: {  	v53 =	vadd.f32 v54, v49;
	v48 =	vadd.f32 v51, v48;
	v51 =	vmul.f32 v45, v31  }
0x99: {  	v49 =	vmul.f32 v41, v31;
	v0 =	vsub.f32 v0, v52;
	v54 =	vmul.f32 v45, v32  }
0x9a: {  	v9 =	vadd.f32 v9, v53;
	v52 =	vadd.f32 v51, v48;
	v51 =	vmul.f32 v42, v33  }
0x9b: {  	v0 =	vadd.f32 v50, v0;
	v53 =	vmul.f32 v45, v16;
	v48 =	vmul.f32 v46, v23  }
0x9c: {  	v50 =	vmul.f32 v42, v23;
	v9 =	vadd.f32 v54, v9;
	v54 =	vmul.f32 v46, v33  }
.Ltmp4:
0x9d: {  	v58 =	vsub.f32 v58, v44;
	v61 =	vmul.f32 v42, v34;
	v56 =	vmul.f32 v46, v35;
	v44 =	vmovc v51;
	(pc) =	sbr.rel @p0 .LBB2_7-.Ltmp4, $4  }
0x9e: {  	v51 =	vadd.f32 v53, v6;
	v6 =	vadd.f32 v50, v52;
	v52 =	vmul.f32 v43, v36  }
0x9f: {  	v50 =	vmul.f32 v57, v14;
	v53 =	vsub.f32 v0, v40;
	v40 =	vmovc v55;
	v57 =	vadd.f32 v61, v9  }
0xa0: {  	v55 =	vmul.f32 v43, v38;
	v9 =	vadd.f32 v59, v58;
	v54 =	vadd.f32 v54, v6  }
0xa1: {  	s29 =	sadd.s32 $0x1010, s29;
	v0 =	vadd.f32 $0.0e+00, v50;
	v6 =	vmul.f32 v7, v25;
	v50 =	vmul.f32 v47, v38;
	[tilespmem:v28+s25+$0x16160] =	vst.idx.msk $0xffff, v60  }
0xa2: {  	_ = 	snop  }
0xa3: {  	v0 =	vsub.f32 v0, v6;
	v6 =	vmul.f32 v45, v18;
	_ =	sdelay $0x1  }
0xa4: {  	[tilespmem:$0x1FF10] =	vst v15;
	v0 =	vadd.f32 v6, v0;
	v6 =	vmul.f32 v41, v32  }
0xa5: {  	[tilespmem:$0x1FF20] =	vst v13;
	v7 =	vsub.f32 v51, v49  }
0xa6: {  	[tilespmem:$0x1FF30] =	vst v11;
	v12 =	vadd.f32 v56, v57;
	v0 =	vsub.f32 v0, v6;
	v6 =	vmul.f32 v46, v34  }
0xa7: {  	[tilespmem:$0x1FF40] =	vst v10;
	v14 =	vmul.f32 v43, v37;
	v9 =	vsub.f32 v9, v39;
	v7 =	vadd.f32 v48, v7  }
0xa8: {  	[tilespmem:$0x1FF50] =	vst v8;
	v16 =	vmul.f32 v47, v36;
	v18 =	vmul.f32 v42, v35;
	v0 =	vadd.f32 v6, v0  }
0xa9: {  	[tilespmem:$0x1FF60] =	vst v4;
	v23 =	vmul.f32 v47, v37;
	v7 =	vsub.f32 v7, v44;
	v6 =	vadd.f32 v52, v54  }
0xaa: {  	[tilespmem:$0x1FF70] =	vst v3;
	v21 =	vmul.f32 v47, v21;
	v12 =	vadd.f32 v55, v12;
	v0 =	vsub.f32 v0, v18  }
0xab: {  	[tilespmem:v29+s25+$0x16160] =	vst.idx.msk $0xffff, v9;
	v7 =	vadd.f32 v16, v7;
	v6 =	vadd.f32 v23, v6  }
0xac: {  	s31 =	sshra.s32 s26, $0x2;
	[tilespmem:v30+s25+$0x16160] =	vst.idx.msk $0xffff, v53;
	v9 =	vadd.f32 v21, v12;
	v0 =	vadd.f32 v50, v0  }
0xad: {  	[tilespmem:v27+s31+$0x16160] =	vst.idx.msk $0xffff, v6;
	v6 =	vsub.f32 v7, v14  }
0xae: {  	[tilespmem:v28+s31+$0x16160] =	vst.idx.msk $0xffff, v9;
	v0 =	vsub.f32 v0, v40  }
0xaf: {  	[tilespmem:v29+s31+$0x16160] =	vst.idx.msk $0xffff, v6  }
0xb0: {  	s24 =	sadd.s32 s24, s23;
	[tilespmem:v30+s31+$0x16160] =	vst.idx.msk $0xffff, v0  }
0xb1: {  	v31 =	vld [tilespmem:s24+$0x3030]  }
0xb2: {  	v33 =	vld [tilespmem:s21+$0x3131]  }
0xb3: {  	v34 =	vld [tilespmem:s21+$0x3434]  }
0xb4: {  	s25 =	sor.u32 $0x4, s22;
	v35 =	vld [tilespmem:s21+$0x3535]  }
0xb5: {  	s26 =	sor.u32 $0x5, s22;
	v15 =	vadd.s32 s25, v2;
	v36 =	vld [tilespmem:s24+$0x3838]  }
0xb6: {  	v16 =	vadd.s32 s26, v5;
	v32 =	vld [tilespmem:s21+$0x3939]  }
0xb7: {  	v17 =	vadd.s32 s25, v5;
	v37 =	vld [tilespmem:s24+$0x5050]  }
0xb8: {  	v18 =	vadd.s32 s26, v2;
	v39 =	vld [tilespmem:s21+$0x5151]  }
0xb9: {  	s28 =	simm.s32 $0x6060;
	v38 =	vld [tilespmem:s21+$0x5555]  }
0xba: {  	s29 =	sor.u32 $0x6, s22;
	v0 =	vld.idx.msk [tilespmem:v15+s28+$0x0], $0xffff  }
0xbb: {  	v19 =	vadd.s32 s29, v2;
	v6 =	vld.idx.msk [tilespmem:v16+s28+$0x0], $0xffff  }
0xbc: {  	v7 =	vld.idx.msk [tilespmem:v17+s28+$0x0], $0xffff  }
0xbd: {  	s23 =	simm.s32 $0x0;
	v9 =	vld.idx.msk [tilespmem:v18+s28+$0x0], $0xffff  }
0xbe: {  	v58 =	vld.idx.msk [tilespmem:v29+s23+$0x16160], $0xffff  }
0xbf: {  	v59 =	vld.idx.msk [tilespmem:v27+s23+$0x16160], $0xffff  }
0xc0: {  	v23 =	vadd.s32 s29, v5;
	v50 =	vld.idx.msk [tilespmem:v19+s28+$0x0], $0xffff;
	v60 =	vmul.f32 v0, v31;
	v53 =	vmul.f32 v0, v39  }
0xc1: {  	s30 =	sor.u32 $0x7, s22;
	s31 =	simm.s32 $0x7070;
	v45 =	vld.idx.msk [tilespmem:v28+s23+$0x16160], $0xffff;
	v61 =	vmul.f32 v7, v31;
	v47 =	vmul.f32 v0, v33  }
0xc2: {  	v24 =	vadd.s32 s30, v2;
	v8 =	vld.idx.msk [tilespmem:v17+s31+$0x0], $0xffff;
	v48 =	vmul.f32 v6, v38;
	v62 =	vmul.f32 v7, v37  }
0xc3: {  	v25 =	vadd.s32 s30, v5;
	v40 =	vld [tilespmem:s21+$0x5454];
	v0 =	vmul.f32 v0, v37;
	v46 =	vmul.f32 v7, v39  }
0xc4: {  	v41 =	vld [tilespmem:s21+$0x3C3C];
	v51 =	vmul.f32 v9, v34;
	v63 =	vmul.f32 v9, v35  }
0xc5: {  	v52 =	vld.idx.msk [tilespmem:v23+s28+$0x0], $0xffff;
	v10 =	vmul.f32 v6, v35;
	v49 =	vmul.f32 v50, v36  }
0xc6: {  	v44 =	vld [tilespmem:s24+$0x5858];
	v7 =	vmul.f32 v7, v33;
	v12 =	vmul.f32 v9, v38;
	v42 =	vadd.f32 v61, v58  }
0xc7: {  	v57 =	vld.idx.msk [tilespmem:v24+s28+$0x0], $0xffff;
	v5 =	vmul.f32 v8, v37;
	v43 =	vadd.f32 v60, v59;
	v45 =	vadd.f32 v47, v45  }
0xc8: {  	v55 =	vld.idx.msk [tilespmem:v25+s28+$0x0], $0xffff;
	v26 =	vmul.f32 v8, v31;
	v60 =	vmul.f32 v6, v34;
	v0 =	vsub.f32 v42, v0  }
0xc9: {  	v61 =	vmul.f32 v6, v40;
	v42 =	vld [tilespmem:s21+$0x5959];
	v43 =	vadd.f32 v62, v43;
	v45 =	vadd.f32 v46, v45  }
0xca: {  	v58 =	vmul.f32 v50, v32;
	v62 =	vmul.f32 v9, v40;
	v46 =	vld [tilespmem:s21+$0x3D3D];
	v0 =	vadd.f32 v60, v0  }
0xcb: {  	v59 =	vmul.f32 v52, v36;
	v51 =	vadd.f32 v51, v43;
	v43 =	vld [tilespmem:s21+$0x5C5C];
	v54 =	vadd.f32 v63, v45  }
0xcc: {  	v47 =	vmul.f32 v52, v44;
	v9 =	vmul.f32 v52, v32;
	v45 =	vld [tilespmem:s21+$0x5D5D];
	v0 =	vsub.f32 v0, v62  }
0xcd: {  	v60 =	vmul.f32 v50, v44;
	v51 =	vadd.f32 v61, v51;
	v48 =	vadd.f32 v48, v54;
	v54 =	vld.idx.msk [tilespmem:v30+s23+$0x16160], $0xffff  }
0xce: {  	v61 =	vld.idx.msk [tilespmem:v15+s31+$0x0], $0xffff;
	v56 =	vmul.f32 v52, v42;
	v11 =	vmul.f32 v50, v42  }
0xcf: {  	v62 =	vld.idx.msk [tilespmem:v16+s31+$0x0], $0xffff;
	v0 =	vadd.f32 v59, v0;
	v59 =	vmul.f32 v57, v41;
	v49 =	vadd.f32 v49, v51  }
0xd0: {  	s22 =	simm.s32 $0x808;
	v51 =	vmul.f32 v55, v41;
	v58 =	vadd.f32 v58, v48;
	v63 =	vmul.f32 v57, v43  }
0xd1: {  	v1 =	vld.idx.msk [tilespmem:v28+s22+$0x16160], $0xffff;
	v2 =	vmul.f32 v55, v45;
	v0 =	vsub.f32 v0, v60;
	v60 =	vmul.f32 v55, v43  }
0xd2: {  	v48 =	vld.idx.msk [tilespmem:v18+s31+$0x0], $0xffff;
	v47 =	vadd.f32 v47, v49;
	v49 =	vmul.f32 v55, v46;
	v56 =	vadd.f32 v56, v58  }
0xd3: {  	v50 =	vmul.f32 v61, v39;
	v7 =	vadd.f32 v7, v54;
	v4 =	vmul.f32 v61, v33  }
0xd4: {  	v55 =	vld.idx.msk [tilespmem:v29+s22+$0x16160], $0xffff;
	v6 =	vmul.f32 v62, v38;
	v58 =	vmul.f32 v61, v37;
	v0 =	vadd.f32 v51, v0  }
0xd5: {  	v59 =	vadd.f32 v59, v47;
	v47 =	vmul.f32 v57, v45;
	v57 =	vmul.f32 v57, v46  }
0xd6: {  	v54 =	vld.idx.msk [tilespmem:v23+s31+$0x0], $0xffff;
	v7 =	vsub.f32 v7, v53;
	v53 =	vmul.f32 v62, v35;
	v1 =	vadd.f32 v4, v1  }
0xd7: {  	v4 =	vmul.f32 v48, v40;
	v51 =	vsub.f32 v0, v63;
	v52 =	vadd.f32 v60, v59;
	v59 =	vld.idx.msk [tilespmem:v27+s22+$0x16160], $0xffff  }
0xd8: {  	v60 =	vmul.f32 v61, v31;
	v63 =	vmul.f32 v8, v39;
	v56 =	vadd.f32 v57, v56  }
0xd9: {  	v61 =	vmul.f32 v48, v34;
	v0 =	vmul.f32 v48, v35;
	v26 =	vadd.f32 v26, v55  }
0xda: {  	v57 =	vmul.f32 v62, v34;
	v7 =	vadd.f32 v10, v7;
	v56 =	vadd.f32 v2, v56  }
0xdb: {  	[tilespmem:v27+s23+$0x16160] =	vst.idx.msk $0xffff, v52;
	v1 =	vadd.f32 v63, v1;
	v26 =	vsub.f32 v26, v58  }
0xdc: {  	v52 =	vld.idx.msk [tilespmem:v19+s31+$0x0], $0xffff;
	v63 =	vmul.f32 v54, v44;
	v7 =	vsub.f32 v7, v12;
	v59 =	vadd.f32 v60, v59  }
0xdd: {  	v55 =	vld.idx.msk [tilespmem:v24+s31+$0x0], $0xffff;
	v0 =	vadd.f32 v0, v1;
	[tilespmem:v28+s23+$0x16160] =	vst.idx.msk $0xffff, v56;
	v60 =	vmul.f32 v62, v40  }
0xde: {  	v58 =	vld.idx.msk [tilespmem:v25+s31+$0x0], $0xffff;
	v26 =	vadd.f32 v57, v26;
	v57 =	vmul.f32 v54, v42;
	v5 =	vadd.f32 v5, v59  }
0xdf: {  	v62 =	vmul.f32 v8, v33;
	v0 =	vadd.f32 v6, v0;
	v6 =	vadd.f32 v9, v7  }
0xe0: {  	v59 =	vmul.f32 v54, v36;
	v4 =	vsub.f32 v26, v4;
	v5 =	vadd.f32 v61, v5  }
0xe1: {  	v3 =	vmul.f32 v52, v36;
	v2 =	vmul.f32 v52, v32;
	v7 =	vsub.f32 v6, v11  }
0xe2: {  	v1 =	vmul.f32 v52, v44;
	v4 =	vadd.f32 v59, v4;
	v5 =	vadd.f32 v60, v5  }
0xe3: {  	v6 =	vmul.f32 v58, v41;
	v61 =	vmul.f32 v55, v41;
	v59 =	vadd.f32 v2, v0  }
0xe4: {  	s25 =	simm.s32 $0x8080;
	s24 =	simm.s32 $0x4040;
	v56 =	vld.idx.msk [tilespmem:v30+s22+$0x16160], $0xffff;
	v60 =	vmul.f32 v58, v43;
	v9 =	vsub.f32 v4, v1;
	v0 =	vadd.f32 v3, v5  }
.LBB2_9:
0xe5: {  	v1 =	vld.idx.msk [tilespmem:v15+s25+$0x0], $0xffff;
	p0 =	sne.s32 s24, $0x1E1E0;
	v2 =	vadd.f32 v49, v7;
	[tilespmem:v29+s23+$0x16160] =	vst.idx.msk $0xffff, v51;
	s26 =	smov.u32 s24;
	s24 =	sadd.s32 $0x2020, s24  }
0xe6: {  	v5 =	vmul.f32 v55, v43;
	s26 =	sshra.s32 s26, $0x2;
	v3 =	vld.idx.msk [tilespmem:v16+s25+$0x0], $0xffff;
	v0 =	vadd.f32 v63, v0;
	v4 =	vadd.f32 v6, v9  }
0xe7: {  	v7 =	vmul.f32 v48, v38;
	v49 =	vmul.f32 v58, v46;
	v6 =	vld.idx.msk [tilespmem:v17+s25+$0x0], $0xffff;
	v2 =	vsub.f32 v2, v47  }
0xe8: {  	v8 =	vmul.f32 v58, v45;
	v48 =	vld.idx.msk [tilespmem:v18+s25+$0x0], $0xffff;
	v0 =	vadd.f32 v61, v0;
	v51 =	vsub.f32 v4, v5  }
0xe9: {  	v47 =	vmul.f32 v55, v45;
	v5 =	vmul.f32 v52, v42;
	v4 =	vld.idx.msk [tilespmem:v29+s26+$0x16160], $0xffff;
	[tilespmem:v30+s23+$0x16160] =	vst.idx.msk $0xffff, v2;
	s23 =	smov.u32 s22;
	s22 =	smov.u32 s26  }
0xea: {  	v26 =	vmul.f32 v55, v46;
	v9 =	vmul.f32 v54, v32;
	v2 =	vld.idx.msk [tilespmem:v27+s22+$0x16160], $0xffff;
	v0 =	vadd.f32 v60, v0  }
0xeb: {  	v55 =	vmul.f32 v1, v31;
	v58 =	vmul.f32 v1, v39;
	v60 =	vadd.f32 v62, v56;
	v56 =	vld.idx.msk [tilespmem:v30+s22+$0x16160], $0xffff  }
0xec: {  	v62 =	vmul.f32 v1, v33;
	v10 =	vmul.f32 v3, v38;
	v61 =	vld.idx.msk [tilespmem:v28+s22+$0x16160], $0xffff;
	[tilespmem:v27+s23+$0x16160] =	vst.idx.msk $0xffff, v0  }
0xed: {  	v57 =	vadd.f32 v57, v59;
	v0 =	vmul.f32 v6, v37;
	v63 =	vmul.f32 v6, v31;
	v52 =	vld.idx.msk [tilespmem:v19+s25+$0x0], $0xffff  }
0xee: {  	v1 =	vmul.f32 v1, v37;
	v59 =	vmul.f32 v6, v39;
	v60 =	vsub.f32 v60, v50;
	v54 =	vld.idx.msk [tilespmem:v23+s25+$0x0], $0xffff  }
0xef: {  	v50 =	vmovc v58;
	v11 =	vmul.f32 v48, v34;
	v12 =	vmul.f32 v48, v35;
	v4 =	vadd.f32 v63, v4  }
0xf0: {  	v26 =	vadd.f32 v26, v57;
	v13 =	vmul.f32 v3, v40;
	v2 =	vadd.f32 v55, v2  }
0xf1: {  	v1 =	vsub.f32 v4, v1;
	v4 =	vmul.f32 v3, v34;
	v3 =	vmul.f32 v3, v35;
	v55 =	vld.idx.msk [tilespmem:v24+s25+$0x0], $0xffff  }
0xf2: {  	v8 =	vadd.f32 v8, v26;
	v57 =	vadd.f32 v62, v61;
	v61 =	vmul.f32 v48, v40  }
0xf3: {  	v60 =	vadd.f32 v53, v60;
	v26 =	vmul.f32 v52, v36;
	v14 =	vmul.f32 v52, v32;
	v58 =	vld.idx.msk [tilespmem:v25+s25+$0x0], $0xffff  }
0xf4: {  	v0 =	vadd.f32 v0, v2;
	v53 =	vmovc v3;
	v2 =	vadd.f32 v59, v57;
	v59 =	vmul.f32 v54, v36  }
0xf5: {  	v1 =	vadd.f32 v4, v1;
	v63 =	vmul.f32 v54, v44;
	v57 =	vmul.f32 v54, v42  }
0xf6: {  	v3 =	vmul.f32 v52, v44;
	v4 =	vsub.f32 v60, v7;
	v2 =	vadd.f32 v12, v2  }
.Ltmp5:
0xf7: {  	v0 =	vadd.f32 v11, v0;
	v1 =	vsub.f32 v1, v61;
	v61 =	vmul.f32 v55, v41;
	(pc) =	sbr.rel @p0 .LBB2_9-.Ltmp5, $4  }
0xf8: {  	v62 =	vmul.f32 v6, v33;
	v4 =	vadd.f32 v9, v4;
	v2 =	vadd.f32 v10, v2  }
0xf9: {  	v0 =	vadd.f32 v13, v0;
	v1 =	vadd.f32 v59, v1;
	v60 =	vmul.f32 v58, v43  }
0xfa: {  	v7 =	vsub.f32 v4, v5;
	v59 =	vadd.f32 v14, v2;
	[tilespmem:v28+s23+$0x16160] =	vst.idx.msk $0xffff, v8  }
0xfb: {  	s25 =	sadd.s32 $0x1010, s25;
	v0 =	vadd.f32 v26, v0;
	v9 =	vsub.f32 v1, v3;
	v6 =	vmul.f32 v58, v41  }
0xfc: {  	v1 =	vadd.f32 v62, v56;
	_ =	sdelay $0x1  }
0xfd: {  	v1 =	vsub.f32 v1, v50;
	_ =	sdelay $0x1  }
0xfe: {  	[tilespmem:$0x1FEC0] =	vst v19;
	v2 =	vmul.f32 v48, v38;
	v1 =	vadd.f32 v53, v1  }
0xff: {  	[tilespmem:$0x1FED0] =	vst v18;
	v3 =	vadd.f32 v49, v7  }
0x100: {  	[tilespmem:$0x1FEE0] =	vst v17;
	v4 =	vmul.f32 v54, v32;
	v5 =	vmul.f32 v52, v42;
	v1 =	vsub.f32 v1, v2  }
0x101: {  	[tilespmem:$0x1FEF0] =	vst v16;
	v7 =	vadd.f32 v57, v59;
	v8 =	vmul.f32 v58, v45;
	v0 =	vadd.f32 v63, v0  }
0x102: {  	[tilespmem:$0x1FF00] =	vst v15;
	v2 =	vadd.f32 v6, v9;
	v6 =	vmul.f32 v55, v46;
	v1 =	vadd.f32 v4, v1  }
0x103: {  	[tilespmem:v29+s23+$0x16160] =	vst.idx.msk $0xffff, v51;
	v3 =	vsub.f32 v3, v47;
	v0 =	vadd.f32 v61, v0  }
0x104: {  	v4 =	vmul.f32 v58, v46;
	v6 =	vadd.f32 v6, v7;
	v1 =	vsub.f32 v1, v5  }
0x105: {  	[tilespmem:v30+s23+$0x16160] =	vst.idx.msk $0xffff, v3;
	v0 =	vadd.f32 v60, v0;
	v5 =	vmul.f32 v55, v43  }
0x106: {  	v7 =	vmul.f32 v55, v45;
	v3 =	vadd.f32 v8, v6;
	v1 =	vadd.f32 v4, v1  }
0x107: {  	[tilespmem:v27+s22+$0x16160] =	vst.idx.msk $0xffff, v0;
	v2 =	vsub.f32 v2, v5  }
0x108: {  	[tilespmem:v28+s22+$0x16160] =	vst.idx.msk $0xffff, v3;
	v0 =	vsub.f32 v1, v7  }
0x109: {  	[tilespmem:v29+s22+$0x16160] =	vst.idx.msk $0xffff, v2  }
0x10a: {  	[tilespmem:v30+s22+$0x16160] =	vst.idx.msk $0xffff, v0  }
0x10b: {  	v31 =	vld [tilespmem:s21+$0x2222]  }
0x10c: {  	v33 =	vld [tilespmem:s21+$0x2323]  }
0x10d: {  	v34 =	vld [tilespmem:s21+$0x2626]  }
0x10e: {  	v35 =	vld [tilespmem:s21+$0x2A2A]  }
0x10f: {  	v36 =	vld [tilespmem:s21+$0x4242]  }
0x110: {  	v37 =	vld [tilespmem:s21+$0x4343]  }
0x111: {  	v39 =	vld [tilespmem:s21+$0x4646]  }
0x112: {  	v15 =	vld [tilespmem:$0x1FF70]  }
0x113: {  	v16 =	vld [tilespmem:$0x1FF60]  }
0x114: {  	v40 =	vld [tilespmem:s21+$0x4A4A]  }
0x115: {  	v6 =	vld [tilespmem:$0x1FFB0]  }
0x116: {  	v30 =	vld [tilespmem:s21+$0x4F4F]  }
0x117: {  	v17 =	vld [tilespmem:$0x1FF50]  }
0x118: {  	v18 =	vld [tilespmem:$0x1FF40]  }
0x119: {  	v19 =	vld [tilespmem:$0x1FF30]  }
0x11a: {  	v21 =	vld [tilespmem:$0x1FF10]  }
0x11b: {  	v43 =	vld [tilespmem:s21+$0x2E2E]  }
0x11c: {  	s30 =	simm.s32 $0x6060;
	v45 =	vld [tilespmem:s21+$0x2F2F]  }
0x11d: {  	v55 =	vld.idx.msk [tilespmem:v22+s30+$0x0], $0xffff  }
0x11e: {  	v0 =	vld.idx.msk [tilespmem:v15+s30+$0x0], $0xffff  }
0x11f: {  	v2 =	vor.u32 $0x2, v6;
	v1 =	vld.idx.msk [tilespmem:v16+s30+$0x0], $0xffff  }
0x120: {  	v27 =	vadd.s32 v2, v20;
	v2 =	vor.u32 $0x3, v6;
	v4 =	vld.idx.msk [tilespmem:v17+s30+$0x0], $0xffff  }
0x121: {  	v12 =	vmovc v20;
	v3 =	vadd.s32 $0x406, v6;
	v6 =	vadd.s32 $0x407, v6;
	v29 =	vadd.s32 v2, v20;
	v2 =	vld.idx.msk [tilespmem:v18+s30+$0x0], $0xffff  }
0x122: {  	v26 =	vadd.s32 v6, v12;
	v12 =	vld.idx.msk [tilespmem:v21+s30+$0x0], $0xffff  }
0x123: {  	v13 =	vmul.f32 v55, v43;
	v28 =	vadd.s32 v3, v20;
	v20 =	vld [tilespmem:$0x1FF20];
	v5 =	vmul.f32 v0, v31  }
0x124: {  	s31 =	simm.s32 $0x7070;
	v44 =	vld [tilespmem:s21+$0x4E4E];
	v3 =	vmul.f32 v1, v31;
	v7 =	vmul.f32 v0, v33  }
0x125: {  	v48 =	vld.idx.msk [tilespmem:v17+s31+$0x0], $0xffff;
	v9 =	vmul.f32 v1, v36;
	v11 =	vmul.f32 v0, v36  }
0x126: {  	v50 =	vld.idx.msk [tilespmem:v18+s31+$0x0], $0xffff;
	v6 =	vmul.f32 v1, v37;
	v60 =	vmul.f32 v2, v30  }
0x127: {  	v32 =	vld [tilespmem:s21+$0x2727];
	v14 =	vmul.f32 v4, v39;
	v47 =	vmul.f32 v12, v35  }
0x128: {  	v38 =	vld [tilespmem:s21+$0x4747];
	v62 =	vmul.f32 v12, v40;
	v1 =	vmul.f32 v1, v33  }
0x129: {  	v8 =	vld.idx.msk [tilespmem:v19+s30+$0x0], $0xffff;
	v0 =	vmul.f32 v0, v37;
	v63 =	vmul.f32 v2, v45  }
0x12a: {  	v41 =	vld [tilespmem:s21+$0x2B2B];
	v46 =	vmul.f32 v2, v44;
	v56 =	vmul.f32 v48, v39;
	v5 =	vadd.f32 $0.0e+00, v5  }
0x12b: {  	v59 =	vmul.f32 v50, v43;
	v10 =	vld.idx.msk [tilespmem:v20+s30+$0x0], $0xffff;
	v3 =	vadd.f32 $0.0e+00, v3;
	v7 =	vadd.f32 $0.0e+00, v7  }
0x12c: {  	v1 =	vadd.f32 $0.0e+00, v1;
	v5 =	vadd.f32 v9, v5;
	v9 =	vmul.f32 v4, v34  }
0x12d: {  	v3 =	vsub.f32 v3, v11;
	v11 =	vmul.f32 v4, v32;
	v6 =	vadd.f32 v6, v7  }
0x12e: {  	v42 =	vld [tilespmem:s21+$0x4B4B];
	v7 =	vmul.f32 v8, v39;
	v0 =	vsub.f32 v1, v0;
	v1 =	vmul.f32 v8, v32  }
0x12f: {  	v49 =	vld.idx.msk [tilespmem:v20+s31+$0x0], $0xffff;
	v5 =	vadd.f32 v9, v5;
	v9 =	vmul.f32 v8, v38;
	v6 =	vadd.f32 v11, v6  }
0x130: {  	v0 =	vadd.f32 v1, v0;
	v1 =	vmul.f32 v4, v38;
	v61 =	vmul.f32 v10, v41  }
0x131: {  	v5 =	vadd.f32 v7, v5;
	v7 =	vmul.f32 v8, v34;
	v6 =	vadd.f32 v9, v6  }
0x132: {  	v11 =	vmul.f32 v10, v40;
	v9 =	vmul.f32 v10, v35  }
0x133: {  	v57 =	vld.idx.msk [tilespmem:v15+s31+$0x0], $0xffff;
	v3 =	vadd.f32 v7, v3;
	v7 =	vmul.f32 v12, v42;
	v6 =	vadd.f32 v61, v6  }
0x134: {  	v53 =	vld.idx.msk [tilespmem:v21+s31+$0x0], $0xffff;
	v51 =	vmul.f32 v49, v40;
	v8 =	vmul.f32 v55, v30;
	v5 =	vadd.f32 v9, v5  }
0x135: {  	v0 =	vsub.f32 v0, v1;
	v9 =	vmul.f32 v2, v43;
	v2 =	vld.idx.msk [tilespmem:v16+s31+$0x0], $0xffff;
	v6 =	vadd.f32 v7, v6  }
0x136: {  	v1 =	vmul.f32 v12, v41;
	v5 =	vadd.f32 v62, v5;
	v7 =	vmul.f32 v55, v45  }
0x137: {  	v3 =	vsub.f32 v3, v14;
	v62 =	vmul.f32 v50, v45;
	v6 =	vadd.f32 v63, v6  }
0x138: {  	v4 =	vadd.f32 v9, v5;
	v5 =	vmul.f32 v55, v44;
	v9 =	vmul.f32 v57, v31  }
0x139: {  	v3 =	vadd.f32 v47, v3;
	v47 =	vmul.f32 v50, v30;
	v55 =	vmul.f32 v53, v35  }
0x13a: {  	v0 =	vadd.f32 v1, v0;
	v12 =	vmul.f32 v2, v31;
	v14 =	vmul.f32 v2, v36  }
0x13b: {  	v8 =	vadd.f32 v8, v6;
	v6 =	vmul.f32 v10, v42;
	v10 =	vmul.f32 v57, v33  }
0x13c: {  	v52 =	vld.idx.msk [tilespmem:v19+s31+$0x0], $0xffff;
	v4 =	vadd.f32 v5, v4;
	v5 =	vmul.f32 v2, v37;
	v9 =	vadd.f32 $0.0e+00, v9  }
0x13d: {  	v3 =	vsub.f32 v3, v11;
	v2 =	vmul.f32 v2, v33;
	v1 =	vadd.f32 $0.0e+00, v12  }
0x13e: {  	s22 =	simm.s32 $0x0;
	v12 =	vmul.f32 v57, v36;
	v9 =	vadd.f32 v14, v9;
	v10 =	vadd.f32 $0.0e+00, v10  }
0x13f: {  	v14 =	vmul.f32 v48, v34;
	[tilespmem:v27+s22+$0x16160] =	vst.idx.msk $0xffff, v4;
	v0 =	vsub.f32 v0, v6  }
0x140: {  	v4 =	vmul.f32 v48, v32;
	v1 =	vsub.f32 v1, v12;
	v5 =	vadd.f32 v5, v10  }
0x141: {  	v9 =	vadd.f32 v14, v9;
	v10 =	vmul.f32 v52, v39;
	v0 =	vadd.f32 v7, v0  }
0x142: {  	v54 =	vld.idx.msk [tilespmem:v22+s31+$0x0], $0xffff;
	v12 =	vmul.f32 v52, v38;
	v7 =	vmul.f32 v49, v35;
	v4 =	vadd.f32 v4, v5  }
0x143: {  	v6 =	vadd.f32 v10, v9;
	v5 =	vmul.f32 v52, v34;
	v60 =	vsub.f32 v0, v60  }
0x144: {  	v9 =	vmul.f32 v49, v41;
	v0 =	vadd.f32 v13, v3;
	v4 =	vadd.f32 v12, v4  }
0x145: {  	v10 =	vmul.f32 v53, v40;
	v58 =	vadd.f32 v5, v1;
	v1 =	vadd.f32 v7, v6  }
0x146: {  	v63 =	vmul.f32 v53, v42;
	[tilespmem:v29+s22+$0x16160] =	vst.idx.msk $0xffff, v8;
	v6 =	vadd.f32 $0.0e+00, v2;
	v9 =	vadd.f32 v9, v4  }
0x147: {  	s24 =	simm.s32 $0x4040;
	s25 =	simm.s32 $0x8080;
	s23 =	simm.s32 $0x2020;
	v7 =	vmul.f32 v57, v37;
	v57 =	vmul.f32 v54, v45;
	v61 =	vadd.f32 v10, v1  }
.LBB2_11:
0x148: {  	v1 =	vld.idx.msk [tilespmem:v15+s25+$0x0], $0xffff;
	p0 =	sne.s32 s24, $0x1E1E0;
	v2 =	vadd.f32 v63, v9;
	v0 =	vsub.f32 v0, v46;
	v46 =	vmul.f32 v50, v44;
	s26 =	smov.u32 s24;
	s24 =	sadd.s32 $0x2020, s24  }
0x149: {  	v5 =	vmul.f32 v52, v32;
	v3 =	vld.idx.msk [tilespmem:v16+s25+$0x0], $0xffff;
	v4 =	vsub.f32 v6, v7;
	v6 =	vmul.f32 v54, v30  }
0x14a: {  	v8 =	vmul.f32 v54, v43;
	v7 =	vld.idx.msk [tilespmem:v22+s25+$0x0], $0xffff;
	v2 =	vadd.f32 v62, v2;
	[tilespmem:v28+s22+$0x16160] =	vst.idx.msk $0xffff, v0  }
0x14b: {  	v0 =	vadd.f32 v5, v4;
	v4 =	vmul.f32 v48, v38;
	[tilespmem:v26+s22+$0x16160] =	vst.idx.msk $0xffff, v60  }
0x14c: {  	v9 =	vmul.f32 v54, v44;
	v5 =	vadd.f32 v59, v61;
	v48 =	vld.idx.msk [tilespmem:v17+s25+$0x0], $0xffff;
	v2 =	vadd.f32 v6, v2  }
0x14d: {  	v6 =	vmul.f32 v49, v42;
	v50 =	vld.idx.msk [tilespmem:v18+s25+$0x0], $0xffff;
	v0 =	vsub.f32 v0, v4;
	v4 =	vmul.f32 v53, v41  }
0x14e: {  	v10 =	vmul.f32 v1, v31;
	v11 =	vmul.f32 v1, v33;
	v5 =	vadd.f32 v9, v5;
	v52 =	vld.idx.msk [tilespmem:v19+s25+$0x0], $0xffff  }
0x14f: {  	v13 =	vsub.f32 v58, v56;
	v9 =	vmul.f32 v3, v37;
	v12 =	vmul.f32 v3, v31  }
0x150: {  	v14 =	vmul.f32 v3, v36;
	v10 =	vadd.f32 $0.0e+00, v10;
	v0 =	vadd.f32 v4, v0;
	v54 =	vmovc v7;
	v49 =	vld.idx.msk [tilespmem:v20+s25+$0x0], $0xffff  }
0x151: {  	s22 =	sshra.s32 s23, $0x2;
	s23 =	smov.u32 s26;
	v7 =	vmul.f32 v1, v36;
	v4 =	vadd.f32 $0.0e+00, v12;
	v12 =	vadd.f32 v55, v13;
	v53 =	vld.idx.msk [tilespmem:v21+s25+$0x0], $0xffff  }
0x152: {  	v11 =	vadd.f32 $0.0e+00, v11;
	v10 =	vadd.f32 v14, v10;
	v13 =	vmul.f32 v48, v34;
	[tilespmem:v27+s22+$0x16160] =	vst.idx.msk $0xffff, v5  }
0x153: {  	v4 =	vsub.f32 v4, v7;
	v5 =	vmul.f32 v48, v32;
	v7 =	vmul.f32 v50, v30  }
0x154: {  	v9 =	vadd.f32 v9, v11;
	v10 =	vadd.f32 v13, v10;
	v11 =	vmul.f32 v52, v39  }
0x155: {  	v56 =	vmul.f32 v48, v39;
	v0 =	vsub.f32 v0, v6;
	v13 =	vmul.f32 v52, v38  }
0x156: {  	v5 =	vadd.f32 v5, v9;
	v6 =	vadd.f32 v11, v10;
	v9 =	vmul.f32 v49, v40  }
0x157: {  	v0 =	vadd.f32 v57, v0;
	v10 =	vmul.f32 v52, v34;
	v55 =	vmul.f32 v53, v35  }
0x158: {  	v11 =	vmul.f32 v49, v35;
	v5 =	vadd.f32 v13, v5;
	v13 =	vmul.f32 v53, v40  }
.Ltmp6:
0x159: {  	v12 =	vsub.f32 v12, v51;
	v14 =	vmul.f32 v49, v41;
	v63 =	vmul.f32 v53, v42;
	v51 =	vmovc v9;
	(pc) =	sbr.rel @p0 .LBB2_11-.Ltmp6, $4  }
0x15a: {  	v59 =	vmul.f32 v50, v43;
	v58 =	vadd.f32 v10, v4;
	v4 =	vadd.f32 v11, v6  }
0x15b: {  	v3 =	vmul.f32 v3, v33;
	v60 =	vsub.f32 v0, v47;
	v47 =	vmovc v7;
	v9 =	vadd.f32 v14, v5  }
0x15c: {  	v62 =	vmul.f32 v50, v45;
	v0 =	vadd.f32 v8, v12;
	v61 =	vadd.f32 v13, v4  }
0x15d: {  	s25 =	sadd.s32 $0x1010, s25;
	v57 =	vmul.f32 v54, v45;
	v7 =	vmul.f32 v1, v37;
	v6 =	vadd.f32 $0.0e+00, v3;
	[tilespmem:v29+s22+$0x16160] =	vst.idx.msk $0xffff, v2  }
0x15e: {  	_ = 	snop  }
0x15f: {  	v2 =	vmul.f32 v52, v32;
	v1 =	vsub.f32 v6, v7;
	_ =	sdelay $0x1  }
0x160: {  	v1 =	vadd.f32 v2, v1;
	v2 =	vmul.f32 v48, v38  }
0x161: {  	v3 =	vsub.f32 v58, v56  }
0x162: {  	v4 =	vadd.f32 v63, v9;
	v1 =	vsub.f32 v1, v2;
	v2 =	vmul.f32 v53, v41  }
0x163: {  	v5 =	vmul.f32 v50, v44;
	v0 =	vsub.f32 v0, v46;
	v3 =	vadd.f32 v55, v3  }
0x164: {  	v8 =	vmul.f32 v54, v44;
	v7 =	vmul.f32 v49, v42;
	v1 =	vadd.f32 v2, v1  }
0x165: {  	v6 =	vmul.f32 v54, v43;
	v3 =	vsub.f32 v3, v51;
	v2 =	vadd.f32 v59, v61  }
0x166: {  	v9 =	vmul.f32 v54, v30;
	v4 =	vadd.f32 v62, v4;
	v1 =	vsub.f32 v1, v7  }
0x167: {  	[tilespmem:v28+s22+$0x16160] =	vst.idx.msk $0xffff, v0;
	v0 =	vadd.f32 v8, v2;
	v2 =	vadd.f32 v6, v3  }
0x168: {  	s29 =	sshra.s32 s23, $0x2;
	[tilespmem:v26+s22+$0x16160] =	vst.idx.msk $0xffff, v60;
	v3 =	vadd.f32 v9, v4;
	v1 =	vadd.f32 v57, v1  }
0x169: {  	[tilespmem:v27+s29+$0x16160] =	vst.idx.msk $0xffff, v0;
	v0 =	vsub.f32 v2, v5  }
0x16a: {  	[tilespmem:v29+s29+$0x16160] =	vst.idx.msk $0xffff, v3;
	v1 =	vsub.f32 v1, v47  }
0x16b: {  	[tilespmem:v28+s29+$0x16160] =	vst.idx.msk $0xffff, v0  }
0x16c: {  	[tilespmem:v26+s29+$0x16160] =	vst.idx.msk $0xffff, v1  }
0x16d: {  	v11 =	vld [tilespmem:s21+$0x3232]  }
0x16e: {  	v13 =	vld [tilespmem:s21+$0x3333]  }
0x16f: {  	v15 =	vld [tilespmem:s21+$0x3636]  }
0x170: {  	v17 =	vld [tilespmem:s21+$0x3737]  }
0x171: {  	v19 =	vld [tilespmem:s21+$0x3A3A]  }
0x172: {  	v10 =	vld [tilespmem:s21+$0x3B3B]  }
0x173: {  	v22 =	vld [tilespmem:s21+$0x5252]  }
0x174: {  	v30 =	vld [tilespmem:s21+$0x5353]  }
0x175: {  	v20 =	vld [tilespmem:s21+$0x5757]  }
0x176: {  	v16 =	vld [tilespmem:$0x1FF00]  }
0x177: {  	v58 =	vld [tilespmem:$0x1FEF0]  }
0x178: {  	v18 =	vld [tilespmem:$0x1FEE0]  }
0x179: {  	s22 =	simm.s32 $0x0;
	v59 =	vld [tilespmem:$0x1FED0]  }
0x17a: {  	v4 =	vld.idx.msk [tilespmem:v28+s22+$0x16160], $0xffff  }
0x17b: {  	v21 =	vld [tilespmem:$0x1FEC0]  }
0x17c: {  	s30 =	simm.s32 $0x6060;
	v31 =	vld [tilespmem:s21+$0x5656]  }
0x17d: {  	v56 =	vld.idx.msk [tilespmem:v23+s30+$0x0], $0xffff  }
0x17e: {  	v35 =	vld [tilespmem:s21+$0x5A5A]  }
0x17f: {  	v0 =	vld.idx.msk [tilespmem:v16+s30+$0x0], $0xffff  }
0x180: {  	v2 =	vld.idx.msk [tilespmem:v18+s30+$0x0], $0xffff  }
0x181: {  	v1 =	vld.idx.msk [tilespmem:v58+s30+$0x0], $0xffff  }
0x182: {  	v3 =	vld.idx.msk [tilespmem:v59+s30+$0x0], $0xffff  }
0x183: {  	s31 =	simm.s32 $0x7070;
	v40 =	vmul.f32 v56, v19;
	v60 =	vmul.f32 v56, v35;
	v55 =	vld.idx.msk [tilespmem:v21+s30+$0x0], $0xffff  }
0x184: {  	v50 =	vmul.f32 v56, v10;
	v46 =	vld.idx.msk [tilespmem:v58+s31+$0x0], $0xffff;
	v6 =	vmul.f32 v0, v11  }
0x185: {  	v47 =	vld.idx.msk [tilespmem:v18+s31+$0x0], $0xffff;
	v7 =	vmul.f32 v0, v30;
	v9 =	vmul.f32 v2, v11  }
0x186: {  	v5 =	vld.idx.msk [tilespmem:v27+s22+$0x16160], $0xffff;
	v12 =	vmul.f32 v0, v13;
	v14 =	vmul.f32 v1, v20  }
0x187: {  	v8 =	vld.idx.msk [tilespmem:v29+s22+$0x16160], $0xffff;
	v34 =	vmul.f32 v2, v22;
	v0 =	vmul.f32 v0, v22  }
0x188: {  	v36 =	vmul.f32 v3, v15;
	v39 =	vmul.f32 v1, v31  }
0x189: {  	v37 =	vmul.f32 v3, v31;
	v61 =	vmul.f32 v55, v35  }
0x18a: {  	v32 =	vld [tilespmem:s21+$0x3E3E];
	v51 =	vmul.f32 v46, v20;
	v52 =	vmul.f32 v47, v22  }
0x18b: {  	v33 =	vld [tilespmem:s21+$0x5B5B];
	v44 =	vmul.f32 v46, v17;
	v4 =	vadd.f32 v9, v4;
	v5 =	vadd.f32 v6, v5  }
0x18c: {  	v57 =	vld.idx.msk [tilespmem:v25+s30+$0x0], $0xffff;
	v53 =	vmul.f32 v47, v13;
	v9 =	vmul.f32 v2, v30;
	v8 =	vadd.f32 v12, v8  }
0x18d: {  	v12 =	vld.idx.msk [tilespmem:v24+s30+$0x0], $0xffff;
	v0 =	vsub.f32 v4, v0;
	v4 =	vmul.f32 v1, v15;
	v5 =	vadd.f32 v34, v5  }
0x18e: {  	v6 =	vmul.f32 v3, v17;
	v2 =	vmul.f32 v2, v13;
	v8 =	vadd.f32 v9, v8;
	v34 =	vld [tilespmem:s21+$0x5E5E]  }
0x18f: {  	v3 =	vmul.f32 v3, v20;
	v0 =	vadd.f32 v4, v0;
	v5 =	vadd.f32 v36, v5;
	v36 =	vld [tilespmem:s21+$0x5F5F]  }
0x190: {  	v1 =	vmul.f32 v1, v17;
	v9 =	vmul.f32 v55, v10;
	v6 =	vadd.f32 v6, v8  }
0x191: {  	v4 =	vmul.f32 v55, v19;
	v0 =	vsub.f32 v0, v37;
	v37 =	vld [tilespmem:s21+$0x3F3F];
	v5 =	vadd.f32 v39, v5  }
0x192: {  	v8 =	vmul.f32 v56, v33;
	v62 =	vmul.f32 v12, v32;
	v6 =	vadd.f32 v14, v6  }
0x193: {  	v14 =	vmul.f32 v57, v32;
	v39 =	vld.idx.msk [tilespmem:v59+s31+$0x0], $0xffff;
	v0 =	vadd.f32 v40, v0;
	v4 =	vadd.f32 v4, v5  }
0x194: {  	v45 =	vmul.f32 v57, v34;
	v6 =	vadd.f32 v9, v6;
	v48 =	vmul.f32 v57, v36  }
0x195: {  	v9 =	vld.idx.msk [tilespmem:v16+s31+$0x0], $0xffff;
	v38 =	vmul.f32 v12, v36;
	v0 =	vsub.f32 v0, v61;
	v4 =	vadd.f32 v60, v4  }
0x196: {  	v5 =	vld.idx.msk [tilespmem:v26+s22+$0x16160], $0xffff;
	v6 =	vadd.f32 v8, v6;
	v8 =	vmul.f32 v47, v30;
	v40 =	vmul.f32 v57, v37  }
0x197: {  	v43 =	vld.idx.msk [tilespmem:v21+s31+$0x0], $0xffff;
	s21 =	simm.s32 $0x808;
	v0 =	vadd.f32 v14, v0;
	v14 =	vmul.f32 v12, v34;
	v4 =	vadd.f32 v62, v4  }
0x198: {  	v63 =	vld.idx.msk [tilespmem:v27+s21+$0x16160], $0xffff;
	v57 =	vmul.f32 v47, v11;
	v60 =	vmul.f32 v39, v17  }
0x199: {  	v12 =	vmul.f32 v12, v37;
	v42 =	vsub.f32 v0, v14;
	v14 =	vld.idx.msk [tilespmem:v28+s21+$0x16160], $0xffff;
	v4 =	vadd.f32 v45, v4  }
0x19a: {  	v62 =	vmul.f32 v46, v31;
	v56 =	vmul.f32 v9, v11  }
0x19b: {  	v41 =	vmul.f32 v9, v30;
	v2 =	vadd.f32 v2, v5;
	[tilespmem:v27+s22+$0x16160] =	vst.idx.msk $0xffff, v4;
	v4 =	vld.idx.msk [tilespmem:v29+s21+$0x16160], $0xffff  }
0x19c: {  	v49 =	vld.idx.msk [tilespmem:v25+s31+$0x0], $0xffff;
	v5 =	vmul.f32 v9, v13;
	v9 =	vmul.f32 v9, v22;
	v6 =	vadd.f32 v12, v6  }
0x19d: {  	v0 =	vmul.f32 v55, v33;
	v2 =	vsub.f32 v2, v7;
	v61 =	vadd.f32 v56, v63  }
0x19e: {  	v45 =	vld.idx.msk [tilespmem:v23+s31+$0x0], $0xffff;
	v12 =	vmul.f32 v43, v19;
	v6 =	vadd.f32 v48, v6;
	v7 =	vadd.f32 v57, v14  }
0x19f: {  	v63 =	vmul.f32 v43, v10;
	v1 =	vadd.f32 v1, v2;
	v2 =	vadd.f32 v52, v61  }
0x1a0: {  	v7 =	vsub.f32 v7, v9;
	v9 =	vmul.f32 v46, v15;
	v4 =	vadd.f32 v5, v4  }
0x1a1: {  	[tilespmem:v29+s22+$0x16160] =	vst.idx.msk $0xffff, v6;
	v6 =	vmul.f32 v49, v32;
	v14 =	vmul.f32 v39, v15  }
0x1a2: {  	v46 =	vld.idx.msk [tilespmem:v24+s31+$0x0], $0xffff;
	v5 =	vmul.f32 v39, v31;
	v4 =	vadd.f32 v8, v4;
	v7 =	vadd.f32 v9, v7  }
0x1a3: {  	v54 =	vmul.f32 v45, v35;
	v1 =	vsub.f32 v1, v3;
	v2 =	vadd.f32 v14, v2  }
0x1a4: {  	v8 =	vmul.f32 v45, v19;
	v4 =	vadd.f32 v60, v4;
	v3 =	vsub.f32 v7, v5  }
0x1a5: {  	v48 =	vmul.f32 v45, v33;
	v1 =	vadd.f32 v50, v1;
	v2 =	vadd.f32 v62, v2  }
0x1a6: {  	v9 =	vmul.f32 v43, v35;
	v4 =	vadd.f32 v51, v4;
	v3 =	vadd.f32 v8, v3  }
0x1a7: {  	v7 =	vsub.f32 v1, v0;
	v0 =	vadd.f32 v12, v2;
	v52 =	vmul.f32 v46, v32  }
0x1a8: {  	s23 =	simm.s32 $0x4040;
	s24 =	simm.s32 $0x8080;
	v47 =	vld.idx.msk [tilespmem:v26+s21+$0x16160], $0xffff;
	v51 =	vmul.f32 v49, v34;
	v50 =	vadd.f32 v63, v4;
	v9 =	vsub.f32 v3, v9  }
.LBB2_13:
0x1a9: {  	v1 =	vld.idx.msk [tilespmem:v16+s24+$0x0], $0xffff;
	p0 =	sne.s32 s23, $0x1E1E0;
	v2 =	vadd.f32 v40, v7;
	[tilespmem:v28+s22+$0x16160] =	vst.idx.msk $0xffff, v42;
	s25 =	smov.u32 s23;
	s23 =	sadd.s32 $0x2020, s23  }
0x1aa: {  	v5 =	vmul.f32 v46, v34;
	s25 =	sshra.s32 s25, $0x2;
	v3 =	vld.idx.msk [tilespmem:v58+s24+$0x0], $0xffff;
	v0 =	vadd.f32 v54, v0;
	v4 =	vadd.f32 v6, v9  }
0x1ab: {  	v7 =	vmul.f32 v39, v20;
	v40 =	vmul.f32 v49, v37;
	v6 =	vld.idx.msk [tilespmem:v18+s24+$0x0], $0xffff;
	v2 =	vsub.f32 v2, v38  }
0x1ac: {  	v8 =	vmul.f32 v49, v36;
	v39 =	vld.idx.msk [tilespmem:v59+s24+$0x0], $0xffff;
	v0 =	vadd.f32 v52, v0;
	v42 =	vsub.f32 v4, v5  }
0x1ad: {  	v38 =	vmul.f32 v46, v36;
	v5 =	vmul.f32 v43, v33;
	v4 =	vld.idx.msk [tilespmem:v28+s25+$0x16160], $0xffff;
	[tilespmem:v26+s22+$0x16160] =	vst.idx.msk $0xffff, v2;
	s22 =	smov.u32 s21;
	s21 =	smov.u32 s25  }
0x1ae: {  	v12 =	vmul.f32 v46, v37;
	v9 =	vmul.f32 v45, v10;
	v2 =	vld.idx.msk [tilespmem:v27+s21+$0x16160], $0xffff;
	v0 =	vadd.f32 v51, v0  }
0x1af: {  	v49 =	vadd.f32 v53, v47;
	v14 =	vmul.f32 v1, v11;
	v46 =	vmul.f32 v1, v30;
	v47 =	vld.idx.msk [tilespmem:v26+s21+$0x16160], $0xffff  }
0x1b0: {  	v52 =	vmul.f32 v1, v13;
	v55 =	vmul.f32 v3, v20;
	v51 =	vld.idx.msk [tilespmem:v29+s21+$0x16160], $0xffff;
	[tilespmem:v27+s22+$0x16160] =	vst.idx.msk $0xffff, v0  }
0x1b1: {  	v48 =	vadd.f32 v48, v50;
	v0 =	vmul.f32 v6, v22;
	v53 =	vmul.f32 v6, v11;
	v43 =	vld.idx.msk [tilespmem:v21+s24+$0x0], $0xffff  }
0x1b2: {  	v54 =	vsub.f32 v49, v41;
	v1 =	vmul.f32 v1, v22;
	v50 =	vmul.f32 v6, v30;
	v45 =	vld.idx.msk [tilespmem:v23+s24+$0x0], $0xffff  }
0x1b3: {  	v41 =	vmovc v46;
	v56 =	vmul.f32 v39, v17;
	v4 =	vadd.f32 v53, v4;
	v53 =	vmul.f32 v39, v15  }
0x1b4: {  	v12 =	vadd.f32 v12, v48;
	v2 =	vadd.f32 v14, v2;
	v14 =	vmul.f32 v3, v31  }
0x1b5: {  	v1 =	vsub.f32 v4, v1;
	v4 =	vmul.f32 v3, v15;
	v3 =	vmul.f32 v3, v17;
	v46 =	vld.idx.msk [tilespmem:v24+s24+$0x0], $0xffff  }
0x1b6: {  	v8 =	vadd.f32 v8, v12;
	v48 =	vadd.f32 v52, v51;
	v51 =	vmul.f32 v39, v31  }
0x1b7: {  	v52 =	vadd.f32 v44, v54;
	v12 =	vmul.f32 v43, v19;
	v57 =	vmul.f32 v43, v10;
	v49 =	vld.idx.msk [tilespmem:v25+s24+$0x0], $0xffff  }
0x1b8: {  	v0 =	vadd.f32 v0, v2;
	v44 =	vmovc v3;
	v2 =	vadd.f32 v50, v48;
	v50 =	vmul.f32 v45, v19  }
0x1b9: {  	v1 =	vadd.f32 v4, v1;
	v54 =	vmul.f32 v45, v35;
	v48 =	vmul.f32 v45, v33  }
0x1ba: {  	v3 =	vmul.f32 v43, v35;
	v4 =	vsub.f32 v52, v7;
	v2 =	vadd.f32 v56, v2  }
.Ltmp7:
0x1bb: {  	v0 =	vadd.f32 v53, v0;
	v1 =	vsub.f32 v1, v51;
	v52 =	vmul.f32 v46, v32;
	(pc) =	sbr.rel @p0 .LBB2_13-.Ltmp7, $4  }
0x1bc: {  	v53 =	vmul.f32 v6, v13;
	v4 =	vadd.f32 v9, v4;
	v2 =	vadd.f32 v55, v2  }
0x1bd: {  	v0 =	vadd.f32 v14, v0;
	v1 =	vadd.f32 v50, v1;
	v51 =	vmul.f32 v49, v34  }
0x1be: {  	v7 =	vsub.f32 v4, v5;
	v50 =	vadd.f32 v57, v2;
	[tilespmem:v29+s22+$0x16160] =	vst.idx.msk $0xffff, v8  }
0x1bf: {  	s24 =	sadd.s32 $0x1010, s24;
	v0 =	vadd.f32 v12, v0;
	v9 =	vsub.f32 v1, v3;
	v6 =	vmul.f32 v49, v32  }
0x1c0: {  	v1 =	vadd.f32 v53, v47;
	_ =	sdelay $0x1  }
0x1c1: {  	v1 =	vsub.f32 v1, v41;
	_ =	sdelay $0x1  }
0x1c2: {  	v2 =	vmul.f32 v39, v20;
	v1 =	vadd.f32 v44, v1  }
0x1c3: {  	v3 =	vadd.f32 v40, v7  }
0x1c4: {  	[tilespmem:v28+s22+$0x16160] =	vst.idx.msk $0xffff, v42;
	v4 =	vmul.f32 v45, v10;
	v1 =	vsub.f32 v1, v2  }
0x1c5: {  	v5 =	vmul.f32 v43, v33;
	v7 =	vadd.f32 v48, v50;
	v0 =	vadd.f32 v54, v0  }
0x1c6: {  	v2 =	vadd.f32 v6, v9;
	v6 =	vmul.f32 v46, v37;
	v1 =	vadd.f32 v4, v1  }
0x1c7: {  	v8 =	vmul.f32 v49, v36;
	v3 =	vsub.f32 v3, v38;
	v0 =	vadd.f32 v52, v0  }
0x1c8: {  	v4 =	vmul.f32 v49, v37;
	v6 =	vadd.f32 v6, v7;
	v1 =	vsub.f32 v1, v5  }
0x1c9: {  	[tilespmem:v26+s22+$0x16160] =	vst.idx.msk $0xffff, v3;
	v0 =	vadd.f32 v51, v0;
	v5 =	vmul.f32 v46, v34  }
0x1ca: {  	s20 =	sadd.s32 $0x1, s20;
	v7 =	vmul.f32 v46, v36;
	v3 =	vadd.f32 v8, v6;
	v1 =	vadd.f32 v4, v1  }
0x1cb: {  	p0 =	sne.s32 s20, $0x11;
	[tilespmem:v27+s21+$0x16160] =	vst.idx.msk $0xffff, v0;
	v2 =	vsub.f32 v2, v5  }
.Ltmp8:
0x1cc: {  	[tilespmem:v29+s21+$0x16160] =	vst.idx.msk $0xffff, v3;
	v0 =	vsub.f32 v1, v7;
	(pc) =	sbr.rel @p0 .LBB2_6-.Ltmp8, $4  }
0x1cd: {  	[tilespmem:v28+s21+$0x16160] =	vst.idx.msk $0xffff, v2  }
0x1ce: {  	[tilespmem:v26+s21+$0x16160] =	vst.idx.msk $0xffff, v0  }
0x1cf: {  	v2 =	vld [tilespmem:$0x1FFD0]  }
0x1d0: {  	v5 =	vld [tilespmem:$0x1FFF0]  }
0x1d1: {  	v0 =	vld [tilespmem:$0x1FF80];
	_ =	sdelay $0x2  }
0x1d2: {  	s18 =	sadd.s32 $0x1, s18  }
0x1d3: {  	s20 =	smov.u32 s19;
	p0 =	slt.s32 s18, s19  }
0x1d4: {  	s20 =	smov.u32 @p0 s18  }
0x1d5: {  	s20 =	sshll.u32 s20, $0x6  }
0x1d6: {  	vm0 =	vmmov $0xffff;
	s20 =	sshra.s32 s20, $0x2  }
0x1d7: {  	[hbm4b:s2+s3] =	stream.indirect_vreg.scatter [tilespmem:s12], [sflag:$0x2], $0x808, v0, vm0, $0xb8;
	[tilespmem:$0x1E1E0] =	vst v63  }
0x1d8: {  	v0 =	vld [tilespmem:s20+$0x1000];
	_ =	sdelay $0x7  }
0x1d9: {  	[tilespmem:s13], [sflag:$0x1] =	stream.indirect_vreg.gather [hbm4b:s4+s3], $0x1010, v0, vm0, $0xb8;
	[tilespmem:$0x1E1E0] =	vst v63  }
0x1da: {  	p0 =	sne.s32 s18, s17;
	_ =	swait.ge [sflag:s14], $0x8080  }
.Ltmp9:
0x1db: {  	[sflag:s14] =	ssyncset.done $0x0;
	(pc) =	sbr.rel @p0 .LBB2_5-.Ltmp9, $4  }
.Ltmp10:
0x1dc: {  	[sflag:s14] =	ssyncadd.s32 $0xFFFF7F80;
	(pc) =	sbr.rel @!p0 .LBB2_16-.Ltmp10, $4  }
0x1dd: {  	_ =	swait.ge [sflag:s15], $0x10100  }
0x1de: {  	[sflag:s15] =	ssyncset.done $0x0  }
0x1df: {  	[sflag:s15] =	ssyncadd.s32 $0xFFFEFF00  }
0x1e0: {  	_ = 	snop  }
.LBB2_17:
0x1e1: {  	_ =	sfence.sel $0x180000  }
0x1e2: {  	[bflag:$0x0] =	sbarrier.arrive $0xFFFF  }
0x1e3: {  	p0 =	sne.s32 s1, $0x0;
	_ =	strace $0x9000004A  }
0x1e4: {  	s0 =	sadd.s32 @!p0 $0x100000, s0;
	[bflag:$0x2] =	sbarrier.arrive $0xFFFF  }
0x1e5: {  	[sflag:s0] =	ssyncadd.tile.s32 @!p0 $0x1;
	_ =	shalt  }
.Lfunc_end2:
_tile_overlayer_lowered:
.L_overlay_start_2:
0x1e6: {  	(tag) =	ssettag $0x2  }
0x1e7: {  	s0 =	rddreg [dreg:$0x0];
	s2 =	stileid.u32  }
0x1e8: {  	s1 =	rddreg [dreg:$0x1];
	p0 =	sne.s32 s2, $0x0  }
0x1e9: {  	s3 =	rddreg [dreg:$0x2];
	[bflag:$0x3] =	sbarrier.arrive $0xFFFF;
	s2 =	simm.s32 @!p0 $0x1C03  }
0x1ea: {  	[timem:s3], [sflag:s2] =	dma.local @!p0 [hbm:s0], s1  }
0x1eb: {  	s0 =	simm.s32 @!p0 $0x3  }
0x1ec: {  	_ =	swait.ge @!p0 [sflag:s0], s1  }
0x1ed: {  	s1 =	ssub.s32 @!p0 $0x0, s1;
	[sflag:s0] =	ssyncset.done @!p0 $0x0  }
0x1ee: {  	[sflag:s0] =	ssyncadd.s32 @!p0 s1  }
0x1ef: {  	[bflag:$0x3] =	sbarrier.arrive $0xFFFF  }
0x1f0: {  	_ =	shalt  }

// kernel: sparse-core-data-format-call.1.cloned.1.call-start
scs
called_computation.1_lowered:
.L_overlay_start_0:
0x0: {  	s2 =	sld [smem:$0x3FD9]  }
0x1: {  	s3 =	sld [smem:$0x3FFE];
	_ =	sdelay $0x1  }
0x2: {  	s1 =	srdreg.scid  }
0x3: {  	s0 =	sand.u32 $0x1, s1  }
0x4: {  	s18 =	sshll.u32 s0, $0xA;
	s2 =	sadd.s32 s3, s2  }
0x5: {  	s2 =	sadd.s32 s2, s18  }
0x6: {  	[smem:$0x3FC5] =	sst s2  }
0x7: {  	_ = 	snop  }
0x8: {  	s2 =	sld [smem:$0x3FC9];
	(tm) =	ssettm $0x1  }
0x9: {  	s19 =	sld [smem:$0x3FFB];
	_ =	sdelay $0x3  }
0xa: {  	_ =	strace s19  }
0xb: {  	s3 =	sld [smem:$0x3FFC];
	_ =	sdelay $0x3  }
0xc: {  	_ =	strace s3  }
0xd: {  	s3 =	sld [smem:$0x3FFD];
	_ =	sdelay $0x3  }
0xe: {  	_ =	strace s3  }
0xf: {  	_ =	strace $0x8FFFFFFF  }
0x10: {  	s20 =	sld [smem:$0x3FDB];
	_ =	sdelay $0x1  }
0x11: {  	s4 =	simm.s32 $_scs_section_size  }
0x12: {  	s5 =	simm.s32 $_size__tile_overlayer_lowered;
	s6 =	simm.s32 $_tile_overlayer_lowered  }
0x13: {  	s23 =	simm.s32 $0x1BFF;
	s22 =	sshll.u32 s6, $0x1;
	s3 =	sadd.s32 s4, s20  }
0x14: {  	s7 =	simm.s32 $0x0;
	s21 =	sshll.u32 s5, $0x1;
	s5 =	sadd.s32 s22, s3  }
0x15: {  	[timem:s7], [sflag:s23] =	dma.local [hbm:s5], s21  }
0x16: {  	_ =	swait.ge [sflag:s23], s21  }
0x17: {  	s4 =	ssub.s32 $0x0, s21;
	[sflag:s23] =	ssyncset.done $0x0  }
0x18: {  	[sflag:s23] =	ssyncadd.s32 s4;
	_ =	sdelay $0x1  }
0x19: {  	s24 =	simm.s32 $0x1B8B  }
0x1a: {  	_ =	swait.ge [sflag:s24], $0x1  }
0x1b: {  	[sflag:s24] =	ssyncset.done $0x0  }
0x1c: {  	s26 =	simm.s32 $0x1B8E;
	s25 =	sld [smem:$0x3FFE];
	[sflag:s24] =	ssyncadd.s32 $0xFFFFFFFF  }
0x1d: {  	s27 =	simm.s32 $execute0_lowered;
	[smem:$0x3FD2] =	sst s26  }
0x1e: {  	s5 =	sshll.u32 s27, $0x1;
	_ =	strace $0x80000046;
	[dreg:$0x1] =	wrdreg $0xFFFFFFFF  }
0x1f: {  	s28 =	simm.s32 $_size_execute0_lowered;
	s3 =	sadd.s32 s3, s5;
	[dreg:$0x0] =	wrdreg $0x0  }
0x20: {  	s5 =	sshll.u32 s28, $0x1;
	[dreg:$0x2] =	wrdreg s3  }
0x21: {  	[dreg:$0x3] =	wrdreg s5  }
0x22: {  	[dreg:$0x4] =	wrdreg $0xC0  }
0x23: {  	_ =	task [dreg:s7], $0x5FFFF  }
0x24: {  	[dreg:$0x1] =	wrdreg $0xFFFFFFFF  }
0x25: {  	[dreg:$0x0] =	wrdreg $0x60  }
0x26: {  	[dreg:$0x2] =	wrdreg s2  }
0x27: {  	[dreg:$0x3] =	wrdreg s25  }
0x28: {  	[dreg:$0x4] =	wrdreg $0x9  }
0x29: {  	_ =	task.clear_ibuf [dreg:s7], $0x5FFFF;
	_ =	strace $0x90000046  }
0x2a: {  	s29 =	simm.s32 $0x9;
	_ =	strace $0x80000048  }
0x2b: {  	_ =	swait.ge [sflag:s29], $0x1  }
0x2c: {  	[sflag:s29] =	ssyncadd.s32 $0xFFFFFFFF  }
0x2d: {  	_ =	strace $0x90000048  }
0x2e: {  	_ =	sfence  }
0x2f: {  	s30 =	sld [smem:$0x0];
	_ =	sdelay $0x2  }
0x30: {  	s31 =	sshll.u32 s1, $0xD;
	s1 =	sshrl.u32 s1, $0x2  }
0x31: {  	s3 =	sand.u32 $0x4000, s31;
	s1 =	sadd.s32 s1, s30  }
0x32: {  	s0 =	sor.u32 s3, s0;
	s1 =	sshll.u32 s1, $0x11  }
0x33: {  	s0 =	sor.u32 s1, s0  }
0x34: {  	s0 =	sadd.s32 $0x8F2B, s0  }
0x35: {  	[sflag:s0] =	ssyncadd.remote.s32 $0x1  }
0x36: {  	_ =	sfence.sel $0xFFFF  }
0x37: {  	[dreg:$0x0] =	wrdreg $0xFFFFFFFF;
	(pc) =	sbr.abs _section_cstart, $3  }
0x38: {  	[dreg:$0x1] =	wrdreg $0xFFFFFFFF  }
0x39: {  	_ =	task.clear_ibuf [dreg:s7], $0x2FFFF;
	_ =	strace $0x9FFFFFFF  }
0x3a: {  	(tm) =	ssettm $0x7FFFFFFF  }
0x3b: {  	_ =	shalt  }
tec
execute0_lowered:
.L_overlay_start_1:
0x0: {  	(tag) =	ssettag $0x1  }
0x1: {  	s0 =	srdreg.scid  }
0x2: {  	s1 =	sshll.u32 s0, $0x4  }
0x3: {  	s0 =	stileid.u32;
	s1 =	sand.u32 $0x10, s1  }
0x4: {  	s3 =	rddreg [dreg:$0x0];
	s1 =	sor.u32 s0, s1  }
0x5: {  	s6 =	rddreg [dreg:$0x1];
	s2 =	sshll.u32 s1, $0x7  }
0x6: {  	s7 =	simm.s32 $0x2;
	s13 =	simm.s32 $0x0;
	s1 =	ssub.s32 $0x2000, s2  }
0x7: {  	s8 =	simm.s32 $0x8400;
	s12 =	simm.s32 $0x0;
	s4 =	sand.u32 $0xF80, s1  }
0x8: {  	s10 =	simm.s32 $0x0;
	p0 =	sne.s32 s4, $0x0;
	s4 =	simm.s32 $0x1  }
.Ltmp0:
0x9: {  	s5 =	sshrl.u32 s1, $0xC;
	s4 =	simm.s32 @!p0 $0x0;
	(pc) =	sbr.rel .LBB1_1-.Ltmp0, $4  }
0xa: {  	s11 =	simm.s32 $0x0;
	s1 =	rddreg [dreg:$0x2];
	s5 =	sadd.s32 s4, s5  }
0xb: {  	_ =	strace $0x80000047;
	s4 =	simm.s32 $0x1;
	s5 =	smul.u32 $0x21, s5  }
0xc: {  	s6 =	sadd.s32 $0xE00, s6;
	s9 =	smov.u32 s2;
	[sflag:s4] =	ssyncpa.u1 $0x0  }
0xd: {  	p0 =	por $0x0, $0x0;
	[sflag:s7] =	ssyncpa.u1 $0x0;
	s7 =	sadd.s32 $0x1, s5  }
.LBB1_4:
0xe: {  	s19 =	sshrl.u32 s13, $0x3  }
0xf: {  	s20 =	sshll.u32 s12, $0x3;
	s19 =	smul.u32 $0x8400, s19  }
0x10: {  	s29 =	sshll.u32 s13, $0x7;
	s20 =	sand.u32 $0xFFFFFC00, s20  }
0x11: {  	v5 =	vld [tilespmem:s17+$0xFFFFFFD0];
	[tilespmem:s16+$0x2040 ss:$0x81] =	vst.msk $0xffff, v4;
	s13 =	sand.u32 $0x380, s29;
	s19 =	sadd.s32 s20, s19  }
0x12: {  	v58 =	vld [tilespmem:s17+$0xFFFFFFE0];
	[tilespmem:s16+$0x2850 ss:$0x81] =	vst.msk $0xffff, v3;
	s30 =	sand.u32 $0x7F, s12;
	s13 =	sor.u32 s13, s19  }
0x13: {  	s18 =	sshra.s32 s18, $0x2;
	v59 =	vld [tilespmem:s17+$0xFFFFFFF0];
	[tilespmem:s16+$0x3060 ss:$0x81] =	vst.msk $0xffff, v2;
	s12 =	sor.u32 s30, s13  }
0x14: {  	v60 =	vld [tilespmem:s17+$0x0];
	[tilespmem:s16+$0x0 ss:$0x81] =	vst.msk $0xffff, v0;
	s15 =	sadd.s32 s18, s15;
	s31 =	smulhi.u32 $0x3E0F83E1, s12  }
0x15: {  	v61 =	vld [tilespmem:s17+$0x10];
	[tilespmem:s15+$0x3870 ss:$0x81] =	vst.msk $0xffff, v1  }
0x16: {  	v62 =	vld [tilespmem:s17+$0x20];
	[tilespmem:s15+$0x810 ss:$0x81] =	vst.msk $0xffff, v5;
	s13 =	smulhi.u32 $0x3E0F83E1, s13;
	s16 =	sshrl.u32 s31, $0xA  }
0x17: {  	v63 =	vld [tilespmem:s17+$0xFFFFFFC0];
	[tilespmem:s15+$0x1020 ss:$0x81] =	vst.msk $0xffff, v58;
	s16 =	smul.u32 $0x1080, s16  }
0x18: {  	[tilespmem:s15+$0x1830 ss:$0x81] =	vst.msk $0xffff, v59;
	s13 =	sshrl.u32 s13, $0xA  }
0x19: {  	[tilespmem:s15+$0x2040 ss:$0x81] =	vst.msk $0xffff, v60;
	s13 =	sand.u32 $0x1FFF, s13;
	s12 =	ssub.s32 s12, s16  }
0x1a: {  	[tilespmem:s15+$0x2850 ss:$0x81] =	vst.msk $0xffff, v61;
	s13 =	smul.u32 $0x210, s13;
	s16 =	sshrl.u32 s12, $0x3;
	s12 =	sand.u32 $0x7, s12  }
0x1b: {  	[tilespmem:s15+$0x3060 ss:$0x81] =	vst.msk $0xffff, v62;
	s16 =	sadd.s32 s6, s16;
	s12 =	sshll.u32 s12, $0x12  }
0x1c: {  	[tilespmem:s15+$0x0 ss:$0x81] =	vst.msk $0xffff, v63;
	s13 =	sadd.s32 s13, s16;
	s12 =	sor.u32 $0x400, s12  }
0x1d: {  	[hbm4b:s13+s12] =	stream.strided.scatter [tilespmem:s14], [sflag:$0x2], $0x4000, s8, s12, $0x20;
	[tilespmem:$0x10100] =	vst v63  }
.LBB1_5:
0x1e: {  	s14 =	sadd.s32 $0x1000, s9  }
0x1f: {  	s12 =	sadd.s32 $0x80, s10;
	s16 =	smov.u32 s10;
	p2 =	sgt.s32 s14, $0x1FFF  }
0x20: {  	s16 =	smov.u32 @p2 s12  }
0x21: {  	s14 =	smov.u32 @p2 s2;
	p2 =	sgt.s32 s16, $0x100F  }
0x22: {  	s16 =	simm.s32 @p2 $0x0;
	p2 =	sne.s32 s11, s7  }
.Ltmp1:
0x23: {  	p1 =	slt.u32 s11, $0x2;
	(pc) =	sbr.rel @!p2 .LBB1_6-.Ltmp1, $4  }
0x24: {  	s15 =	simm.s32 @!p1 $0x2  }
0x25: {  	s13 =	smov.u32 s9;
	p0 =	por !p0, !p0;
	_ =	swait.ge @!p1 [sflag:s15], $0x4000  }
0x26: {  	s12 =	smov.u32 s10;
	[sflag:s15] =	ssyncset.done @!p1 $0x0;
	s9 =	smov.u32 s14  }
0x27: {  	s11 =	sadd.s32 $0x1, s11;
	[sflag:s15] =	ssyncadd.s32 @!p1 $0xFFFFC000;
	s10 =	smov.u32 s16  }
.LBB1_1:
0x28: {  	p1 =	sge.u32 s11, s5;
	s17 =	smov.u32 s10  }
0x29: {  	s14 =	sshll.u32 @!p1 s10, $0xD;
	s15 =	sand.u32 @!p1 $0x78, s9;
	p2 =	sgt.s32 @!p1 s10, $0xF90  }
0x2a: {  	s16 =	sshll.u32 @!p1 s9, $0x3;
	s18 =	sshra.s32 @!p1 s10, $0x1F;
	s20 =	sshra.s32 @!p1 s9, $0x1F  }
0x2b: {  	s14 =	sand.u32 @!p1 $0xFFFF0000, s14;
	p2 =	por !p2, p1;
	s18 =	sand.u32 @!p1 s18, s10  }
0x2c: {  	s20 =	sand.u32 @!p1 s20, s9;
	s17 =	simm.s32 @p2 $0xF90;
	p2 =	sgt.s32 @!p1 s9, $0x1F80  }
0x2d: {  	s14 =	sadd.s32 @!p1 s14, s16;
	s16 =	sand.u32 @!p1 $0x1C00, s16;
	s17 =	ssub.s32 @!p1 s17, s18  }
0x2e: {  	p2 =	por !p2, p1;
	s18 =	smov.u32 s9;
	s14 =	sshrl.u32 @!p1 s14, $0xD  }
0x2f: {  	s19 =	sadd.s32 @!p1 $0xFFFFF070, s17;
	s18 =	simm.s32 @p2 $0x1F80;
	s17 =	ssub.s32 @!p1 $0x1010, s17  }
0x30: {  	p2 =	sgt.s32 @!p1 s19, $0x7F;
	s19 =	sshll.u32 @!p1 s10, $0x7;
	s18 =	ssub.s32 @!p1 s18, s20  }
0x31: {  	s19 =	sand.u32 @!p1 $0x380, s19;
	p2 =	por !p2, p1;
	s20 =	sadd.s32 @!p1 $0xFFFFE080, s18  }
0x32: {  	s17 =	simm.s32 @!p2 $0x0;
	p2 =	sgt.s32 @!p1 s20, $0x7F;
	s20 =	smulhi.u32 @!p1 $0xFF010, s14  }
0x33: {  	s18 =	ssub.s32 @!p1 $0x2000, s18;
	s15 =	sor.u32 @!p1 s19, s15;
	p2 =	por !p2, p1  }
0x34: {  	s15 =	sor.u32 @!p1 s16, s15;
	s20 =	smul.u32 @!p1 $0x1010, s20;
	s18 =	simm.s32 @!p2 $0x0  }
0x35: {  	s19 =	sxor.u32 @!p1 $0xFFFFFFFF, s11;
	s15 =	sshrl.u32 @!p1 s15, $0x3;
	s17 =	smul.u32 @!p1 s17, s18  }
0x36: {  	s31 =	sadd.s32 $0xFFFFFFFF, s11;
	s18 =	sshll.u32 @!p1 s19, $0xE;
	s15 =	sadd.s32 @!p1 s3, s15  }
0x37: {  	s14 =	ssub.s32 @!p1 s14, s20;
	s16 =	sand.u32 @!p1 $0x3FFFFFFF, s17;
	s17 =	sand.u32 @!p1 $0x7, s9  }
0x38: {  	s18 =	sand.u32 @!p1 $0x4000, s18;
	s14 =	sshll.u32 @!p1 s14, $0xA;
	s17 =	sshll.u32 @!p1 s17, $0x12  }
0x39: {  	s14 =	sadd.s32 @!p1 s14, s15;
	s15 =	sor.u32 @!p1 $0x400, s17;
	s17 =	simm.s32 @!p1 $0x10000  }
0x3a: {  	[tilespmem:s18], [sflag:$0x1] =	stream.strided.gather @!p1 [hbm4b:s14+s15], s16, s17, s15, $0x38;
	[tilespmem:$0x10100] =	vst v63  }
0x3b: {  	p1 =	sge.u32 s31, s5  }
.Ltmp2:
0x3c: {  	_ = 	snop;
	(pc) =	sbr.rel @p1 .LBB1_5-.Ltmp2, $1  }
0x3d: {  	_ =	sdelay $0x3  }
0x3e: {  	p1 =	sgt.s32 s12, $0xF90  }
0x3f: {  	s14 =	smov.u32 s12;
	s15 =	sshra.s32 s12, $0x1F;
	s16 =	smov.u32 s13  }
0x40: {  	s17 =	sshra.s32 s13, $0x1F;
	s14 =	simm.s32 @!p1 $0xF90;
	p1 =	sgt.s32 s13, $0x1F80  }
0x41: {  	s15 =	sand.u32 s15, s12;
	s26 =	sand.u32 s17, s13;
	s16 =	simm.s32 @!p1 $0x1F80  }
0x42: {  	s14 =	ssub.s32 s14, s15;
	s15 =	ssub.s32 s16, s26  }
0x43: {  	s27 =	sadd.s32 $0xFFFFF070, s14;
	s14 =	ssub.s32 $0x1010, s14;
	s16 =	sadd.s32 $0xFFFFE080, s15  }
0x44: {  	p1 =	sgt.s32 s27, $0x7F;
	s15 =	ssub.s32 $0x2000, s15;
	p2 =	sgt.s32 s16, $0x7F  }
0x45: {  	s14 =	simm.s32 @p1 $0x0;
	s15 =	simm.s32 @p2 $0x0  }
0x46: {  	s14 =	smul.u32 s14, s15;
	_ =	sdelay $0x1  }
0x47: {  	s15 =	simm.s32 $0x1;
	s14 =	sand.u32 $0x3FFFFFFF, s14  }
0x48: {  	s15 =	simm.s32 @!p0 $0x0;
	_ =	swait.ge [sflag:s4], s14  }
0x49: {  	s28 =	sshll.u32 s15, $0xE;
	s14 =	ssub.s32 $0x0, s14;
	[sflag:s4] =	ssyncset.done $0x0  }
0x4a: {  	s29 =	sor.u32 $0x40, s28;
	[sflag:s4] =	ssyncadd.s32 s14  }
0x4b: {  	s30 =	smul.u32 $0x10200, s15;
	v0 =	vld [tilespmem:s29+$0x30]  }
0x4c: {  	v1 =	vld [tilespmem:s29+$0xFFFFFFD0]  }
0x4d: {  	s14 =	sshrl.u32 s30, $0x2;
	v5 =	vld [tilespmem:s29+$0xFFFFFFE0]  }
0x4e: {  	s15 =	sor.u32 $0x8000, s14;
	v6 =	vld [tilespmem:s29+$0xFFFFFFF0]  }
0x4f: {  	s31 =	sand.u32 $0x1, s11;
	v4 =	vld [tilespmem:s29+$0x0];
	s16 =	sadd.s32 $0x0, s15  }
0x50: {  	s14 =	smul.u32 $0x10200, s31;
	v3 =	vld [tilespmem:s29+$0x10];
	[tilespmem:s16+$0x3870 ss:$0x81] =	vst.msk $0xffff, v0  }
0x51: {  	v2 =	vld [tilespmem:s29+$0x20];
	[tilespmem:s16+$0x810 ss:$0x81] =	vst.msk $0xffff, v1  }
0x52: {  	s17 =	sadd.s32 $0x80, s29;
	s14 =	sshrl.u32 s14, $0x2;
	v0 =	vld [tilespmem:s29+$0xFFFFFFC0];
	[tilespmem:s16+$0x1020 ss:$0x81] =	vst.msk $0xffff, v5  }
0x53: {  	s18 =	simm.s32 $0x4;
	s19 =	simm.s32 $0x8;
	s14 =	sor.u32 $0x8000, s14;
	v1 =	vld [tilespmem:s17+$0x30];
	[tilespmem:s16+$0x1830 ss:$0x81] =	vst.msk $0xffff, v6  }
.LBB1_3:
0x54: {  	p1 =	sne.s32 s19, $0x1FC;
	v5 =	vld [tilespmem:s17+$0xFFFFFFD0];
	[tilespmem:s16+$0x2040 ss:$0x81] =	vst.msk $0xffff, v4  }
0x55: {  	v6 =	vld [tilespmem:s17+$0xFFFFFFE0];
	[tilespmem:s16+$0x2850 ss:$0x81] =	vst.msk $0xffff, v3  }
0x56: {  	s20 =	sshra.s32 s18, $0x2;
	s18 =	smov.u32 s19;
	v7 =	vld [tilespmem:s17+$0xFFFFFFF0];
	[tilespmem:s16+$0x3060 ss:$0x81] =	vst.msk $0xffff, v2  }
.Ltmp3:
0x57: {  	v4 =	vld [tilespmem:s17+$0x0];
	[tilespmem:s16+$0x0 ss:$0x81] =	vst.msk $0xffff, v0;
	s16 =	sadd.s32 s20, s15;
	(pc) =	sbr.rel @p1 .LBB1_3-.Ltmp3, $4  }
0x58: {  	v3 =	vld [tilespmem:s17+$0x10];
	[tilespmem:s16+$0x3870 ss:$0x81] =	vst.msk $0xffff, v1  }
0x59: {  	[tilespmem:s16+$0x810 ss:$0x81] =	vst.msk $0xffff, v5;
	v2 =	vld [tilespmem:s17+$0x20]  }
0x5a: {  	v0 =	vld [tilespmem:s17+$0xFFFFFFC0];
	[tilespmem:s16+$0x1020 ss:$0x81] =	vst.msk $0xffff, v6;
	s17 =	sadd.s32 $0x80, s17  }
0x5b: {  	s19 =	sadd.s32 $0x4, s19;
	v1 =	vld [tilespmem:s17+$0x30];
	[tilespmem:s16+$0x1830 ss:$0x81] =	vst.msk $0xffff, v7  }
.Ltmp4:
0x5c: {  	_ = 	snop;
	(pc) =	sbr.rel .LBB1_4-.Ltmp4, $1  }
0x5d: {  	_ =	sdelay $0x3  }
.LBB1_6:
0x5e: {  	_ =	sfence.sel $0x180000  }
0x5f: {  	s2 =	simm.s32 $0x1;
	[bflag:$0x0] =	sbarrier.arrive $0xFFFF  }
0x60: {  	s31 =	simm.s32 $0x2;
	[sflag:s2] =	ssyncpa.u1 $0x1  }
0x61: {  	[sflag:s31] =	ssyncpa.u1 $0x1  }
0x62: {  	p0 =	sne.s32 s0, $0x0;
	_ =	strace $0x90000047  }
0x63: {  	s0 =	sadd.s32 @!p0 $0x100000, s1;
	[bflag:$0x2] =	sbarrier.arrive $0xFFFF  }
0x64: {  	[sflag:s0] =	ssyncadd.tile.s32 @!p0 $0x1;
	_ =	shalt  }
.Lfunc_end1:
_tile_overlayer_lowered:
.L_overlay_start_2:
0x65: {  	(tag) =	ssettag $0x2  }
0x66: {  	s0 =	rddreg [dreg:$0x0];
	s2 =	stileid.u32  }
0x67: {  	s1 =	rddreg [dreg:$0x1];
	p0 =	sne.s32 s2, $0x0  }
0x68: {  	s3 =	rddreg [dreg:$0x2];
	[bflag:$0x3] =	sbarrier.arrive $0xFFFF;
	s2 =	simm.s32 @!p0 $0x1C01  }
0x69: {  	[timem:s3], [sflag:s2] =	dma.local @!p0 [hbm:s0], s1  }
0x6a: {  	s0 =	simm.s32 @!p0 $0x1  }
0x6b: {  	_ =	swait.ge @!p0 [sflag:s0], s1  }
0x6c: {  	s1 =	ssub.s32 @!p0 $0x0, s1;
	[sflag:s0] =	ssyncset.done @!p0 $0x0  }
0x6d: {  	[sflag:s0] =	ssyncadd.s32 @!p0 s1  }
0x6e: {  	[bflag:$0x3] =	sbarrier.arrive $0xFFFF  }
0x6f: {  	_ =	shalt  }

// kernel: sparse-core-data-format-call.cloned.1.call-start
scs
called_computation_lowered:
.L_overlay_start_0:
0x0: {  	s1 =	sld [smem:$0x3FD9]  }
0x1: {  	s2 =	sld [smem:$0x3FFE];
	_ =	sdelay $0x1  }
0x2: {  	s3 =	srdreg.scid  }
0x3: {  	s0 =	sand.u32 $0x1, s3  }
0x4: {  	s17 =	sshll.u32 s0, $0xA;
	s1 =	sadd.s32 s2, s1  }
0x5: {  	s1 =	sadd.s32 s1, s17  }
0x6: {  	[smem:$0x3FC5] =	sst s1  }
0x7: {  	_ = 	snop  }
0x8: {  	(tm) =	ssettm $0x1  }
0x9: {  	s18 =	sld [smem:$0x3FFB];
	_ =	sdelay $0x3  }
0xa: {  	_ =	strace s18  }
0xb: {  	s1 =	sld [smem:$0x3FFC];
	_ =	sdelay $0x3  }
0xc: {  	_ =	strace s1  }
0xd: {  	s1 =	sld [smem:$0x3FFD];
	_ =	sdelay $0x3  }
0xe: {  	_ =	strace s1  }
0xf: {  	_ =	strace $0x8FFFFFFF  }
0x10: {  	s19 =	sld [smem:$0x3FDB];
	_ =	sdelay $0x1  }
0x11: {  	s20 =	simm.s32 $_scs_section_size  }
0x12: {  	s4 =	simm.s32 $_size__tile_overlayer_lowered;
	s5 =	simm.s32 $_tile_overlayer_lowered  }
0x13: {  	s23 =	simm.s32 $0x1BFF;
	s22 =	sshll.u32 s5, $0x1;
	s1 =	sadd.s32 s20, s19  }
0x14: {  	s6 =	simm.s32 $0x0;
	s21 =	sshll.u32 s4, $0x1;
	s4 =	sadd.s32 s22, s1  }
0x15: {  	[timem:s6], [sflag:s23] =	dma.local [hbm:s4], s21  }
0x16: {  	_ =	swait.ge [sflag:s23], s21  }
0x17: {  	s2 =	ssub.s32 $0x0, s21;
	[sflag:s23] =	ssyncset.done $0x0  }
0x18: {  	[sflag:s23] =	ssyncadd.s32 s2;
	_ =	sdelay $0x1  }
0x19: {  	s24 =	simm.s32 $0x1B8B  }
0x1a: {  	_ =	swait.ge [sflag:s24], $0x1  }
0x1b: {  	[sflag:s24] =	ssyncset.done $0x0  }
0x1c: {  	s26 =	simm.s32 $0x1B8E;
	s25 =	sld [smem:$0x3FFE];
	[sflag:s24] =	ssyncadd.s32 $0xFFFFFFFF  }
0x1d: {  	s27 =	simm.s32 $execute0_lowered;
	[smem:$0x3FD2] =	sst s26  }
0x1e: {  	s4 =	sshll.u32 s27, $0x1;
	_ =	strace $0x8000004C;
	[dreg:$0x1] =	wrdreg $0xFFFFFFFF  }
0x1f: {  	s28 =	simm.s32 $_size_execute0_lowered;
	s1 =	sadd.s32 s1, s4;
	[dreg:$0x0] =	wrdreg $0x0  }
0x20: {  	s4 =	sshll.u32 s28, $0x1;
	[dreg:$0x2] =	wrdreg s1  }
0x21: {  	[dreg:$0x3] =	wrdreg s4  }
0x22: {  	[dreg:$0x4] =	wrdreg $0xC0  }
0x23: {  	_ =	task [dreg:s6], $0x5FFFF  }
0x24: {  	[dreg:$0x1] =	wrdreg $0xFFFFFFFF  }
0x25: {  	[dreg:$0x0] =	wrdreg $0x60  }
0x26: {  	[dreg:$0x2] =	wrdreg s25  }
0x27: {  	[dreg:$0x3] =	wrdreg $0x9  }
0x28: {  	_ =	task.clear_ibuf [dreg:s6], $0x4FFFF;
	_ =	strace $0x9000004C  }
0x29: {  	s29 =	simm.s32 $0x9;
	_ =	strace $0x8000004E  }
0x2a: {  	_ =	swait.ge [sflag:s29], $0x1  }
0x2b: {  	[sflag:s29] =	ssyncadd.s32 $0xFFFFFFFF  }
0x2c: {  	_ =	strace $0x9000004E  }
0x2d: {  	_ =	sfence  }
0x2e: {  	s30 =	sld [smem:$0x0];
	_ =	sdelay $0x2  }
0x2f: {  	s31 =	sshll.u32 s3, $0xD;
	s3 =	sshrl.u32 s3, $0x2  }
0x30: {  	s2 =	sand.u32 $0x4000, s31;
	s1 =	sadd.s32 s3, s30  }
0x31: {  	s0 =	sor.u32 s2, s0;
	s1 =	sshll.u32 s1, $0x11  }
0x32: {  	s0 =	sor.u32 s1, s0  }
0x33: {  	s0 =	sadd.s32 $0x8F2B, s0  }
0x34: {  	[sflag:s0] =	ssyncadd.remote.s32 $0x1  }
0x35: {  	_ =	sfence.sel $0xFFFF  }
0x36: {  	[dreg:$0x0] =	wrdreg $0xFFFFFFFF;
	(pc) =	sbr.abs _section_cstart, $3  }
0x37: {  	[dreg:$0x1] =	wrdreg $0xFFFFFFFF  }
0x38: {  	_ =	task.clear_ibuf [dreg:s6], $0x2FFFF;
	_ =	strace $0x9FFFFFFF  }
0x39: {  	(tm) =	ssettm $0x7FFFFFFF  }
tec
execute0_lowered:
.L_overlay_start_1:
0x0: {  	(tag) =	ssettag $0x1  }
0x1: {  	s0 =	srdreg.scid  }
0x2: {  	s1 =	sshll.u32 s0, $0x4  }
0x3: {  	s0 =	stileid.u32;
	s1 =	sand.u32 $0x10, s1  }
0x4: {  	s6 =	rddreg [dreg:$0x0];
	s4 =	simm.s32 $0x1;
	s1 =	sor.u32 s0, s1  }
0x5: {  	s7 =	simm.s32 $0x2;
	s15 =	simm.s32 $0x0;
	s2 =	sshll.u32 s1, $0x7  }
0x6: {  	s8 =	simm.s32 $0x10000;
	s14 =	simm.s32 $0x0;
	s3 =	ssub.s32 $0x2000, s2  }
0x7: {  	s9 =	simm.s32 $0x0;
	s10 =	simm.s32 $0x0;
	s31 =	sand.u32 $0xF80, s3  }
0x8: {  	s11 =	simm.s32 $0x0;
	s1 =	rddreg [dreg:$0x1];
	p0 =	sne.s32 s31, $0x0  }
.Ltmp0:
0x9: {  	s5 =	sshrl.u32 s3, $0xC;
	s4 =	simm.s32 @!p0 $0x0;
	(pc) =	sbr.rel .LBB1_1-.Ltmp0, $4  }
0xa: {  	_ =	strace $0x8000004D;
	s3 =	simm.s32 $0x1;
	s4 =	sadd.s32 s4, s5  }
0xb: {  	s13 =	simm.s32 $0x0;
	[sflag:s3] =	ssyncpa.u1 $0x0;
	s4 =	smul.u32 $0x11, s4  }
0xc: {  	s12 =	smov.u32 s2;
	[sflag:s7] =	ssyncpa.u1 $0x0;
	p0 =	por $0x0, $0x0  }
0xd: {  	s5 =	sadd.s32 $0xE00, s6;
	s6 =	sadd.s32 $0x220E00, s6;
	s7 =	sadd.s32 $0x1, s4  }
.LBB1_4:
0xe: {  	s20 =	sshra.s32 s20, $0x2  }
0xf: {  	s28 =	sand.u32 $0x78, s10;
	s21 =	sshll.u32 s9, $0xD;
	s22 =	sshll.u32 s10, $0x3  }
0x10: {  	s24 =	sshll.u32 s9, $0x7;
	p1 =	sgt.s32 s9, $0x788;
	s30 =	sshra.s32 s9, $0x1F  }
0x11: {  	s26 =	sshra.s32 s10, $0x1F;
	s19 =	sadd.s32 s20, s19;
	s21 =	sand.u32 $0xFFFF0000, s21  }
0x12: {  	v5 =	vld [tilespmem:s17+$0xFFFFFFD0];
	[tilespmem:s18+$0x2040 ss:$0x81] =	vst.msk $0xffff, v4;
	s23 =	sand.u32 $0xFFFFFC00, s22;
	s29 =	sand.u32 $0x380, s24;
	s22 =	sand.u32 $0x1C00, s22  }
0x13: {  	v58 =	vld [tilespmem:s17+$0xFFFFFFE0];
	[tilespmem:s18+$0x2850 ss:$0x81] =	vst.msk $0xffff, v3;
	s21 =	sadd.s32 s23, s21;
	s20 =	sor.u32 s28, s22;
	s22 =	smov.u32 s9  }
0x14: {  	v59 =	vld [tilespmem:s17+$0xFFFFFFF0];
	[tilespmem:s18+$0x3060 ss:$0x81] =	vst.msk $0xffff, v2;
	s24 =	sand.u32 s30, s9;
	s21 =	sshrl.u32 s21, $0xD;
	s22 =	simm.s32 @!p1 $0x788  }
0x15: {  	v60 =	vld [tilespmem:s17+$0x0];
	[tilespmem:s18+$0x0 ss:$0x81] =	vst.msk $0xffff, v1;
	p1 =	sgt.s32 s10, $0x1F80;
	s31 =	ssub.s32 s22, s24;
	s22 =	smov.u32 s10  }
0x16: {  	v61 =	vld [tilespmem:s17+$0x10];
	[tilespmem:s19+$0x3870 ss:$0x81] =	vst.msk $0xffff, v0;
	s25 =	smulhi.u32 $0x1FE020, s21;
	s24 =	sand.u32 s26, s10;
	s22 =	simm.s32 @!p1 $0x1F80  }
0x17: {  	v62 =	vld [tilespmem:s17+$0x20];
	s20 =	sor.u32 s29, s20;
	[tilespmem:s19+$0x810 ss:$0x81] =	vst.msk $0xffff, v5;
	s27 =	sadd.s32 $0xFFFFF878, s31;
	s22 =	ssub.s32 s22, s24  }
0x18: {  	v63 =	vld [tilespmem:s17+$0xFFFFFFC0];
	[tilespmem:s19+$0x1020 ss:$0x81] =	vst.msk $0xffff, v58;
	s18 =	ssub.s32 $0x808, s31;
	s28 =	smul.u32 $0x808, s25;
	s29 =	sadd.s32 $0xFFFFE080, s22  }
0x19: {  	[tilespmem:s19+$0x1830 ss:$0x81] =	vst.msk $0xffff, v59;
	p1 =	sgt.s32 s27, $0x7F;
	s22 =	ssub.s32 $0x2000, s22;
	p2 =	sgt.s32 s29, $0x7F  }
0x1a: {  	s30 =	sand.u32 $0x7, s10;
	[tilespmem:s19+$0x2040 ss:$0x81] =	vst.msk $0xffff, v60;
	s18 =	simm.s32 @p1 $0x0;
	s22 =	simm.s32 @p2 $0x0  }
0x1b: {  	s20 =	sshrl.u32 s20, $0x3;
	[tilespmem:s19+$0x2850 ss:$0x81] =	vst.msk $0xffff, v61;
	s17 =	ssub.s32 s21, s28;
	s18 =	smul.u32 s22, s18  }
0x1c: {  	[tilespmem:s19+$0x3060 ss:$0x81] =	vst.msk $0xffff, v62;
	s20 =	sadd.s32 s6, s20;
	s21 =	sshll.u32 s30, $0x12;
	s17 =	sshll.u32 s17, $0xA  }
0x1d: {  	[tilespmem:s19+$0x0 ss:$0x81] =	vst.msk $0xffff, v63;
	s31 =	sor.u32 $0x400, s21;
	s17 =	sadd.s32 s17, s20;
	s18 =	sand.u32 $0x3FFFFFFF, s18  }
0x1e: {  	[hbm4b:s17+s31] =	stream.strided.scatter [tilespmem:s16], [sflag:$0x2], s18, s8, s31, $0x20;
	[tilespmem:$0x10100] =	vst v63  }
.LBB1_5:
0x1f: {  	p1 =	slt.u32 s13, $0x2  }
0x20: {  	s17 =	smov.u32 s15;
	p2 =	sgt.s32 @!p1 s15, $0x788;
	s16 =	sshra.s32 @!p1 s15, $0x1F  }
0x21: {  	p3 =	sgt.s32 @!p1 s14, $0x1F80;
	s18 =	sshra.s32 @!p1 s14, $0x1F;
	p2 =	por !p2, p1  }
0x22: {  	s15 =	sand.u32 @!p1 s16, s15;
	p3 =	por !p3, p1;
	s16 =	smov.u32 s14  }
0x23: {  	s14 =	sand.u32 @!p1 s18, s14;
	s17 =	simm.s32 @p2 $0x788;
	s16 =	simm.s32 @p3 $0x1F80  }
0x24: {  	s15 =	ssub.s32 @!p1 s17, s15;
	s14 =	ssub.s32 @!p1 s16, s14  }
0x25: {  	s18 =	smov.u32 s12;
	s16 =	sadd.s32 @!p1 $0xFFFFF878, s15;
	s17 =	sadd.s32 @!p1 $0xFFFFE080, s14  }
0x26: {  	s15 =	ssub.s32 @!p1 $0x808, s15;
	p2 =	sgt.s32 @!p1 s16, $0x7F;
	p3 =	sgt.s32 @!p1 s17, $0x7F  }
0x27: {  	s14 =	ssub.s32 @!p1 $0x2000, s14;
	p2 =	por !p2, p1;
	p3 =	por !p3, p1  }
0x28: {  	s16 =	sadd.s32 $0x80, s11;
	s15 =	simm.s32 @!p2 $0x0;
	s14 =	simm.s32 @!p3 $0x0  }
0x29: {  	p2 =	sgt.s32 s16, $0x807;
	s14 =	smul.u32 @!p1 s14, s15;
	s15 =	sadd.s32 $0x1000, s12  }
0x2a: {  	s18 =	smov.u32 @p2 s15  }
0x2b: {  	s16 =	simm.s32 @p2 $0x0;
	p2 =	sgt.s32 s18, $0x1FFF  }
0x2c: {  	s18 =	smov.u32 @p2 s2;
	p2 =	sne.s32 s13, s7  }
.Ltmp1:
0x2d: {  	p0 =	por !p0, !p0;
	s17 =	simm.s32 @!p1 $0x2;
	(pc) =	sbr.rel @!p2 .LBB1_6-.Ltmp1, $4  }
0x2e: {  	s15 =	smov.u32 s9;
	s9 =	smov.u32 s11;
	s14 =	sand.u32 @!p1 $0x3FFFFFFF, s14  }
0x2f: {  	s11 =	smov.u32 s16;
	_ =	swait.ge @!p1 [sflag:s17], s14;
	s19 =	ssub.s32 @!p1 $0x0, s14  }
0x30: {  	s14 =	smov.u32 s10;
	s13 =	sadd.s32 $0x1, s13;
	[sflag:s17] =	ssyncset.done @!p1 $0x0  }
0x31: {  	s10 =	smov.u32 s12;
	s12 =	smov.u32 s18;
	[sflag:s17] =	ssyncadd.s32 @!p1 s19  }
.LBB1_1:
0x32: {  	p1 =	sge.u32 s13, s4  }
0x33: {  	s16 =	sshrl.u32 @!p1 s12, $0x3  }
0x34: {  	s17 =	sshll.u32 @!p1 s11, $0x3;
	s16 =	smul.u32 @!p1 $0x4400, s16  }
0x35: {  	s18 =	sshll.u32 @!p1 s12, $0x7;
	s17 =	sand.u32 @!p1 $0xFFFFFC00, s17  }
0x36: {  	s16 =	sadd.s32 @!p1 s16, s17;
	s17 =	sand.u32 @!p1 $0x380, s18  }
0x37: {  	s18 =	sand.u32 @!p1 $0x7F, s11;
	s16 =	sor.u32 @!p1 s17, s16  }
0x38: {  	s17 =	sor.u32 @!p1 s18, s16  }
0x39: {  	s18 =	smulhi.u32 @!p1 $0xF0F0F0F1, s17;
	_ =	sdelay $0x1  }
0x3a: {  	s16 =	smulhi.u32 @!p1 $0xF0F0F0F1, s16;
	s18 =	sshrl.u32 @!p1 s18, $0xB  }
0x3b: {  	s18 =	smul.u32 @!p1 $0x880, s18  }
0x3c: {  	s31 =	sadd.s32 $0xFFFFFFFF, s13;
	s19 =	sxor.u32 @!p1 $0xFFFFFFFF, s13;
	s16 =	sshrl.u32 @!p1 s16, $0xB  }
0x3d: {  	s19 =	sshll.u32 @!p1 s19, $0xE;
	s16 =	sand.u32 @!p1 $0x1FFF, s16;
	s17 =	ssub.s32 @!p1 s17, s18  }
0x3e: {  	s16 =	smul.u32 @!p1 $0x110, s16;
	s18 =	sshrl.u32 @!p1 s17, $0x3;
	s17 =	sand.u32 @!p1 $0x7, s17  }
0x3f: {  	s19 =	sand.u32 @!p1 $0x4000, s19;
	s18 =	sadd.s32 @!p1 s5, s18;
	s17 =	sshll.u32 @!p1 s17, $0x12  }
0x40: {  	s16 =	sadd.s32 @!p1 s16, s18;
	s17 =	sor.u32 @!p1 $0x400, s17;
	s18 =	simm.s32 @!p1 $0x4400  }
0x41: {  	[tilespmem:s19], [sflag:$0x1] =	stream.strided.gather @!p1 [hbm4b:s16+s17], $0x4000, s18, s17, $0x38;
	[tilespmem:$0x10100] =	vst v63  }
0x42: {  	p1 =	sge.u32 s31, s4  }
.Ltmp2:
0x43: {  	_ = 	snop;
	(pc) =	sbr.rel @p1 .LBB1_5-.Ltmp2, $1  }
0x44: {  	_ =	sdelay $0x3  }
0x45: {  	s16 =	simm.s32 $0x1  }
0x46: {  	_ =	swait.ge [sflag:s3], $0x4000;
	s16 =	simm.s32 @!p0 $0x0  }
0x47: {  	[sflag:s3] =	ssyncset.done $0x0;
	s17 =	sshll.u32 s16, $0xE  }
0x48: {  	[sflag:s3] =	ssyncadd.s32 $0xFFFFC000;
	s17 =	sor.u32 $0x40, s17  }
0x49: {  	s16 =	smul.u32 $0x10200, s16;
	v0 =	vld [tilespmem:s17+$0x30]  }
0x4a: {  	v1 =	vld [tilespmem:s17+$0xFFFFFFD0]  }
0x4b: {  	s16 =	sshrl.u32 s16, $0x2;
	v5 =	vld [tilespmem:s17+$0xFFFFFFE0]  }
0x4c: {  	v6 =	vld [tilespmem:s17+$0xFFFFFFF0];
	s19 =	sor.u32 $0x8000, s16  }
0x4d: {  	s31 =	sand.u32 $0x1, s13;
	v4 =	vld [tilespmem:s17+$0x0];
	s18 =	sadd.s32 $0x0, s19  }
0x4e: {  	v3 =	vld [tilespmem:s17+$0x10];
	s16 =	smul.u32 $0x10200, s31;
	[tilespmem:s18+$0x3870 ss:$0x81] =	vst.msk $0xffff, v0  }
0x4f: {  	v2 =	vld [tilespmem:s17+$0x20];
	[tilespmem:s18+$0x810 ss:$0x81] =	vst.msk $0xffff, v1  }
0x50: {  	s16 =	sshrl.u32 s16, $0x2;
	v1 =	vld [tilespmem:s17+$0xFFFFFFC0];
	[tilespmem:s18+$0x1020 ss:$0x81] =	vst.msk $0xffff, v5;
	s17 =	sadd.s32 $0x80, s17  }
0x51: {  	s20 =	simm.s32 $0x4;
	s21 =	simm.s32 $0x8;
	s16 =	sor.u32 $0x8000, s16;
	[tilespmem:s18+$0x1830 ss:$0x81] =	vst.msk $0xffff, v6;
	v0 =	vld [tilespmem:s17+$0x30]  }
.LBB1_3:
0x52: {  	p1 =	sne.s32 s21, $0x1FC;
	v5 =	vld [tilespmem:s17+$0xFFFFFFD0];
	[tilespmem:s18+$0x2040 ss:$0x81] =	vst.msk $0xffff, v4  }
0x53: {  	v6 =	vld [tilespmem:s17+$0xFFFFFFE0];
	[tilespmem:s18+$0x2850 ss:$0x81] =	vst.msk $0xffff, v3  }
0x54: {  	s22 =	sshra.s32 s20, $0x2;
	s20 =	smov.u32 s21;
	v7 =	vld [tilespmem:s17+$0xFFFFFFF0];
	[tilespmem:s18+$0x3060 ss:$0x81] =	vst.msk $0xffff, v2  }
.Ltmp3:
0x55: {  	v4 =	vld [tilespmem:s17+$0x0];
	[tilespmem:s18+$0x0 ss:$0x81] =	vst.msk $0xffff, v1;
	s18 =	sadd.s32 s22, s19;
	(pc) =	sbr.rel @p1 .LBB1_3-.Ltmp3, $4  }
0x56: {  	v3 =	vld [tilespmem:s17+$0x10];
	[tilespmem:s18+$0x3870 ss:$0x81] =	vst.msk $0xffff, v0  }
0x57: {  	[tilespmem:s18+$0x810 ss:$0x81] =	vst.msk $0xffff, v5;
	v2 =	vld [tilespmem:s17+$0x20]  }
0x58: {  	v1 =	vld [tilespmem:s17+$0xFFFFFFC0];
	[tilespmem:s18+$0x1020 ss:$0x81] =	vst.msk $0xffff, v6;
	s17 =	sadd.s32 $0x80, s17  }
0x59: {  	s21 =	sadd.s32 $0x4, s21;
	v0 =	vld [tilespmem:s17+$0x30];
	[tilespmem:s18+$0x1830 ss:$0x81] =	vst.msk $0xffff, v7  }
.Ltmp4:
0x5a: {  	_ = 	snop;
	(pc) =	sbr.rel .LBB1_4-.Ltmp4, $1  }
0x5b: {  	_ =	sdelay $0x3  }
.LBB1_6:
0x5c: {  	_ =	sfence.sel $0x180000  }
0x5d: {  	s2 =	simm.s32 $0x1;
	[bflag:$0x0] =	sbarrier.arrive $0xFFFF  }
0x5e: {  	s31 =	simm.s32 $0x2;
	[sflag:s2] =	ssyncpa.u1 $0x1  }
0x5f: {  	[sflag:s31] =	ssyncpa.u1 $0x1  }
0x60: {  	p0 =	sne.s32 s0, $0x0;
	_ =	strace $0x9000004D  }
0x61: {  	s0 =	sadd.s32 @!p0 $0x100000, s1;
	[bflag:$0x2] =	sbarrier.arrive $0xFFFF  }
0x62: {  	[sflag:s0] =	ssyncadd.tile.s32 @!p0 $0x1;
	_ =	shalt  }
.Lfunc_end1:
_tile_overlayer_lowered:
.L_overlay_start_2:
0x63: {  	(tag) =	ssettag $0x2  }
0x64: {  	s0 =	rddreg [dreg:$0x0];
	s2 =	stileid.u32  }
0x65: {  	s1 =	rddreg [dreg:$0x1];
	p0 =	sne.s32 s2, $0x0  }
0x66: {  	s3 =	rddreg [dreg:$0x2];
	[bflag:$0x3] =	sbarrier.arrive $0xFFFF;
	s2 =	simm.s32 @!p0 $0x1C01  }
0x67: {  	[timem:s3], [sflag:s2] =	dma.local @!p0 [hbm:s0], s1  }
0x68: {  	s0 =	simm.s32 @!p0 $0x1  }
0x69: {  	_ =	swait.ge @!p0 [sflag:s0], s1  }
0x6a: {  	s1 =	ssub.s32 @!p0 $0x0, s1;
	[sflag:s0] =	ssyncset.done @!p0 $0x0  }
0x6b: {  	[sflag:s0] =	ssyncadd.s32 @!p0 s1  }
0x6c: {  	[bflag:$0x3] =	sbarrier.arrive $0xFFFF  }
0x6d: {  	_ =	shalt  }

</sc_bundles>
